<compile_context>
chip_gen: v7x
topology: tpu7x:2x2x1
jax: 0.10.2.dev20260603
libtpu: 0.0.44.dev20260713+nightly
codegen_flags: <defaults>
</compile_context>

<pallas_src>
import functools

import numpy as np

import jax
import jax.numpy as jnp
from jax import lax
from jax.experimental import pallas as pl
from jax.experimental.pallas import tpu as pltpu
from jax.experimental.pallas import tpu_sc as plsc

N = 10000
E = 320000
D = 128
H = 128
C = 40

NC = 2
NS = 16
LANE = 128

NPAD = 10240
ROWS_PER_TILE = NPAD // NS
NBUF = 2
CHK = 32
ER = 160
EPAD = NS * ER * LANE

@functools.cache
def _mesh():
    return plsc.VectorSubcoreMesh(
        core_axis_name="c", subcore_axis_name="s",
        num_cores=NC, num_subcores=NS)


def _zero_vec_ref(ref, n):
    def body(i, _):
        ref[pl.ds(i * 16, 16)] = jnp.zeros((16,), jnp.float32)
        return _
    lax.fori_loop(0, n // 16, body, None)


def _zero_rows_ref(ref):
    def body(k, _):
        i = k // (D // 16)
        l = k % (D // 16)
        ref[i, pl.ds(l * 16, 16)] = jnp.zeros((16,), jnp.float32)
        return _
    lax.fori_loop(0, LANE * (D // 16), body, None)


@functools.cache
def _deg_kernel():
    return pl.kernel(
        _deg,
        out_type=[jax.ShapeDtypeStruct((NPAD,), jnp.float32)] * 4,
        mesh=_mesh(),
        scratch_types=[
            pltpu.VMEM((ER, LANE), jnp.int32),
            pltpu.VMEM((ER, LANE), jnp.int32),
            pltpu.VMEM((LANE,), jnp.float32),
            pltpu.VMEM((ROWS_PER_TILE,), jnp.float32),
            pltpu.VMEM_SHARED((NPAD,), jnp.float32),
            pltpu.VMEM_SHARED((NPAD,), jnp.float32),
            pltpu.SemaphoreType.DMA,
        ],
    )


def _deg(src1, dst1, src2, dst2, do1, di1, do2, di2,
         sidx_v, didx_v, ones_v, stage_v, acc_s, acc_d, sem):
    cid = lax.axis_index("c")
    sid = lax.axis_index("s")

    def setup(i, _):
        ones_v[pl.ds(i * 16, 16)] = jnp.ones((16,), jnp.float32)
        return _
    lax.fori_loop(0, LANE // 16, setup, None)
    _zero_vec_ref(stage_v, ROWS_PER_TILE)
    base = sid * ROWS_PER_TILE
    pltpu.sync_copy(stage_v, acc_s.at[pl.ds(base, ROWS_PER_TILE)])
    pltpu.sync_copy(stage_v, acc_d.at[pl.ds(base, ROWS_PER_TILE)])
    plsc.subcore_barrier()

    def count(src3, dst3, out_s, out_d):
        pltpu.sync_copy(src3.at[sid], sidx_v)
        pltpu.sync_copy(dst3.at[sid], didx_v)

        def body(j, _):
            pltpu.async_copy(ones_v, acc_s.at[sidx_v.at[j]], sem, add=True)
            pltpu.async_copy(ones_v, acc_d.at[didx_v.at[j]], sem, add=True)
            return _
        lax.fori_loop(0, ER, body, None)

        def drain(j, _):
            pltpu.make_async_copy(
                ones_v, acc_s.at[sidx_v.at[0]], sem).wait()
            pltpu.make_async_copy(
                ones_v, acc_d.at[didx_v.at[0]], sem).wait()
            return _
        lax.fori_loop(0, ER, drain, None)
        plsc.subcore_barrier()
        pltpu.sync_copy(acc_s.at[pl.ds(base, ROWS_PER_TILE)], stage_v)
        pltpu.sync_copy(stage_v, out_s.at[pl.ds(base, ROWS_PER_TILE)])
        pltpu.sync_copy(acc_d.at[pl.ds(base, ROWS_PER_TILE)], stage_v)
        pltpu.sync_copy(stage_v, out_d.at[pl.ds(base, ROWS_PER_TILE)])

    @pl.when(cid == 0)
    def _():
        count(src1, dst1, do1, di1)

    @pl.when(cid == 1)
    def _():
        count(src2, dst2, do2, di2)


@functools.cache
def _agg_kernel():
    return pl.kernel(
        _agg,
        out_type=[jax.ShapeDtypeStruct((NPAD, D), jnp.float32)] * 2,
        mesh=_mesh(),
        scratch_types=[
            pltpu.VMEM((CHK, LANE), jnp.int32),
            pltpu.VMEM((CHK, LANE), jnp.int32),
            pltpu.VMEM((NBUF, LANE, D), jnp.float32),
            pltpu.VMEM_SHARED((NPAD, D), jnp.float32),
        ] + [pltpu.SemaphoreType.DMA] * NBUF,
    )


def _agg(x1, x2, src1, dst1, src2, dst2, out1, out2,
         sidx_v, didx_v, rows_v, acc, *sems):
    cid = lax.axis_index("c")
    sid = lax.axis_index("s")

    _zero_rows_ref(rows_v.at[0])
    base = sid * ROWS_PER_TILE
    for chunk in range(ROWS_PER_TILE // LANE):
        pltpu.sync_copy(rows_v.at[0], acc.at[pl.ds(base + chunk * LANE, LANE)])
    plsc.subcore_barrier()

    def run(x_ref, src3, dst3, out_ref):
        def gather_start(j, b):
            pltpu.async_copy(x_ref.at[sidx_v.at[j]], rows_v.at[b], sems[b])

        def gather_wait(b):
            pltpu.make_async_copy(
                x_ref.at[sidx_v.at[0]], rows_v.at[b], sems[b]).wait()

        def scatter(j, b):
            pltpu.sync_copy(rows_v.at[b], acc.at[didx_v.at[j]], add=True)

        def chunk_body(c, _):
            pltpu.sync_copy(src3.at[sid, pl.ds(c * CHK, CHK)], sidx_v)
            pltpu.sync_copy(dst3.at[sid, pl.ds(c * CHK, CHK)], didx_v)
            for b in range(NBUF - 1):
                gather_start(b, b)

            def body(k, _):
                j0 = k * NBUF
                for b in range(NBUF):
                    nxt = j0 + b + NBUF - 1

                    @pl.when(nxt < CHK)
                    def _():
                        gather_start(nxt, (b + NBUF - 1) % NBUF)

                    gather_wait(b)
                    scatter(j0 + b, b)
                return _
            lax.fori_loop(0, CHK // NBUF, body, None)
            return _
        lax.fori_loop(0, ER // CHK, chunk_body, None)
        plsc.subcore_barrier()
        for chunk in range(ROWS_PER_TILE // LANE):
            o = base + chunk * LANE
            pltpu.sync_copy(acc.at[pl.ds(o, LANE)], rows_v.at[0])
            pltpu.sync_copy(rows_v.at[0], out_ref.at[pl.ds(o, LANE)])

    @pl.when(cid == 0)
    def _():
        run(x1, src1, dst1, out1)

    @pl.when(cid == 1)
    def _():
        run(x2, src2, dst2, out2)


def _scale_body(x_ref, d1_ref, d2_ref, o1_ref, o2_ref):
    x = x_ref[...]
    o1_ref[...] = x * lax.rsqrt(jnp.maximum(d1_ref[...], 1.0))
    o2_ref[...] = x * lax.rsqrt(jnp.maximum(d2_ref[...], 1.0))


def _scale(x_pad, do1, do2):
    blk = 1024
    grid = NPAD // blk
    return pl.pallas_call(
        _scale_body,
        grid=(grid,),
        in_specs=[
            pl.BlockSpec((blk, D), lambda i: (i, 0)),
            pl.BlockSpec((blk, 1), lambda i: (i, 0)),
            pl.BlockSpec((blk, 1), lambda i: (i, 0)),
        ],
        out_specs=[
            pl.BlockSpec((blk, D), lambda i: (i, 0)),
            pl.BlockSpec((blk, D), lambda i: (i, 0)),
        ],
        out_shape=[jax.ShapeDtypeStruct((NPAD, D), jnp.float32)] * 2,
    )(x_pad, do1, do2)


def _head_body(a1_ref, a2_ref, d1_ref, d2_ref, w1_ref, b1_ref, w2_ref,
               b2_ref, wo1_ref, wo2_ref, bo_ref, o_ref):
    n1 = lax.rsqrt(jnp.maximum(d1_ref[...], 1.0))
    n2 = lax.rsqrt(jnp.maximum(d2_ref[...], 1.0))
    h1 = jnp.dot(a1_ref[...] * n1, w1_ref[...],
                 preferred_element_type=jnp.float32) + b1_ref[...]
    h2 = jnp.dot(a2_ref[...] * n2, w2_ref[...],
                 preferred_element_type=jnp.float32) + b2_ref[...]
    h1 = jnp.maximum(h1, 0.0)
    h2 = jnp.maximum(h2, 0.0)
    l = (jnp.dot(h1, wo1_ref[...], preferred_element_type=jnp.float32)
         + jnp.dot(h2, wo2_ref[...], preferred_element_type=jnp.float32)
         + bo_ref[...])
    m = jnp.max(l, axis=1, keepdims=True)
    e = jnp.exp(l - m)
    o_ref[...] = l - m - jnp.log(jnp.sum(e, axis=1, keepdims=True))


def _head(agg1, agg2, di1, di2, W1, b1, W2, b2, Wout, bout):
    blk = 1000
    grid = N // blk
    full = lambda shape: pl.BlockSpec(shape, lambda i: tuple(0 for _ in shape))
    return pl.pallas_call(
        _head_body,
        grid=(grid,),
        in_specs=[
            pl.BlockSpec((blk, D), lambda i: (i, 0)),
            pl.BlockSpec((blk, D), lambda i: (i, 0)),
            pl.BlockSpec((blk, 1), lambda i: (i, 0)),
            pl.BlockSpec((blk, 1), lambda i: (i, 0)),
            full((D, H)),
            full((1, H)),
            full((D, H)),
            full((1, H)),
            full((H, C)),
            full((H, C)),
            full((1, C)),
        ],
        out_specs=pl.BlockSpec((blk, C), lambda i: (i, 0)),
        out_shape=jax.ShapeDtypeStruct((N, C), jnp.float32),
    )(agg1, agg2, di1, di2, W1, b1.reshape(1, H), W2, b2.reshape(1, H),
      Wout[:H], Wout[H:], bout.reshape(1, C))


_PAD_FILL = np.asarray(
    N + np.arange(EPAD - E, dtype=np.int32) % (NPAD - N), np.int32)


def _pad_edges(g):
    src = jnp.concatenate([g[0], jnp.asarray(_PAD_FILL)])
    dst = jnp.concatenate([g[1], jnp.asarray(_PAD_FILL)])
    return src.reshape(NS, ER, LANE), dst.reshape(NS, ER, LANE)


def kernel(x, g1, g2, W1, b1, W2, b2, Wout, bout):
    src1, dst1 = _pad_edges(g1)
    src2, dst2 = _pad_edges(g2)
    x_pad = jnp.pad(x, ((0, NPAD - N), (0, 0)))

    do1, di1, do2, di2 = _deg_kernel()(src1, dst1, src2, dst2)
    do1 = do1.reshape(NPAD, 1)
    di1 = di1.reshape(NPAD, 1)
    do2 = do2.reshape(NPAD, 1)
    di2 = di2.reshape(NPAD, 1)

    x1p, x2p = _scale(x_pad, do1, do2)
    agg1, agg2 = _agg_kernel()(x1p, x2p, src1, dst1, src2, dst2)
    return _head(agg1, agg2, di1, di2, W1, b1, W2, b2, Wout, bout)

# --- scband reference (transcript-rebuilt; emitter-appended) ---
"""Pipeline reference for scband-multi-gcn-34643206210129 (READ-ONLY COPY).

The authoritative reference and input builder live on the scoring server;
editing this copy changes nothing except your own understanding.
"""

import jax, jax.numpy as jnp
import numpy as np

N = 10000
E = 320000
D = 128
H = 128
C = 40


def setup_inputs(seed: int = 0) -> dict:
    key = jax.random.key(seed)
    ks = jax.random.split(key, 10)
    x = jax.random.normal(ks[0], (N, D), dtype=jnp.float32)
    g1 = jax.random.randint(ks[1], (2, E), 0, N, dtype=jnp.int32)
    g2 = jax.random.randint(ks[2], (2, E), 0, N, dtype=jnp.int32)
    W1 = jax.random.normal(ks[3], (D, H), dtype=jnp.float32) * (1.0 / np.sqrt(D))
    b1 = jnp.zeros((H,), dtype=jnp.float32)
    W2 = jax.random.normal(ks[4], (D, H), dtype=jnp.float32) * (1.0 / np.sqrt(D))
    b2 = jnp.zeros((H,), dtype=jnp.float32)
    Wout = jax.random.normal(ks[5], (2 * H, C), dtype=jnp.float32) * (1.0 / np.sqrt(2 * H))
    bout = jnp.zeros((C,), dtype=jnp.float32)
    return {"x": x, "g1": g1, "g2": g2, "W1": W1, "b1": b1, "W2": W2, "b2": b2, "Wout": Wout, "bout": bout}


def _graph_conv(edge_index, x, W, b):
    # DGL GraphConv with norm='both': h = D_dst^{-1/2} A D_src^{-1/2} (x W) + b
    src = edge_index[0]
    dst = edge_index[1]
    deg_out = jnp.bincount(src, length=N).astype(jnp.float32)
    deg_in = jnp.bincount(dst, length=N).astype(jnp.float32)
    norm_src = jax.lax.rsqrt(jnp.maximum(deg_out, 1.0))
    norm_dst = jax.lax.rsqrt(jnp.maximum(deg_in, 1.0))
    h = x * norm_src[:, None]
    h = h @ W
    msgs = jnp.take(h, src, axis=0)
    agg = jax.ops.segment_sum(msgs, dst, num_segments=N)
    return agg * norm_dst[:, None] + b


def reference(x, g1, g2, W1, b1, W2, b2, Wout, bout):
    # n_layers=2 -> hidden conv lists are empty; dropout is identity in eval mode
    h1 = jax.nn.relu(_graph_conv(g1, x, W1, b1))
    h2 = jax.nn.relu(_graph_conv(g2, x, W2, b2))
    h = jnp.concatenate([h1, h2], axis=1)
    h = h @ Wout + bout
    return jax.nn.log_softmax(h, axis=1)

if __name__ == "__main__":
    import jax
    _d = setup_inputs()
    print(jax.jit(kernel)(*tuple(_d.values())))

</pallas_src>

<mosaic_0001>
#map = affine_map<(d0, d1) -> (0, 0, 0)>
#map1 = affine_map<(d0, d1) -> (0)>
module attributes {stable_mosaic.version = 14 : i64} {
  func.func @_deg(%arg0: i32, %arg1: i32, %arg2: memref<16x160x128xi32, #tpu.memory_space<hbm>>, %arg3: memref<16x160x128xi32, #tpu.memory_space<hbm>>, %arg4: memref<16x160x128xi32, #tpu.memory_space<hbm>>, %arg5: memref<16x160x128xi32, #tpu.memory_space<hbm>>, %arg6: memref<10240xf32, #tpu.memory_space<hbm>>, %arg7: memref<10240xf32, #tpu.memory_space<hbm>>, %arg8: memref<10240xf32, #tpu.memory_space<hbm>>, %arg9: memref<10240xf32, #tpu.memory_space<hbm>>, %arg10: memref<160x128xi32, #tpu.memory_space<vmem>>, %arg11: memref<160x128xi32, #tpu.memory_space<vmem>>, %arg12: memref<128xf32, #tpu.memory_space<vmem>>, %arg13: memref<640xf32, #tpu.memory_space<vmem>>, %arg14: memref<10240xf32, #tpu.memory_space<vmem_shared>>, %arg15: memref<10240xf32, #tpu.memory_space<vmem_shared>>, %arg16: memref<!tpu.dma_semaphore, #tpu.memory_space<semaphore_mem>>) attributes {dimension_semantics = [#tpu.dimension_semantics<core_parallel>, #tpu.dimension_semantics<subcore_parallel>], iteration_bounds = array<i64: 2, 16>, scalar_prefetch = 0 : i64, scratch_operands = 7 : i64, tpu.core_type = #tpu.core_type<sc_vector_subcore>, window_params = [{transform_indices = #map}, {transform_indices = #map}, {transform_indices = #map}, {transform_indices = #map}, {transform_indices = #map1}, {transform_indices = #map1}, {transform_indices = #map1}, {transform_indices = #map1}]} {
    %scan3A = arith.constant 0 : i32
    %scan3A_0 = arith.constant 8 : i32
    %scan3A_1 = arith.addi %scan3A, %scan3A_0 : i32
    %scan3A_2 = arith.constant 1 : i32
    scf.for %scan3A_17 = %scan3A to %scan3A_1 step %scan3A_2  : i32 {
      %broadcast_in_dim3A = arith.constant 1.000000e+00 : f32
      %broadcast_in_dim3A_18 = vector.broadcast %broadcast_in_dim3A : f32 to vector<16xf32>
      %mul3A_19 = arith.constant 16 : i32
      %mul3A_20 = arith.muli %scan3A_17, %mul3A_19 : i32
      %swap3A = arith.index_cast %mul3A_20 : i32 to index
      %swap3A_21 = tpu.vector_load %arg12[%swap3A] {strides = array<i32>} : memref<128xf32, #tpu.memory_space<vmem>>, vector<16xf32>,
      %swap3A_22 = vector.shape_cast %swap3A_21 : vector<16xf32> to vector<16xf32>
      %swap3A_23 = vector.shape_cast %broadcast_in_dim3A_18 : vector<16xf32> to vector<16xf32>
      tpu.vector_store %arg12[%swap3A], %swap3A_23 {strides = array<i32>} : memref<128xf32, #tpu.memory_space<vmem>>, vector<16xf32>,
    }
    %scan3A_3 = arith.constant 8 : i32
    %scan3A_4 = arith.constant 0 : i32
    %scan3A_5 = arith.constant 40 : i32
    %scan3A_6 = arith.addi %scan3A_4, %scan3A_5 : i32
    %scan3A_7 = arith.constant 1 : i32
    scf.for %scan3A_17 = %scan3A_4 to %scan3A_6 step %scan3A_7  : i32 {
      %broadcast_in_dim3A = arith.constant 0.000000e+00 : f32
      %broadcast_in_dim3A_18 = vector.broadcast %broadcast_in_dim3A : f32 to vector<16xf32>
      %mul3A_19 = arith.constant 16 : i32
      %mul3A_20 = arith.muli %scan3A_17, %mul3A_19 : i32
      %swap3A = arith.index_cast %mul3A_20 : i32 to index
      %swap3A_21 = tpu.vector_load %arg13[%swap3A] {strides = array<i32>} : memref<640xf32, #tpu.memory_space<vmem>>, vector<16xf32>,
      %swap3A_22 = vector.shape_cast %swap3A_21 : vector<16xf32> to vector<16xf32>
      %swap3A_23 = vector.shape_cast %broadcast_in_dim3A_18 : vector<16xf32> to vector<16xf32>
      tpu.vector_store %arg13[%swap3A], %swap3A_23 {strides = array<i32>} : memref<640xf32, #tpu.memory_space<vmem>>, vector<16xf32>,
    }
    %scan3A_8 = arith.constant 40 : i32
    %mul3A = arith.constant 640 : i32
    %mul3A_9 = arith.muli %arg1, %mul3A : i32
    "tpu.region"() ({
      %run_scoped3A = tpu.sem_alloc : memref<!tpu.dma_semaphore, #tpu.memory_space<semaphore_mem>>
      %dma_start3A = tpu.memref_slice %arg14[%mul3A_9] : memref<10240xf32, #tpu.memory_space<vmem_shared>> -> memref<640xf32, #tpu.memory_space<vmem_shared>>
      %dma_start3A_17 = tpu.memref_slice %arg14[%mul3A_9] : memref<10240xf32, #tpu.memory_space<vmem_shared>> -> memref<640xf32, #tpu.memory_space<vmem_shared>>
      tpu.enqueue_dma source(%arg13 : memref<640xf32, #tpu.memory_space<vmem>>) target(%dma_start3A_17 : memref<640xf32, #tpu.memory_space<vmem_shared>>) target_semaphore(%run_scoped3A : memref<!tpu.dma_semaphore, #tpu.memory_space<semaphore_mem>>)
      %dma_wait3A = tpu.memref_slice %arg14[%mul3A_9] : memref<10240xf32, #tpu.memory_space<vmem_shared>> -> memref<640xf32, #tpu.memory_space<vmem_shared>>
      %dma_wait3A_18 = tpu.memref_slice %arg14[%mul3A_9] : memref<10240xf32, #tpu.memory_space<vmem_shared>> -> memref<640xf32, #tpu.memory_space<vmem_shared>>
      tpu.wait_dma2 semaphore(%run_scoped3A : memref<!tpu.dma_semaphore, #tpu.memory_space<semaphore_mem>>) src(%arg13 : memref<640xf32, #tpu.memory_space<vmem>>) dst(%dma_wait3A_18 : memref<640xf32, #tpu.memory_space<vmem_shared>>)
      tpu.yield
    }) : () -> ()
    "tpu.region"() ({
      %run_scoped3A = tpu.sem_alloc : memref<!tpu.dma_semaphore, #tpu.memory_space<semaphore_mem>>
      %dma_start3A = tpu.memref_slice %arg15[%mul3A_9] : memref<10240xf32, #tpu.memory_space<vmem_shared>> -> memref<640xf32, #tpu.memory_space<vmem_shared>>
      %dma_start3A_17 = tpu.memref_slice %arg15[%mul3A_9] : memref<10240xf32, #tpu.memory_space<vmem_shared>> -> memref<640xf32, #tpu.memory_space<vmem_shared>>
      tpu.enqueue_dma source(%arg13 : memref<640xf32, #tpu.memory_space<vmem>>) target(%dma_start3A_17 : memref<640xf32, #tpu.memory_space<vmem_shared>>) target_semaphore(%run_scoped3A : memref<!tpu.dma_semaphore, #tpu.memory_space<semaphore_mem>>)
      %dma_wait3A = tpu.memref_slice %arg15[%mul3A_9] : memref<10240xf32, #tpu.memory_space<vmem_shared>> -> memref<640xf32, #tpu.memory_space<vmem_shared>>
      %dma_wait3A_18 = tpu.memref_slice %arg15[%mul3A_9] : memref<10240xf32, #tpu.memory_space<vmem_shared>> -> memref<640xf32, #tpu.memory_space<vmem_shared>>
      tpu.wait_dma2 semaphore(%run_scoped3A : memref<!tpu.dma_semaphore, #tpu.memory_space<semaphore_mem>>) src(%arg13 : memref<640xf32, #tpu.memory_space<vmem>>) dst(%dma_wait3A_18 : memref<640xf32, #tpu.memory_space<vmem_shared>>)
      tpu.yield
    }) : () -> ()
    %barrier3A = arith.constant 0 : index
    tpu.barrier barrier_id(%barrier3A)
    %eq3A = arith.constant 0 : i32
    %eq3A_10 = arith.cmpi eq, %arg0, %eq3A : i32
    %convert_element_type3A = arith.extui %eq3A_10 : i1 to i32
    %cond3A = arith.constant 0 : i32
    %cond3A_11 = arith.cmpi ne, %convert_element_type3A, %cond3A : i32
    scf.if %cond3A_11 {
      "tpu.region"() ({
        %run_scoped3A = tpu.sem_alloc : memref<!tpu.dma_semaphore, #tpu.memory_space<semaphore_mem>>
        %dma_start3A = arith.constant 0 : i32
        %dma_start3A_28 = arith.constant 0 : i32
        %dma_start3A_29 = tpu.memref_slice %arg2[%arg1, %dma_start3A, %dma_start3A_28] : memref<16x160x128xi32, #tpu.memory_space<hbm>> -> memref<1x160x128xi32, #tpu.memory_space<hbm>>
        %dma_start3A_30 = tpu.memref_squeeze %dma_start3A_29 : memref<1x160x128xi32, #tpu.memory_space<hbm>> -> memref<160x128xi32, #tpu.memory_space<hbm>>
        %dma_start3A_31 = arith.constant 0 : i32
        %dma_start3A_32 = arith.constant 0 : i32
        %dma_start3A_33 = tpu.memref_slice %arg2[%arg1, %dma_start3A_31, %dma_start3A_32] : memref<16x160x128xi32, #tpu.memory_space<hbm>> -> memref<1x160x128xi32, #tpu.memory_space<hbm>>
        %dma_start3A_34 = tpu.memref_squeeze %dma_start3A_33 : memref<1x160x128xi32, #tpu.memory_space<hbm>> -> memref<160x128xi32, #tpu.memory_space<hbm>>
        tpu.enqueue_dma source(%dma_start3A_34 : memref<160x128xi32, #tpu.memory_space<hbm>>) target(%arg10 : memref<160x128xi32, #tpu.memory_space<vmem>>) target_semaphore(%run_scoped3A : memref<!tpu.dma_semaphore, #tpu.memory_space<semaphore_mem>>)
        %dma_wait3A = arith.constant 0 : i32
        %dma_wait3A_35 = arith.constant 0 : i32
        %dma_wait3A_36 = tpu.memref_slice %arg2[%arg1, %dma_wait3A, %dma_wait3A_35] : memref<16x160x128xi32, #tpu.memory_space<hbm>> -> memref<1x160x128xi32, #tpu.memory_space<hbm>>
        %dma_wait3A_37 = tpu.memref_squeeze %dma_wait3A_36 : memref<1x160x128xi32, #tpu.memory_space<hbm>> -> memref<160x128xi32, #tpu.memory_space<hbm>>
        %dma_wait3A_38 = arith.constant 0 : i32
        %dma_wait3A_39 = arith.constant 0 : i32
        %dma_wait3A_40 = tpu.memref_slice %arg2[%arg1, %dma_wait3A_38, %dma_wait3A_39] : memref<16x160x128xi32, #tpu.memory_space<hbm>> -> memref<1x160x128xi32, #tpu.memory_space<hbm>>
        %dma_wait3A_41 = tpu.memref_squeeze %dma_wait3A_40 : memref<1x160x128xi32, #tpu.memory_space<hbm>> -> memref<160x128xi32, #tpu.memory_space<hbm>>
        tpu.wait_dma2 semaphore(%run_scoped3A : memref<!tpu.dma_semaphore, #tpu.memory_space<semaphore_mem>>) src(%dma_wait3A_41 : memref<160x128xi32, #tpu.memory_space<hbm>>) dst(%arg10 : memref<160x128xi32, #tpu.memory_space<vmem>>)
        tpu.yield
      }) : () -> ()
      "tpu.region"() ({
        %run_scoped3A = tpu.sem_alloc : memref<!tpu.dma_semaphore, #tpu.memory_space<semaphore_mem>>
        %dma_start3A = arith.constant 0 : i32
        %dma_start3A_28 = arith.constant 0 : i32
        %dma_start3A_29 = tpu.memref_slice %arg3[%arg1, %dma_start3A, %dma_start3A_28] : memref<16x160x128xi32, #tpu.memory_space<hbm>> -> memref<1x160x128xi32, #tpu.memory_space<hbm>>
        %dma_start3A_30 = tpu.memref_squeeze %dma_start3A_29 : memref<1x160x128xi32, #tpu.memory_space<hbm>> -> memref<160x128xi32, #tpu.memory_space<hbm>>
        %dma_start3A_31 = arith.constant 0 : i32
        %dma_start3A_32 = arith.constant 0 : i32
        %dma_start3A_33 = tpu.memref_slice %arg3[%arg1, %dma_start3A_31, %dma_start3A_32] : memref<16x160x128xi32, #tpu.memory_space<hbm>> -> memref<1x160x128xi32, #tpu.memory_space<hbm>>
        %dma_start3A_34 = tpu.memref_squeeze %dma_start3A_33 : memref<1x160x128xi32, #tpu.memory_space<hbm>> -> memref<160x128xi32, #tpu.memory_space<hbm>>
        tpu.enqueue_dma source(%dma_start3A_34 : memref<160x128xi32, #tpu.memory_space<hbm>>) target(%arg11 : memref<160x128xi32, #tpu.memory_space<vmem>>) target_semaphore(%run_scoped3A : memref<!tpu.dma_semaphore, #tpu.memory_space<semaphore_mem>>)
        %dma_wait3A = arith.constant 0 : i32
        %dma_wait3A_35 = arith.constant 0 : i32
        %dma_wait3A_36 = tpu.memref_slice %arg3[%arg1, %dma_wait3A, %dma_wait3A_35] : memref<16x160x128xi32, #tpu.memory_space<hbm>> -> memref<1x160x128xi32, #tpu.memory_space<hbm>>
        %dma_wait3A_37 = tpu.memref_squeeze %dma_wait3A_36 : memref<1x160x128xi32, #tpu.memory_space<hbm>> -> memref<160x128xi32, #tpu.memory_space<hbm>>
        %dma_wait3A_38 = arith.constant 0 : i32
        %dma_wait3A_39 = arith.constant 0 : i32
        %dma_wait3A_40 = tpu.memref_slice %arg3[%arg1, %dma_wait3A_38, %dma_wait3A_39] : memref<16x160x128xi32, #tpu.memory_space<hbm>> -> memref<1x160x128xi32, #tpu.memory_space<hbm>>
        %dma_wait3A_41 = tpu.memref_squeeze %dma_wait3A_40 : memref<1x160x128xi32, #tpu.memory_space<hbm>> -> memref<160x128xi32, #tpu.memory_space<hbm>>
        tpu.wait_dma2 semaphore(%run_scoped3A : memref<!tpu.dma_semaphore, #tpu.memory_space<semaphore_mem>>) src(%dma_wait3A_41 : memref<160x128xi32, #tpu.memory_space<hbm>>) dst(%arg11 : memref<160x128xi32, #tpu.memory_space<vmem>>)
        tpu.yield
      }) : () -> ()
      %scan3A_17 = arith.constant 0 : i32
      %scan3A_18 = arith.constant 160 : i32
      %scan3A_19 = arith.addi %scan3A_17, %scan3A_18 : i32
      %scan3A_20 = arith.constant 1 : i32
      scf.for %scan3A_28 = %scan3A_17 to %scan3A_19 step %scan3A_20  : i32 {
        %dma_start3A = arith.constant 0 : i32
        %dma_start3A_29 = tpu.memref_slice %arg10[%scan3A_28, %dma_start3A] : memref<160x128xi32, #tpu.memory_space<vmem>> -> memref<1x128xi32, #tpu.memory_space<vmem>>
        %dma_start3A_30 = tpu.memref_squeeze %dma_start3A_29 : memref<1x128xi32, #tpu.memory_space<vmem>> -> memref<128xi32, #tpu.memory_space<vmem>>
        %dma_start3A_31 = arith.constant 0 : i32
        %dma_start3A_32 = tpu.memref_slice %arg14[%dma_start3A_31] : memref<10240xf32, #tpu.memory_space<vmem_shared>> -> memref<10240xf32, #tpu.memory_space<vmem_shared>>
        tpu.enqueue_indirect_dma source(%arg12 : memref<128xf32, #tpu.memory_space<vmem>>) target(%dma_start3A_32 : memref<10240xf32, #tpu.memory_space<vmem_shared>>) offsets(%dma_start3A_30 : memref<128xi32, #tpu.memory_space<vmem>>) semaphore(%arg16 : memref<!tpu.dma_semaphore, #tpu.memory_space<semaphore_mem>>) {add = true}
        %dma_start3A_33 = arith.constant 0 : i32
        %dma_start3A_34 = tpu.memref_slice %arg11[%scan3A_28, %dma_start3A_33] : memref<160x128xi32, #tpu.memory_space<vmem>> -> memref<1x128xi32, #tpu.memory_space<vmem>>
        %dma_start3A_35 = tpu.memref_squeeze %dma_start3A_34 : memref<1x128xi32, #tpu.memory_space<vmem>> -> memref<128xi32, #tpu.memory_space<vmem>>
        %dma_start3A_36 = arith.constant 0 : i32
        %dma_start3A_37 = tpu.memref_slice %arg15[%dma_start3A_36] : memref<10240xf32, #tpu.memory_space<vmem_shared>> -> memref<10240xf32, #tpu.memory_space<vmem_shared>>
        tpu.enqueue_indirect_dma source(%arg12 : memref<128xf32, #tpu.memory_space<vmem>>) target(%dma_start3A_37 : memref<10240xf32, #tpu.memory_space<vmem_shared>>) offsets(%dma_start3A_35 : memref<128xi32, #tpu.memory_space<vmem>>) semaphore(%arg16 : memref<!tpu.dma_semaphore, #tpu.memory_space<semaphore_mem>>) {add = true}
      }
      %scan3A_21 = arith.constant 160 : i32
      %scan3A_22 = arith.constant 0 : i32
      %scan3A_23 = arith.constant 160 : i32
      %scan3A_24 = arith.addi %scan3A_22, %scan3A_23 : i32
      %scan3A_25 = arith.constant 1 : i32
      scf.for %scan3A_28 = %scan3A_22 to %scan3A_24 step %scan3A_25  : i32 {
        %dma_wait3A = arith.constant 0 : i32
        %dma_wait3A_29 = arith.constant 0 : i32
        %dma_wait3A_30 = tpu.memref_slice %arg10[%dma_wait3A, %dma_wait3A_29] : memref<160x128xi32, #tpu.memory_space<vmem>> -> memref<1x128xi32, #tpu.memory_space<vmem>>
        %dma_wait3A_31 = tpu.memref_squeeze %dma_wait3A_30 : memref<1x128xi32, #tpu.memory_space<vmem>> -> memref<128xi32, #tpu.memory_space<vmem>>
        %dma_wait3A_32 = arith.constant 0 : i32
        %dma_wait3A_33 = tpu.memref_slice %arg14[%dma_wait3A_32] : memref<10240xf32, #tpu.memory_space<vmem_shared>> -> memref<10240xf32, #tpu.memory_space<vmem_shared>>
        tpu.wait_indirect_dma semaphore(%arg16 : memref<!tpu.dma_semaphore, #tpu.memory_space<semaphore_mem>>) src(%arg12 : memref<128xf32, #tpu.memory_space<vmem>>) dst(%dma_wait3A_33 : memref<10240xf32, #tpu.memory_space<vmem_shared>>)
        %dma_wait3A_34 = arith.constant 0 : i32
        %dma_wait3A_35 = arith.constant 0 : i32
        %dma_wait3A_36 = tpu.memref_slice %arg11[%dma_wait3A_34, %dma_wait3A_35] : memref<160x128xi32, #tpu.memory_space<vmem>> -> memref<1x128xi32, #tpu.memory_space<vmem>>
        %dma_wait3A_37 = tpu.memref_squeeze %dma_wait3A_36 : memref<1x128xi32, #tpu.memory_space<vmem>> -> memref<128xi32, #tpu.memory_space<vmem>>
        %dma_wait3A_38 = arith.constant 0 : i32
        %dma_wait3A_39 = tpu.memref_slice %arg15[%dma_wait3A_38] : memref<10240xf32, #tpu.memory_space<vmem_shared>> -> memref<10240xf32, #tpu.memory_space<vmem_shared>>
        tpu.wait_indirect_dma semaphore(%arg16 : memref<!tpu.dma_semaphore, #tpu.memory_space<semaphore_mem>>) src(%arg12 : memref<128xf32, #tpu.memory_space<vmem>>) dst(%dma_wait3A_39 : memref<10240xf32, #tpu.memory_space<vmem_shared>>)
      }
      %scan3A_26 = arith.constant 160 : i32
      %barrier3A_27 = arith.constant 0 : index
      tpu.barrier barrier_id(%barrier3A_27)
      "tpu.region"() ({
        %run_scoped3A = tpu.sem_alloc : memref<!tpu.dma_semaphore, #tpu.memory_space<semaphore_mem>>
        %dma_start3A = tpu.memref_slice %arg14[%mul3A_9] : memref<10240xf32, #tpu.memory_space<vmem_shared>> -> memref<640xf32, #tpu.memory_space<vmem_shared>>
        %dma_start3A_28 = tpu.memref_slice %arg14[%mul3A_9] : memref<10240xf32, #tpu.memory_space<vmem_shared>> -> memref<640xf32, #tpu.memory_space<vmem_shared>>
        tpu.enqueue_dma source(%dma_start3A_28 : memref<640xf32, #tpu.memory_space<vmem_shared>>) target(%arg13 : memref<640xf32, #tpu.memory_space<vmem>>) target_semaphore(%run_scoped3A : memref<!tpu.dma_semaphore, #tpu.memory_space<semaphore_mem>>)
        %dma_wait3A = tpu.memref_slice %arg14[%mul3A_9] : memref<10240xf32, #tpu.memory_space<vmem_shared>> -> memref<640xf32, #tpu.memory_space<vmem_shared>>
        %dma_wait3A_29 = tpu.memref_slice %arg14[%mul3A_9] : memref<10240xf32, #tpu.memory_space<vmem_shared>> -> memref<640xf32, #tpu.memory_space<vmem_shared>>
        tpu.wait_dma2 semaphore(%run_scoped3A : memref<!tpu.dma_semaphore, #tpu.memory_space<semaphore_mem>>) src(%dma_wait3A_29 : memref<640xf32, #tpu.memory_space<vmem_shared>>) dst(%arg13 : memref<640xf32, #tpu.memory_space<vmem>>)
        tpu.yield
      }) : () -> ()
      "tpu.region"() ({
        %run_scoped3A = tpu.sem_alloc : memref<!tpu.dma_semaphore, #tpu.memory_space<semaphore_mem>>
        %dma_start3A = tpu.memref_slice %arg6[%mul3A_9] : memref<10240xf32, #tpu.memory_space<hbm>> -> memref<640xf32, #tpu.memory_space<hbm>>
        %dma_start3A_28 = tpu.memref_slice %arg6[%mul3A_9] : memref<10240xf32, #tpu.memory_space<hbm>> -> memref<640xf32, #tpu.memory_space<hbm>>
        tpu.enqueue_dma source(%arg13 : memref<640xf32, #tpu.memory_space<vmem>>) target(%dma_start3A_28 : memref<640xf32, #tpu.memory_space<hbm>>) target_semaphore(%run_scoped3A : memref<!tpu.dma_semaphore, #tpu.memory_space<semaphore_mem>>)
        %dma_wait3A = tpu.memref_slice %arg6[%mul3A_9] : memref<10240xf32, #tpu.memory_space<hbm>> -> memref<640xf32, #tpu.memory_space<hbm>>
        %dma_wait3A_29 = tpu.memref_slice %arg6[%mul3A_9] : memref<10240xf32, #tpu.memory_space<hbm>> -> memref<640xf32, #tpu.memory_space<hbm>>
        tpu.wait_dma2 semaphore(%run_scoped3A : memref<!tpu.dma_semaphore, #tpu.memory_space<semaphore_mem>>) src(%arg13 : memref<640xf32, #tpu.memory_space<vmem>>) dst(%dma_wait3A_29 : memref<640xf32, #tpu.memory_space<hbm>>)
        tpu.yield
      }) : () -> ()
      "tpu.region"() ({
        %run_scoped3A = tpu.sem_alloc : memref<!tpu.dma_semaphore, #tpu.memory_space<semaphore_mem>>
        %dma_start3A = tpu.memref_slice %arg15[%mul3A_9] : memref<10240xf32, #tpu.memory_space<vmem_shared>> -> memref<640xf32, #tpu.memory_space<vmem_shared>>
        %dma_start3A_28 = tpu.memref_slice %arg15[%mul3A_9] : memref<10240xf32, #tpu.memory_space<vmem_shared>> -> memref<640xf32, #tpu.memory_space<vmem_shared>>
        tpu.enqueue_dma source(%dma_start3A_28 : memref<640xf32, #tpu.memory_space<vmem_shared>>) target(%arg13 : memref<640xf32, #tpu.memory_space<vmem>>) target_semaphore(%run_scoped3A : memref<!tpu.dma_semaphore, #tpu.memory_space<semaphore_mem>>)
        %dma_wait3A = tpu.memref_slice %arg15[%mul3A_9] : memref<10240xf32, #tpu.memory_space<vmem_shared>> -> memref<640xf32, #tpu.memory_space<vmem_shared>>
        %dma_wait3A_29 = tpu.memref_slice %arg15[%mul3A_9] : memref<10240xf32, #tpu.memory_space<vmem_shared>> -> memref<640xf32, #tpu.memory_space<vmem_shared>>
        tpu.wait_dma2 semaphore(%run_scoped3A : memref<!tpu.dma_semaphore, #tpu.memory_space<semaphore_mem>>) src(%dma_wait3A_29 : memref<640xf32, #tpu.memory_space<vmem_shared>>) dst(%arg13 : memref<640xf32, #tpu.memory_space<vmem>>)
        tpu.yield
      }) : () -> ()
      "tpu.region"() ({
        %run_scoped3A = tpu.sem_alloc : memref<!tpu.dma_semaphore, #tpu.memory_space<semaphore_mem>>
        %dma_start3A = tpu.memref_slice %arg7[%mul3A_9] : memref<10240xf32, #tpu.memory_space<hbm>> -> memref<640xf32, #tpu.memory_space<hbm>>
        %dma_start3A_28 = tpu.memref_slice %arg7[%mul3A_9] : memref<10240xf32, #tpu.memory_space<hbm>> -> memref<640xf32, #tpu.memory_space<hbm>>
        tpu.enqueue_dma source(%arg13 : memref<640xf32, #tpu.memory_space<vmem>>) target(%dma_start3A_28 : memref<640xf32, #tpu.memory_space<hbm>>) target_semaphore(%run_scoped3A : memref<!tpu.dma_semaphore, #tpu.memory_space<semaphore_mem>>)
        %dma_wait3A = tpu.memref_slice %arg7[%mul3A_9] : memref<10240xf32, #tpu.memory_space<hbm>> -> memref<640xf32, #tpu.memory_space<hbm>>
        %dma_wait3A_29 = tpu.memref_slice %arg7[%mul3A_9] : memref<10240xf32, #tpu.memory_space<hbm>> -> memref<640xf32, #tpu.memory_space<hbm>>
        tpu.wait_dma2 semaphore(%run_scoped3A : memref<!tpu.dma_semaphore, #tpu.memory_space<semaphore_mem>>) src(%arg13 : memref<640xf32, #tpu.memory_space<vmem>>) dst(%dma_wait3A_29 : memref<640xf32, #tpu.memory_space<hbm>>)
        tpu.yield
      }) : () -> ()
    } else {
    }
    %eq3A_12 = arith.constant 1 : i32
    %eq3A_13 = arith.cmpi eq, %arg0, %eq3A_12 : i32
    %convert_element_type3A_14 = arith.extui %eq3A_13 : i1 to i32
    %cond3A_15 = arith.constant 0 : i32
    %cond3A_16 = arith.cmpi ne, %convert_element_type3A_14, %cond3A_15 : i32
    scf.if %cond3A_16 {
      "tpu.region"() ({
        %run_scoped3A = tpu.sem_alloc : memref<!tpu.dma_semaphore, #tpu.memory_space<semaphore_mem>>
        %dma_start3A = arith.constant 0 : i32
        %dma_start3A_28 = arith.constant 0 : i32
        %dma_start3A_29 = tpu.memref_slice %arg4[%arg1, %dma_start3A, %dma_start3A_28] : memref<16x160x128xi32, #tpu.memory_space<hbm>> -> memref<1x160x128xi32, #tpu.memory_space<hbm>>
        %dma_start3A_30 = tpu.memref_squeeze %dma_start3A_29 : memref<1x160x128xi32, #tpu.memory_space<hbm>> -> memref<160x128xi32, #tpu.memory_space<hbm>>
        %dma_start3A_31 = arith.constant 0 : i32
        %dma_start3A_32 = arith.constant 0 : i32
        %dma_start3A_33 = tpu.memref_slice %arg4[%arg1, %dma_start3A_31, %dma_start3A_32] : memref<16x160x128xi32, #tpu.memory_space<hbm>> -> memref<1x160x128xi32, #tpu.memory_space<hbm>>
        %dma_start3A_34 = tpu.memref_squeeze %dma_start3A_33 : memref<1x160x128xi32, #tpu.memory_space<hbm>> -> memref<160x128xi32, #tpu.memory_space<hbm>>
        tpu.enqueue_dma source(%dma_start3A_34 : memref<160x128xi32, #tpu.memory_space<hbm>>) target(%arg10 : memref<160x128xi32, #tpu.memory_space<vmem>>) target_semaphore(%run_scoped3A : memref<!tpu.dma_semaphore, #tpu.memory_space<semaphore_mem>>)
        %dma_wait3A = arith.constant 0 : i32
        %dma_wait3A_35 = arith.constant 0 : i32
        %dma_wait3A_36 = tpu.memref_slice %arg4[%arg1, %dma_wait3A, %dma_wait3A_35] : memref<16x160x128xi32, #tpu.memory_space<hbm>> -> memref<1x160x128xi32, #tpu.memory_space<hbm>>
        %dma_wait3A_37 = tpu.memref_squeeze %dma_wait3A_36 : memref<1x160x128xi32, #tpu.memory_space<hbm>> -> memref<160x128xi32, #tpu.memory_space<hbm>>
        %dma_wait3A_38 = arith.constant 0 : i32
        %dma_wait3A_39 = arith.constant 0 : i32
        %dma_wait3A_40 = tpu.memref_slice %arg4[%arg1, %dma_wait3A_38, %dma_wait3A_39] : memref<16x160x128xi32, #tpu.memory_space<hbm>> -> memref<1x160x128xi32, #tpu.memory_space<hbm>>
        %dma_wait3A_41 = tpu.memref_squeeze %dma_wait3A_40 : memref<1x160x128xi32, #tpu.memory_space<hbm>> -> memref<160x128xi32, #tpu.memory_space<hbm>>
        tpu.wait_dma2 semaphore(%run_scoped3A : memref<!tpu.dma_semaphore, #tpu.memory_space<semaphore_mem>>) src(%dma_wait3A_41 : memref<160x128xi32, #tpu.memory_space<hbm>>) dst(%arg10 : memref<160x128xi32, #tpu.memory_space<vmem>>)
        tpu.yield
      }) : () -> ()
      "tpu.region"() ({
        %run_scoped3A = tpu.sem_alloc : memref<!tpu.dma_semaphore, #tpu.memory_space<semaphore_mem>>
        %dma_start3A = arith.constant 0 : i32
        %dma_start3A_28 = arith.constant 0 : i32
        %dma_start3A_29 = tpu.memref_slice %arg5[%arg1, %dma_start3A, %dma_start3A_28] : memref<16x160x128xi32, #tpu.memory_space<hbm>> -> memref<1x160x128xi32, #tpu.memory_space<hbm>>
        %dma_start3A_30 = tpu.memref_squeeze %dma_start3A_29 : memref<1x160x128xi32, #tpu.memory_space<hbm>> -> memref<160x128xi32, #tpu.memory_space<hbm>>
        %dma_start3A_31 = arith.constant 0 : i32
        %dma_start3A_32 = arith.constant 0 : i32
        %dma_start3A_33 = tpu.memref_slice %arg5[%arg1, %dma_start3A_31, %dma_start3A_32] : memref<16x160x128xi32, #tpu.memory_space<hbm>> -> memref<1x160x128xi32, #tpu.memory_space<hbm>>
        %dma_start3A_34 = tpu.memref_squeeze %dma_start3A_33 : memref<1x160x128xi32, #tpu.memory_space<hbm>> -> memref<160x128xi32, #tpu.memory_space<hbm>>
        tpu.enqueue_dma source(%dma_start3A_34 : memref<160x128xi32, #tpu.memory_space<hbm>>) target(%arg11 : memref<160x128xi32, #tpu.memory_space<vmem>>) target_semaphore(%run_scoped3A : memref<!tpu.dma_semaphore, #tpu.memory_space<semaphore_mem>>)
        %dma_wait3A = arith.constant 0 : i32
        %dma_wait3A_35 = arith.constant 0 : i32
        %dma_wait3A_36 = tpu.memref_slice %arg5[%arg1, %dma_wait3A, %dma_wait3A_35] : memref<16x160x128xi32, #tpu.memory_space<hbm>> -> memref<1x160x128xi32, #tpu.memory_space<hbm>>
        %dma_wait3A_37 = tpu.memref_squeeze %dma_wait3A_36 : memref<1x160x128xi32, #tpu.memory_space<hbm>> -> memref<160x128xi32, #tpu.memory_space<hbm>>
        %dma_wait3A_38 = arith.constant 0 : i32
        %dma_wait3A_39 = arith.constant 0 : i32
        %dma_wait3A_40 = tpu.memref_slice %arg5[%arg1, %dma_wait3A_38, %dma_wait3A_39] : memref<16x160x128xi32, #tpu.memory_space<hbm>> -> memref<1x160x128xi32, #tpu.memory_space<hbm>>
        %dma_wait3A_41 = tpu.memref_squeeze %dma_wait3A_40 : memref<1x160x128xi32, #tpu.memory_space<hbm>> -> memref<160x128xi32, #tpu.memory_space<hbm>>
        tpu.wait_dma2 semaphore(%run_scoped3A : memref<!tpu.dma_semaphore, #tpu.memory_space<semaphore_mem>>) src(%dma_wait3A_41 : memref<160x128xi32, #tpu.memory_space<hbm>>) dst(%arg11 : memref<160x128xi32, #tpu.memory_space<vmem>>)
        tpu.yield
      }) : () -> ()
      %scan3A_17 = arith.constant 0 : i32
      %scan3A_18 = arith.constant 160 : i32
      %scan3A_19 = arith.addi %scan3A_17, %scan3A_18 : i32
      %scan3A_20 = arith.constant 1 : i32
      scf.for %scan3A_28 = %scan3A_17 to %scan3A_19 step %scan3A_20  : i32 {
        %dma_start3A = arith.constant 0 : i32
        %dma_start3A_29 = tpu.memref_slice %arg10[%scan3A_28, %dma_start3A] : memref<160x128xi32, #tpu.memory_space<vmem>> -> memref<1x128xi32, #tpu.memory_space<vmem>>
        %dma_start3A_30 = tpu.memref_squeeze %dma_start3A_29 : memref<1x128xi32, #tpu.memory_space<vmem>> -> memref<128xi32, #tpu.memory_space<vmem>>
        %dma_start3A_31 = arith.constant 0 : i32
        %dma_start3A_32 = tpu.memref_slice %arg14[%dma_start3A_31] : memref<10240xf32, #tpu.memory_space<vmem_shared>> -> memref<10240xf32, #tpu.memory_space<vmem_shared>>
        tpu.enqueue_indirect_dma source(%arg12 : memref<128xf32, #tpu.memory_space<vmem>>) target(%dma_start3A_32 : memref<10240xf32, #tpu.memory_space<vmem_shared>>) offsets(%dma_start3A_30 : memref<128xi32, #tpu.memory_space<vmem>>) semaphore(%arg16 : memref<!tpu.dma_semaphore, #tpu.memory_space<semaphore_mem>>) {add = true}
        %dma_start3A_33 = arith.constant 0 : i32
        %dma_start3A_34 = tpu.memref_slice %arg11[%scan3A_28, %dma_start3A_33] : memref<160x128xi32, #tpu.memory_space<vmem>> -> memref<1x128xi32, #tpu.memory_space<vmem>>
        %dma_start3A_35 = tpu.memref_squeeze %dma_start3A_34 : memref<1x128xi32, #tpu.memory_space<vmem>> -> memref<128xi32, #tpu.memory_space<vmem>>
        %dma_start3A_36 = arith.constant 0 : i32
        %dma_start3A_37 = tpu.memref_slice %arg15[%dma_start3A_36] : memref<10240xf32, #tpu.memory_space<vmem_shared>> -> memref<10240xf32, #tpu.memory_space<vmem_shared>>
        tpu.enqueue_indirect_dma source(%arg12 : memref<128xf32, #tpu.memory_space<vmem>>) target(%dma_start3A_37 : memref<10240xf32, #tpu.memory_space<vmem_shared>>) offsets(%dma_start3A_35 : memref<128xi32, #tpu.memory_space<vmem>>) semaphore(%arg16 : memref<!tpu.dma_semaphore, #tpu.memory_space<semaphore_mem>>) {add = true}
      }
      %scan3A_21 = arith.constant 160 : i32
      %scan3A_22 = arith.constant 0 : i32
      %scan3A_23 = arith.constant 160 : i32
      %scan3A_24 = arith.addi %scan3A_22, %scan3A_23 : i32
      %scan3A_25 = arith.constant 1 : i32
      scf.for %scan3A_28 = %scan3A_22 to %scan3A_24 step %scan3A_25  : i32 {
        %dma_wait3A = arith.constant 0 : i32
        %dma_wait3A_29 = arith.constant 0 : i32
        %dma_wait3A_30 = tpu.memref_slice %arg10[%dma_wait3A, %dma_wait3A_29] : memref<160x128xi32, #tpu.memory_space<vmem>> -> memref<1x128xi32, #tpu.memory_space<vmem>>
        %dma_wait3A_31 = tpu.memref_squeeze %dma_wait3A_30 : memref<1x128xi32, #tpu.memory_space<vmem>> -> memref<128xi32, #tpu.memory_space<vmem>>
        %dma_wait3A_32 = arith.constant 0 : i32
        %dma_wait3A_33 = tpu.memref_slice %arg14[%dma_wait3A_32] : memref<10240xf32, #tpu.memory_space<vmem_shared>> -> memref<10240xf32, #tpu.memory_space<vmem_shared>>
        tpu.wait_indirect_dma semaphore(%arg16 : memref<!tpu.dma_semaphore, #tpu.memory_space<semaphore_mem>>) src(%arg12 : memref<128xf32, #tpu.memory_space<vmem>>) dst(%dma_wait3A_33 : memref<10240xf32, #tpu.memory_space<vmem_shared>>)
        %dma_wait3A_34 = arith.constant 0 : i32
        %dma_wait3A_35 = arith.constant 0 : i32
        %dma_wait3A_36 = tpu.memref_slice %arg11[%dma_wait3A_34, %dma_wait3A_35] : memref<160x128xi32, #tpu.memory_space<vmem>> -> memref<1x128xi32, #tpu.memory_space<vmem>>
        %dma_wait3A_37 = tpu.memref_squeeze %dma_wait3A_36 : memref<1x128xi32, #tpu.memory_space<vmem>> -> memref<128xi32, #tpu.memory_space<vmem>>
        %dma_wait3A_38 = arith.constant 0 : i32
        %dma_wait3A_39 = tpu.memref_slice %arg15[%dma_wait3A_38] : memref<10240xf32, #tpu.memory_space<vmem_shared>> -> memref<10240xf32, #tpu.memory_space<vmem_shared>>
        tpu.wait_indirect_dma semaphore(%arg16 : memref<!tpu.dma_semaphore, #tpu.memory_space<semaphore_mem>>) src(%arg12 : memref<128xf32, #tpu.memory_space<vmem>>) dst(%dma_wait3A_39 : memref<10240xf32, #tpu.memory_space<vmem_shared>>)
      }
      %scan3A_26 = arith.constant 160 : i32
      %barrier3A_27 = arith.constant 0 : index
      tpu.barrier barrier_id(%barrier3A_27)
      "tpu.region"() ({
        %run_scoped3A = tpu.sem_alloc : memref<!tpu.dma_semaphore, #tpu.memory_space<semaphore_mem>>
        %dma_start3A = tpu.memref_slice %arg14[%mul3A_9] : memref<10240xf32, #tpu.memory_space<vmem_shared>> -> memref<640xf32, #tpu.memory_space<vmem_shared>>
        %dma_start3A_28 = tpu.memref_slice %arg14[%mul3A_9] : memref<10240xf32, #tpu.memory_space<vmem_shared>> -> memref<640xf32, #tpu.memory_space<vmem_shared>>
        tpu.enqueue_dma source(%dma_start3A_28 : memref<640xf32, #tpu.memory_space<vmem_shared>>) target(%arg13 : memref<640xf32, #tpu.memory_space<vmem>>) target_semaphore(%run_scoped3A : memref<!tpu.dma_semaphore, #tpu.memory_space<semaphore_mem>>)
        %dma_wait3A = tpu.memref_slice %arg14[%mul3A_9] : memref<10240xf32, #tpu.memory_space<vmem_shared>> -> memref<640xf32, #tpu.memory_space<vmem_shared>>
        %dma_wait3A_29 = tpu.memref_slice %arg14[%mul3A_9] : memref<10240xf32, #tpu.memory_space<vmem_shared>> -> memref<640xf32, #tpu.memory_space<vmem_shared>>
        tpu.wait_dma2 semaphore(%run_scoped3A : memref<!tpu.dma_semaphore, #tpu.memory_space<semaphore_mem>>) src(%dma_wait3A_29 : memref<640xf32, #tpu.memory_space<vmem_shared>>) dst(%arg13 : memref<640xf32, #tpu.memory_space<vmem>>)
        tpu.yield
      }) : () -> ()
      "tpu.region"() ({
        %run_scoped3A = tpu.sem_alloc : memref<!tpu.dma_semaphore, #tpu.memory_space<semaphore_mem>>
        %dma_start3A = tpu.memref_slice %arg8[%mul3A_9] : memref<10240xf32, #tpu.memory_space<hbm>> -> memref<640xf32, #tpu.memory_space<hbm>>
        %dma_start3A_28 = tpu.memref_slice %arg8[%mul3A_9] : memref<10240xf32, #tpu.memory_space<hbm>> -> memref<640xf32, #tpu.memory_space<hbm>>
        tpu.enqueue_dma source(%arg13 : memref<640xf32, #tpu.memory_space<vmem>>) target(%dma_start3A_28 : memref<640xf32, #tpu.memory_space<hbm>>) target_semaphore(%run_scoped3A : memref<!tpu.dma_semaphore, #tpu.memory_space<semaphore_mem>>)
        %dma_wait3A = tpu.memref_slice %arg8[%mul3A_9] : memref<10240xf32, #tpu.memory_space<hbm>> -> memref<640xf32, #tpu.memory_space<hbm>>
        %dma_wait3A_29 = tpu.memref_slice %arg8[%mul3A_9] : memref<10240xf32, #tpu.memory_space<hbm>> -> memref<640xf32, #tpu.memory_space<hbm>>
        tpu.wait_dma2 semaphore(%run_scoped3A : memref<!tpu.dma_semaphore, #tpu.memory_space<semaphore_mem>>) src(%arg13 : memref<640xf32, #tpu.memory_space<vmem>>) dst(%dma_wait3A_29 : memref<640xf32, #tpu.memory_space<hbm>>)
        tpu.yield
      }) : () -> ()
      "tpu.region"() ({
        %run_scoped3A = tpu.sem_alloc : memref<!tpu.dma_semaphore, #tpu.memory_space<semaphore_mem>>
        %dma_start3A = tpu.memref_slice %arg15[%mul3A_9] : memref<10240xf32, #tpu.memory_space<vmem_shared>> -> memref<640xf32, #tpu.memory_space<vmem_shared>>
        %dma_start3A_28 = tpu.memref_slice %arg15[%mul3A_9] : memref<10240xf32, #tpu.memory_space<vmem_shared>> -> memref<640xf32, #tpu.memory_space<vmem_shared>>
        tpu.enqueue_dma source(%dma_start3A_28 : memref<640xf32, #tpu.memory_space<vmem_shared>>) target(%arg13 : memref<640xf32, #tpu.memory_space<vmem>>) target_semaphore(%run_scoped3A : memref<!tpu.dma_semaphore, #tpu.memory_space<semaphore_mem>>)
        %dma_wait3A = tpu.memref_slice %arg15[%mul3A_9] : memref<10240xf32, #tpu.memory_space<vmem_shared>> -> memref<640xf32, #tpu.memory_space<vmem_shared>>
        %dma_wait3A_29 = tpu.memref_slice %arg15[%mul3A_9] : memref<10240xf32, #tpu.memory_space<vmem_shared>> -> memref<640xf32, #tpu.memory_space<vmem_shared>>
        tpu.wait_dma2 semaphore(%run_scoped3A : memref<!tpu.dma_semaphore, #tpu.memory_space<semaphore_mem>>) src(%dma_wait3A_29 : memref<640xf32, #tpu.memory_space<vmem_shared>>) dst(%arg13 : memref<640xf32, #tpu.memory_space<vmem>>)
        tpu.yield
      }) : () -> ()
      "tpu.region"() ({
        %run_scoped3A = tpu.sem_alloc : memref<!tpu.dma_semaphore, #tpu.memory_space<semaphore_mem>>
        %dma_start3A = tpu.memref_slice %arg9[%mul3A_9] : memref<10240xf32, #tpu.memory_space<hbm>> -> memref<640xf32, #tpu.memory_space<hbm>>
        %dma_start3A_28 = tpu.memref_slice %arg9[%mul3A_9] : memref<10240xf32, #tpu.memory_space<hbm>> -> memref<640xf32, #tpu.memory_space<hbm>>
        tpu.enqueue_dma source(%arg13 : memref<640xf32, #tpu.memory_space<vmem>>) target(%dma_start3A_28 : memref<640xf32, #tpu.memory_space<hbm>>) target_semaphore(%run_scoped3A : memref<!tpu.dma_semaphore, #tpu.memory_space<semaphore_mem>>)
        %dma_wait3A = tpu.memref_slice %arg9[%mul3A_9] : memref<10240xf32, #tpu.memory_space<hbm>> -> memref<640xf32, #tpu.memory_space<hbm>>
        %dma_wait3A_29 = tpu.memref_slice %arg9[%mul3A_9] : memref<10240xf32, #tpu.memory_space<hbm>> -> memref<640xf32, #tpu.memory_space<hbm>>
        tpu.wait_dma2 semaphore(%run_scoped3A : memref<!tpu.dma_semaphore, #tpu.memory_space<semaphore_mem>>) src(%arg13 : memref<640xf32, #tpu.memory_space<vmem>>) dst(%dma_wait3A_29 : memref<640xf32, #tpu.memory_space<hbm>>)
        tpu.yield
      }) : () -> ()
    } else {
    }
    return
  }
}

#map = affine_map<(d0, d1) -> (0, 0)>
#map1 = affine_map<(d0, d1) -> (0, 0, 0)>
module attributes {stable_mosaic.version = 14 : i64} {
  func.func @_agg(%arg0: i32, %arg1: i32, %arg2: memref<10240x128xf32, #tpu.memory_space<hbm>>, %arg3: memref<10240x128xf32, #tpu.memory_space<hbm>>, %arg4: memref<16x160x128xi32, #tpu.memory_space<hbm>>, %arg5: memref<16x160x128xi32, #tpu.memory_space<hbm>>, %arg6: memref<16x160x128xi32, #tpu.memory_space<hbm>>, %arg7: memref<16x160x128xi32, #tpu.memory_space<hbm>>, %arg8: memref<10240x128xf32, #tpu.memory_space<hbm>>, %arg9: memref<10240x128xf32, #tpu.memory_space<hbm>>, %arg10: memref<32x128xi32, #tpu.memory_space<vmem>>, %arg11: memref<32x128xi32, #tpu.memory_space<vmem>>, %arg12: memref<2x128x128xf32, #tpu.memory_space<vmem>>, %arg13: memref<10240x128xf32, #tpu.memory_space<vmem_shared>>, %arg14: memref<!tpu.dma_semaphore, #tpu.memory_space<semaphore_mem>>, %arg15: memref<!tpu.dma_semaphore, #tpu.memory_space<semaphore_mem>>) attributes {dimension_semantics = [#tpu.dimension_semantics<core_parallel>, #tpu.dimension_semantics<subcore_parallel>], iteration_bounds = array<i64: 2, 16>, scalar_prefetch = 0 : i64, scratch_operands = 6 : i64, tpu.core_type = #tpu.core_type<sc_vector_subcore>, window_params = [{transform_indices = #map}, {transform_indices = #map}, {transform_indices = #map1}, {transform_indices = #map1}, {transform_indices = #map1}, {transform_indices = #map1}, {transform_indices = #map}, {transform_indices = #map}]} {
    %scan3A = arith.constant 0 : i32
    %scan3A_0 = arith.constant 0 : i32
    %scan3A_1 = arith.constant 1024 : i32
    %scan3A_2 = arith.addi %scan3A_0, %scan3A_1 : i32
    %scan3A_3 = arith.constant 1 : i32
    scf.for %scan3A_26 = %scan3A_0 to %scan3A_2 step %scan3A_3  : i32 {
      %jit3A = arith.constant 8 : i32
      %div3A = arith.divsi %scan3A_26, %jit3A : i32
      %sign3A = arith.constant 0 : i32
      %sign3A_27 = arith.cmpi sgt, %scan3A_26, %sign3A : i32
      %sign3A_28 = arith.extui %sign3A_27 : i1 to i32
      %sign3A_29 = arith.constant 0 : i32
      %sign3A_30 = arith.cmpi slt, %scan3A_26, %sign3A_29 : i32
      %sign3A_31 = arith.extui %sign3A_30 : i1 to i32
      %sign3A_32 = arith.subi %sign3A_28, %sign3A_31 : i32
      %sign3A_33 = arith.constant 0 : i32
      %sign3A_34 = arith.cmpi sgt, %jit3A, %sign3A_33 : i32
      %sign3A_35 = arith.extui %sign3A_34 : i1 to i32
      %sign3A_36 = arith.constant 0 : i32
      %sign3A_37 = arith.cmpi slt, %jit3A, %sign3A_36 : i32
      %sign3A_38 = arith.extui %sign3A_37 : i1 to i32
      %sign3A_39 = arith.subi %sign3A_35, %sign3A_38 : i32
      %ne3A = arith.cmpi ne, %sign3A_32, %sign3A_39 : i32
      %rem3A = arith.remsi %scan3A_26, %jit3A : i32
      %ne3A_40 = arith.constant 0 : i32
      %ne3A_41 = arith.cmpi ne, %rem3A, %ne3A_40 : i32
      %and3A = arith.andi %ne3A, %ne3A_41 : i1
      %sub3A = arith.constant 1 : i32
      %sub3A_42 = arith.subi %div3A, %sub3A : i32
      %select_n3A = arith.select %and3A, %sub3A_42, %div3A : i32
      %jit3A_43 = arith.constant 8 : i32
      %eq3A_44 = arith.constant 0 : i32
      %eq3A_45 = arith.cmpi eq, %jit3A_43, %eq3A_44 : i32
      %jit3A_46 = arith.constant 1 : i32
      %select_n3A_47 = arith.select %eq3A_45, %jit3A_46, %jit3A_43 : i32
      %rem3A_48 = arith.remsi %scan3A_26, %select_n3A_47 : i32
      %ne3A_49 = arith.constant 0 : i32
      %ne3A_50 = arith.cmpi ne, %rem3A_48, %ne3A_49 : i32
      %lt3A = arith.constant 0 : i32
      %lt3A_51 = arith.cmpi slt, %rem3A_48, %lt3A : i32
      %lt3A_52 = arith.constant 0 : i32
      %lt3A_53 = arith.cmpi slt, %select_n3A_47, %lt3A_52 : i32
      %ne3A_54 = arith.xori %lt3A_51, %lt3A_53 : i1
      %and3A_55 = arith.andi %ne3A_54, %ne3A_50 : i1
      %add3A_56 = arith.addi %rem3A_48, %select_n3A_47 : i32
      %select_n3A_57 = arith.select %and3A_55, %add3A_56, %rem3A_48 : i32
      %broadcast_in_dim3A = arith.constant 0.000000e+00 : f32
      %broadcast_in_dim3A_58 = vector.broadcast %broadcast_in_dim3A : f32 to vector<16xf32>
      %mul3A_59 = arith.constant 16 : i32
      %mul3A_60 = arith.muli %select_n3A_57, %mul3A_59 : i32
      %swap3A = arith.constant 0 : i32
      %swap3A_61 = arith.constant 0 : i32
      %swap3A_62 = tpu.memref_slice %arg12[%scan3A, %swap3A, %swap3A_61] : memref<2x128x128xf32, #tpu.memory_space<vmem>> -> memref<1x128x128xf32, #tpu.memory_space<vmem>>
      %swap3A_63 = tpu.memref_squeeze %swap3A_62 : memref<1x128x128xf32, #tpu.memory_space<vmem>> -> memref<128x128xf32, #tpu.memory_space<vmem>>
      %swap3A_64 = arith.index_cast %select_n3A : i32 to index
      %swap3A_65 = arith.index_cast %mul3A_60 : i32 to index
      %swap3A_66 = tpu.vector_load %swap3A_63[%swap3A_64, %swap3A_65] {strides = array<i32>} : memref<128x128xf32, #tpu.memory_space<vmem>>, vector<1x16xf32>,
      %swap3A_67 = vector.shape_cast %swap3A_66 : vector<1x16xf32> to vector<16xf32>
      %swap3A_68 = vector.shape_cast %broadcast_in_dim3A_58 : vector<16xf32> to vector<1x16xf32>
      tpu.vector_store %swap3A_63[%swap3A_64, %swap3A_65], %swap3A_68 {strides = array<i32>} : memref<128x128xf32, #tpu.memory_space<vmem>>, vector<1x16xf32>,
    }
    %scan3A_4 = arith.constant 1024 : i32
    %mul3A = arith.constant 640 : i32
    %mul3A_5 = arith.muli %arg1, %mul3A : i32
    %add3A = arith.constant 0 : i32
    %add3A_6 = arith.addi %mul3A_5, %add3A : i32
    %run_scoped3A = arith.constant 0 : i32
    "tpu.region"() ({
      %run_scoped3A_26 = tpu.sem_alloc : memref<!tpu.dma_semaphore, #tpu.memory_space<semaphore_mem>>
      %dma_start3A = arith.constant 0 : i32
      %dma_start3A_27 = arith.constant 0 : i32
      %dma_start3A_28 = tpu.memref_slice %arg12[%run_scoped3A, %dma_start3A, %dma_start3A_27] : memref<2x128x128xf32, #tpu.memory_space<vmem>> -> memref<1x128x128xf32, #tpu.memory_space<vmem>>
      %dma_start3A_29 = tpu.memref_squeeze %dma_start3A_28 : memref<1x128x128xf32, #tpu.memory_space<vmem>> -> memref<128x128xf32, #tpu.memory_space<vmem>>
      %dma_start3A_30 = arith.constant 0 : i32
      %dma_start3A_31 = tpu.memref_slice %arg13[%add3A_6, %dma_start3A_30] : memref<10240x128xf32, #tpu.memory_space<vmem_shared>> -> memref<128x128xf32, #tpu.memory_space<vmem_shared>>
      %dma_start3A_32 = arith.constant 0 : i32
      %dma_start3A_33 = tpu.memref_slice %arg13[%add3A_6, %dma_start3A_32] : memref<10240x128xf32, #tpu.memory_space<vmem_shared>> -> memref<128x128xf32, #tpu.memory_space<vmem_shared>>
      %dma_start3A_34 = arith.constant 0 : i32
      %dma_start3A_35 = arith.constant 0 : i32
      %dma_start3A_36 = tpu.memref_slice %arg12[%run_scoped3A, %dma_start3A_34, %dma_start3A_35] : memref<2x128x128xf32, #tpu.memory_space<vmem>> -> memref<1x128x128xf32, #tpu.memory_space<vmem>>
      %dma_start3A_37 = tpu.memref_squeeze %dma_start3A_36 : memref<1x128x128xf32, #tpu.memory_space<vmem>> -> memref<128x128xf32, #tpu.memory_space<vmem>>
      tpu.enqueue_dma source(%dma_start3A_37 : memref<128x128xf32, #tpu.memory_space<vmem>>) target(%dma_start3A_33 : memref<128x128xf32, #tpu.memory_space<vmem_shared>>) target_semaphore(%run_scoped3A_26 : memref<!tpu.dma_semaphore, #tpu.memory_space<semaphore_mem>>)
      %dma_wait3A = arith.constant 0 : i32
      %dma_wait3A_38 = arith.constant 0 : i32
      %dma_wait3A_39 = tpu.memref_slice %arg12[%run_scoped3A, %dma_wait3A, %dma_wait3A_38] : memref<2x128x128xf32, #tpu.memory_space<vmem>> -> memref<1x128x128xf32, #tpu.memory_space<vmem>>
      %dma_wait3A_40 = tpu.memref_squeeze %dma_wait3A_39 : memref<1x128x128xf32, #tpu.memory_space<vmem>> -> memref<128x128xf32, #tpu.memory_space<vmem>>
      %dma_wait3A_41 = arith.constant 0 : i32
      %dma_wait3A_42 = tpu.memref_slice %arg13[%add3A_6, %dma_wait3A_41] : memref<10240x128xf32, #tpu.memory_space<vmem_shared>> -> memref<128x128xf32, #tpu.memory_space<vmem_shared>>
      %dma_wait3A_43 = arith.constant 0 : i32
      %dma_wait3A_44 = tpu.memref_slice %arg13[%add3A_6, %dma_wait3A_43] : memref<10240x128xf32, #tpu.memory_space<vmem_shared>> -> memref<128x128xf32, #tpu.memory_space<vmem_shared>>
      %dma_wait3A_45 = arith.constant 0 : i32
      %dma_wait3A_46 = arith.constant 0 : i32
      %dma_wait3A_47 = tpu.memref_slice %arg12[%run_scoped3A, %dma_wait3A_45, %dma_wait3A_46] : memref<2x128x128xf32, #tpu.memory_space<vmem>> -> memref<1x128x128xf32, #tpu.memory_space<vmem>>
      %dma_wait3A_48 = tpu.memref_squeeze %dma_wait3A_47 : memref<1x128x128xf32, #tpu.memory_space<vmem>> -> memref<128x128xf32, #tpu.memory_space<vmem>>
      tpu.wait_dma2 semaphore(%run_scoped3A_26 : memref<!tpu.dma_semaphore, #tpu.memory_space<semaphore_mem>>) src(%dma_wait3A_48 : memref<128x128xf32, #tpu.memory_space<vmem>>) dst(%dma_wait3A_44 : memref<128x128xf32, #tpu.memory_space<vmem_shared>>)
      tpu.yield
    }) : () -> ()
    %add3A_7 = arith.constant 128 : i32
    %add3A_8 = arith.addi %mul3A_5, %add3A_7 : i32
    %run_scoped3A_9 = arith.constant 0 : i32
    "tpu.region"() ({
      %run_scoped3A_26 = tpu.sem_alloc : memref<!tpu.dma_semaphore, #tpu.memory_space<semaphore_mem>>
      %dma_start3A = arith.constant 0 : i32
      %dma_start3A_27 = arith.constant 0 : i32
      %dma_start3A_28 = tpu.memref_slice %arg12[%run_scoped3A_9, %dma_start3A, %dma_start3A_27] : memref<2x128x128xf32, #tpu.memory_space<vmem>> -> memref<1x128x128xf32, #tpu.memory_space<vmem>>
      %dma_start3A_29 = tpu.memref_squeeze %dma_start3A_28 : memref<1x128x128xf32, #tpu.memory_space<vmem>> -> memref<128x128xf32, #tpu.memory_space<vmem>>
      %dma_start3A_30 = arith.constant 0 : i32
      %dma_start3A_31 = tpu.memref_slice %arg13[%add3A_8, %dma_start3A_30] : memref<10240x128xf32, #tpu.memory_space<vmem_shared>> -> memref<128x128xf32, #tpu.memory_space<vmem_shared>>
      %dma_start3A_32 = arith.constant 0 : i32
      %dma_start3A_33 = tpu.memref_slice %arg13[%add3A_8, %dma_start3A_32] : memref<10240x128xf32, #tpu.memory_space<vmem_shared>> -> memref<128x128xf32, #tpu.memory_space<vmem_shared>>
      %dma_start3A_34 = arith.constant 0 : i32
      %dma_start3A_35 = arith.constant 0 : i32
      %dma_start3A_36 = tpu.memref_slice %arg12[%run_scoped3A_9, %dma_start3A_34, %dma_start3A_35] : memref<2x128x128xf32, #tpu.memory_space<vmem>> -> memref<1x128x128xf32, #tpu.memory_space<vmem>>
      %dma_start3A_37 = tpu.memref_squeeze %dma_start3A_36 : memref<1x128x128xf32, #tpu.memory_space<vmem>> -> memref<128x128xf32, #tpu.memory_space<vmem>>
      tpu.enqueue_dma source(%dma_start3A_37 : memref<128x128xf32, #tpu.memory_space<vmem>>) target(%dma_start3A_33 : memref<128x128xf32, #tpu.memory_space<vmem_shared>>) target_semaphore(%run_scoped3A_26 : memref<!tpu.dma_semaphore, #tpu.memory_space<semaphore_mem>>)
      %dma_wait3A = arith.constant 0 : i32
      %dma_wait3A_38 = arith.constant 0 : i32
      %dma_wait3A_39 = tpu.memref_slice %arg12[%run_scoped3A_9, %dma_wait3A, %dma_wait3A_38] : memref<2x128x128xf32, #tpu.memory_space<vmem>> -> memref<1x128x128xf32, #tpu.memory_space<vmem>>
      %dma_wait3A_40 = tpu.memref_squeeze %dma_wait3A_39 : memref<1x128x128xf32, #tpu.memory_space<vmem>> -> memref<128x128xf32, #tpu.memory_space<vmem>>
      %dma_wait3A_41 = arith.constant 0 : i32
      %dma_wait3A_42 = tpu.memref_slice %arg13[%add3A_8, %dma_wait3A_41] : memref<10240x128xf32, #tpu.memory_space<vmem_shared>> -> memref<128x128xf32, #tpu.memory_space<vmem_shared>>
      %dma_wait3A_43 = arith.constant 0 : i32
      %dma_wait3A_44 = tpu.memref_slice %arg13[%add3A_8, %dma_wait3A_43] : memref<10240x128xf32, #tpu.memory_space<vmem_shared>> -> memref<128x128xf32, #tpu.memory_space<vmem_shared>>
      %dma_wait3A_45 = arith.constant 0 : i32
      %dma_wait3A_46 = arith.constant 0 : i32
      %dma_wait3A_47 = tpu.memref_slice %arg12[%run_scoped3A_9, %dma_wait3A_45, %dma_wait3A_46] : memref<2x128x128xf32, #tpu.memory_space<vmem>> -> memref<1x128x128xf32, #tpu.memory_space<vmem>>
      %dma_wait3A_48 = tpu.memref_squeeze %dma_wait3A_47 : memref<1x128x128xf32, #tpu.memory_space<vmem>> -> memref<128x128xf32, #tpu.memory_space<vmem>>
      tpu.wait_dma2 semaphore(%run_scoped3A_26 : memref<!tpu.dma_semaphore, #tpu.memory_space<semaphore_mem>>) src(%dma_wait3A_48 : memref<128x128xf32, #tpu.memory_space<vmem>>) dst(%dma_wait3A_44 : memref<128x128xf32, #tpu.memory_space<vmem_shared>>)
      tpu.yield
    }) : () -> ()
    %add3A_10 = arith.constant 256 : i32
    %add3A_11 = arith.addi %mul3A_5, %add3A_10 : i32
    %run_scoped3A_12 = arith.constant 0 : i32
    "tpu.region"() ({
      %run_scoped3A_26 = tpu.sem_alloc : memref<!tpu.dma_semaphore, #tpu.memory_space<semaphore_mem>>
      %dma_start3A = arith.constant 0 : i32
      %dma_start3A_27 = arith.constant 0 : i32
      %dma_start3A_28 = tpu.memref_slice %arg12[%run_scoped3A_12, %dma_start3A, %dma_start3A_27] : memref<2x128x128xf32, #tpu.memory_space<vmem>> -> memref<1x128x128xf32, #tpu.memory_space<vmem>>
      %dma_start3A_29 = tpu.memref_squeeze %dma_start3A_28 : memref<1x128x128xf32, #tpu.memory_space<vmem>> -> memref<128x128xf32, #tpu.memory_space<vmem>>
      %dma_start3A_30 = arith.constant 0 : i32
      %dma_start3A_31 = tpu.memref_slice %arg13[%add3A_11, %dma_start3A_30] : memref<10240x128xf32, #tpu.memory_space<vmem_shared>> -> memref<128x128xf32, #tpu.memory_space<vmem_shared>>
      %dma_start3A_32 = arith.constant 0 : i32
      %dma_start3A_33 = tpu.memref_slice %arg13[%add3A_11, %dma_start3A_32] : memref<10240x128xf32, #tpu.memory_space<vmem_shared>> -> memref<128x128xf32, #tpu.memory_space<vmem_shared>>
      %dma_start3A_34 = arith.constant 0 : i32
      %dma_start3A_35 = arith.constant 0 : i32
      %dma_start3A_36 = tpu.memref_slice %arg12[%run_scoped3A_12, %dma_start3A_34, %dma_start3A_35] : memref<2x128x128xf32, #tpu.memory_space<vmem>> -> memref<1x128x128xf32, #tpu.memory_space<vmem>>
      %dma_start3A_37 = tpu.memref_squeeze %dma_start3A_36 : memref<1x128x128xf32, #tpu.memory_space<vmem>> -> memref<128x128xf32, #tpu.memory_space<vmem>>
      tpu.enqueue_dma source(%dma_start3A_37 : memref<128x128xf32, #tpu.memory_space<vmem>>) target(%dma_start3A_33 : memref<128x128xf32, #tpu.memory_space<vmem_shared>>) target_semaphore(%run_scoped3A_26 : memref<!tpu.dma_semaphore, #tpu.memory_space<semaphore_mem>>)
      %dma_wait3A = arith.constant 0 : i32
      %dma_wait3A_38 = arith.constant 0 : i32
      %dma_wait3A_39 = tpu.memref_slice %arg12[%run_scoped3A_12, %dma_wait3A, %dma_wait3A_38] : memref<2x128x128xf32, #tpu.memory_space<vmem>> -> memref<1x128x128xf32, #tpu.memory_space<vmem>>
      %dma_wait3A_40 = tpu.memref_squeeze %dma_wait3A_39 : memref<1x128x128xf32, #tpu.memory_space<vmem>> -> memref<128x128xf32, #tpu.memory_space<vmem>>
      %dma_wait3A_41 = arith.constant 0 : i32
      %dma_wait3A_42 = tpu.memref_slice %arg13[%add3A_11, %dma_wait3A_41] : memref<10240x128xf32, #tpu.memory_space<vmem_shared>> -> memref<128x128xf32, #tpu.memory_space<vmem_shared>>
      %dma_wait3A_43 = arith.constant 0 : i32
      %dma_wait3A_44 = tpu.memref_slice %arg13[%add3A_11, %dma_wait3A_43] : memref<10240x128xf32, #tpu.memory_space<vmem_shared>> -> memref<128x128xf32, #tpu.memory_space<vmem_shared>>
      %dma_wait3A_45 = arith.constant 0 : i32
      %dma_wait3A_46 = arith.constant 0 : i32
      %dma_wait3A_47 = tpu.memref_slice %arg12[%run_scoped3A_12, %dma_wait3A_45, %dma_wait3A_46] : memref<2x128x128xf32, #tpu.memory_space<vmem>> -> memref<1x128x128xf32, #tpu.memory_space<vmem>>
      %dma_wait3A_48 = tpu.memref_squeeze %dma_wait3A_47 : memref<1x128x128xf32, #tpu.memory_space<vmem>> -> memref<128x128xf32, #tpu.memory_space<vmem>>
      tpu.wait_dma2 semaphore(%run_scoped3A_26 : memref<!tpu.dma_semaphore, #tpu.memory_space<semaphore_mem>>) src(%dma_wait3A_48 : memref<128x128xf32, #tpu.memory_space<vmem>>) dst(%dma_wait3A_44 : memref<128x128xf32, #tpu.memory_space<vmem_shared>>)
      tpu.yield
    }) : () -> ()
    %add3A_13 = arith.constant 384 : i32
    %add3A_14 = arith.addi %mul3A_5, %add3A_13 : i32
    %run_scoped3A_15 = arith.constant 0 : i32
    "tpu.region"() ({
      %run_scoped3A_26 = tpu.sem_alloc : memref<!tpu.dma_semaphore, #tpu.memory_space<semaphore_mem>>
      %dma_start3A = arith.constant 0 : i32
      %dma_start3A_27 = arith.constant 0 : i32
      %dma_start3A_28 = tpu.memref_slice %arg12[%run_scoped3A_15, %dma_start3A, %dma_start3A_27] : memref<2x128x128xf32, #tpu.memory_space<vmem>> -> memref<1x128x128xf32, #tpu.memory_space<vmem>>
      %dma_start3A_29 = tpu.memref_squeeze %dma_start3A_28 : memref<1x128x128xf32, #tpu.memory_space<vmem>> -> memref<128x128xf32, #tpu.memory_space<vmem>>
      %dma_start3A_30 = arith.constant 0 : i32
      %dma_start3A_31 = tpu.memref_slice %arg13[%add3A_14, %dma_start3A_30] : memref<10240x128xf32, #tpu.memory_space<vmem_shared>> -> memref<128x128xf32, #tpu.memory_space<vmem_shared>>
      %dma_start3A_32 = arith.constant 0 : i32
      %dma_start3A_33 = tpu.memref_slice %arg13[%add3A_14, %dma_start3A_32] : memref<10240x128xf32, #tpu.memory_space<vmem_shared>> -> memref<128x128xf32, #tpu.memory_space<vmem_shared>>
      %dma_start3A_34 = arith.constant 0 : i32
      %dma_start3A_35 = arith.constant 0 : i32
      %dma_start3A_36 = tpu.memref_slice %arg12[%run_scoped3A_15, %dma_start3A_34, %dma_start3A_35] : memref<2x128x128xf32, #tpu.memory_space<vmem>> -> memref<1x128x128xf32, #tpu.memory_space<vmem>>
      %dma_start3A_37 = tpu.memref_squeeze %dma_start3A_36 : memref<1x128x128xf32, #tpu.memory_space<vmem>> -> memref<128x128xf32, #tpu.memory_space<vmem>>
      tpu.enqueue_dma source(%dma_start3A_37 : memref<128x128xf32, #tpu.memory_space<vmem>>) target(%dma_start3A_33 : memref<128x128xf32, #tpu.memory_space<vmem_shared>>) target_semaphore(%run_scoped3A_26 : memref<!tpu.dma_semaphore, #tpu.memory_space<semaphore_mem>>)
      %dma_wait3A = arith.constant 0 : i32
      %dma_wait3A_38 = arith.constant 0 : i32
      %dma_wait3A_39 = tpu.memref_slice %arg12[%run_scoped3A_15, %dma_wait3A, %dma_wait3A_38] : memref<2x128x128xf32, #tpu.memory_space<vmem>> -> memref<1x128x128xf32, #tpu.memory_space<vmem>>
      %dma_wait3A_40 = tpu.memref_squeeze %dma_wait3A_39 : memref<1x128x128xf32, #tpu.memory_space<vmem>> -> memref<128x128xf32, #tpu.memory_space<vmem>>
      %dma_wait3A_41 = arith.constant 0 : i32
      %dma_wait3A_42 = tpu.memref_slice %arg13[%add3A_14, %dma_wait3A_41] : memref<10240x128xf32, #tpu.memory_space<vmem_shared>> -> memref<128x128xf32, #tpu.memory_space<vmem_shared>>
      %dma_wait3A_43 = arith.constant 0 : i32
      %dma_wait3A_44 = tpu.memref_slice %arg13[%add3A_14, %dma_wait3A_43] : memref<10240x128xf32, #tpu.memory_space<vmem_shared>> -> memref<128x128xf32, #tpu.memory_space<vmem_shared>>
      %dma_wait3A_45 = arith.constant 0 : i32
      %dma_wait3A_46 = arith.constant 0 : i32
      %dma_wait3A_47 = tpu.memref_slice %arg12[%run_scoped3A_15, %dma_wait3A_45, %dma_wait3A_46] : memref<2x128x128xf32, #tpu.memory_space<vmem>> -> memref<1x128x128xf32, #tpu.memory_space<vmem>>
      %dma_wait3A_48 = tpu.memref_squeeze %dma_wait3A_47 : memref<1x128x128xf32, #tpu.memory_space<vmem>> -> memref<128x128xf32, #tpu.memory_space<vmem>>
      tpu.wait_dma2 semaphore(%run_scoped3A_26 : memref<!tpu.dma_semaphore, #tpu.memory_space<semaphore_mem>>) src(%dma_wait3A_48 : memref<128x128xf32, #tpu.memory_space<vmem>>) dst(%dma_wait3A_44 : memref<128x128xf32, #tpu.memory_space<vmem_shared>>)
      tpu.yield
    }) : () -> ()
    %add3A_16 = arith.constant 512 : i32
    %add3A_17 = arith.addi %mul3A_5, %add3A_16 : i32
    %run_scoped3A_18 = arith.constant 0 : i32
    "tpu.region"() ({
      %run_scoped3A_26 = tpu.sem_alloc : memref<!tpu.dma_semaphore, #tpu.memory_space<semaphore_mem>>
      %dma_start3A = arith.constant 0 : i32
      %dma_start3A_27 = arith.constant 0 : i32
      %dma_start3A_28 = tpu.memref_slice %arg12[%run_scoped3A_18, %dma_start3A, %dma_start3A_27] : memref<2x128x128xf32, #tpu.memory_space<vmem>> -> memref<1x128x128xf32, #tpu.memory_space<vmem>>
      %dma_start3A_29 = tpu.memref_squeeze %dma_start3A_28 : memref<1x128x128xf32, #tpu.memory_space<vmem>> -> memref<128x128xf32, #tpu.memory_space<vmem>>
      %dma_start3A_30 = arith.constant 0 : i32
      %dma_start3A_31 = tpu.memref_slice %arg13[%add3A_17, %dma_start3A_30] : memref<10240x128xf32, #tpu.memory_space<vmem_shared>> -> memref<128x128xf32, #tpu.memory_space<vmem_shared>>
      %dma_start3A_32 = arith.constant 0 : i32
      %dma_start3A_33 = tpu.memref_slice %arg13[%add3A_17, %dma_start3A_32] : memref<10240x128xf32, #tpu.memory_space<vmem_shared>> -> memref<128x128xf32, #tpu.memory_space<vmem_shared>>
      %dma_start3A_34 = arith.constant 0 : i32
      %dma_start3A_35 = arith.constant 0 : i32
      %dma_start3A_36 = tpu.memref_slice %arg12[%run_scoped3A_18, %dma_start3A_34, %dma_start3A_35] : memref<2x128x128xf32, #tpu.memory_space<vmem>> -> memref<1x128x128xf32, #tpu.memory_space<vmem>>
      %dma_start3A_37 = tpu.memref_squeeze %dma_start3A_36 : memref<1x128x128xf32, #tpu.memory_space<vmem>> -> memref<128x128xf32, #tpu.memory_space<vmem>>
      tpu.enqueue_dma source(%dma_start3A_37 : memref<128x128xf32, #tpu.memory_space<vmem>>) target(%dma_start3A_33 : memref<128x128xf32, #tpu.memory_space<vmem_shared>>) target_semaphore(%run_scoped3A_26 : memref<!tpu.dma_semaphore, #tpu.memory_space<semaphore_mem>>)
      %dma_wait3A = arith.constant 0 : i32
      %dma_wait3A_38 = arith.constant 0 : i32
      %dma_wait3A_39 = tpu.memref_slice %arg12[%run_scoped3A_18, %dma_wait3A, %dma_wait3A_38] : memref<2x128x128xf32, #tpu.memory_space<vmem>> -> memref<1x128x128xf32, #tpu.memory_space<vmem>>
      %dma_wait3A_40 = tpu.memref_squeeze %dma_wait3A_39 : memref<1x128x128xf32, #tpu.memory_space<vmem>> -> memref<128x128xf32, #tpu.memory_space<vmem>>
      %dma_wait3A_41 = arith.constant 0 : i32
      %dma_wait3A_42 = tpu.memref_slice %arg13[%add3A_17, %dma_wait3A_41] : memref<10240x128xf32, #tpu.memory_space<vmem_shared>> -> memref<128x128xf32, #tpu.memory_space<vmem_shared>>
      %dma_wait3A_43 = arith.constant 0 : i32
      %dma_wait3A_44 = tpu.memref_slice %arg13[%add3A_17, %dma_wait3A_43] : memref<10240x128xf32, #tpu.memory_space<vmem_shared>> -> memref<128x128xf32, #tpu.memory_space<vmem_shared>>
      %dma_wait3A_45 = arith.constant 0 : i32
      %dma_wait3A_46 = arith.constant 0 : i32
      %dma_wait3A_47 = tpu.memref_slice %arg12[%run_scoped3A_18, %dma_wait3A_45, %dma_wait3A_46] : memref<2x128x128xf32, #tpu.memory_space<vmem>> -> memref<1x128x128xf32, #tpu.memory_space<vmem>>
      %dma_wait3A_48 = tpu.memref_squeeze %dma_wait3A_47 : memref<1x128x128xf32, #tpu.memory_space<vmem>> -> memref<128x128xf32, #tpu.memory_space<vmem>>
      tpu.wait_dma2 semaphore(%run_scoped3A_26 : memref<!tpu.dma_semaphore, #tpu.memory_space<semaphore_mem>>) src(%dma_wait3A_48 : memref<128x128xf32, #tpu.memory_space<vmem>>) dst(%dma_wait3A_44 : memref<128x128xf32, #tpu.memory_space<vmem_shared>>)
      tpu.yield
    }) : () -> ()
    %barrier3A = arith.constant 0 : index
    tpu.barrier barrier_id(%barrier3A)
    %eq3A = arith.constant 0 : i32
    %eq3A_19 = arith.cmpi eq, %arg0, %eq3A : i32
    %convert_element_type3A = arith.extui %eq3A_19 : i1 to i32
    %cond3A = arith.constant 0 : i32
    %cond3A_20 = arith.cmpi ne, %convert_element_type3A, %cond3A : i32
    scf.if %cond3A_20 {
      %scan3A_26 = arith.constant 0 : i32
      %scan3A_27 = arith.constant 5 : i32
      %scan3A_28 = arith.addi %scan3A_26, %scan3A_27 : i32
      %scan3A_29 = arith.constant 1 : i32
      scf.for %scan3A_52 = %scan3A_26 to %scan3A_28 step %scan3A_29  : i32 {
        %mul3A_53 = arith.constant 32 : i32
        %mul3A_54 = arith.muli %scan3A_52, %mul3A_53 : i32
        "tpu.region"() ({
          %run_scoped3A_73 = tpu.sem_alloc : memref<!tpu.dma_semaphore, #tpu.memory_space<semaphore_mem>>
          %dma_start3A_74 = arith.constant 0 : i32
          %dma_start3A_75 = tpu.memref_slice %arg4[%arg1, %mul3A_54, %dma_start3A_74] : memref<16x160x128xi32, #tpu.memory_space<hbm>> -> memref<1x32x128xi32, #tpu.memory_space<hbm>>
          %dma_start3A_76 = tpu.memref_squeeze %dma_start3A_75 : memref<1x32x128xi32, #tpu.memory_space<hbm>> -> memref<32x128xi32, #tpu.memory_space<hbm>>
          %dma_start3A_77 = arith.constant 0 : i32
          %dma_start3A_78 = tpu.memref_slice %arg4[%arg1, %mul3A_54, %dma_start3A_77] : memref<16x160x128xi32, #tpu.memory_space<hbm>> -> memref<1x32x128xi32, #tpu.memory_space<hbm>>
          %dma_start3A_79 = tpu.memref_squeeze %dma_start3A_78 : memref<1x32x128xi32, #tpu.memory_space<hbm>> -> memref<32x128xi32, #tpu.memory_space<hbm>>
          tpu.enqueue_dma source(%dma_start3A_79 : memref<32x128xi32, #tpu.memory_space<hbm>>) target(%arg10 : memref<32x128xi32, #tpu.memory_space<vmem>>) target_semaphore(%run_scoped3A_73 : memref<!tpu.dma_semaphore, #tpu.memory_space<semaphore_mem>>)
          %dma_wait3A = arith.constant 0 : i32
          %dma_wait3A_80 = tpu.memref_slice %arg4[%arg1, %mul3A_54, %dma_wait3A] : memref<16x160x128xi32, #tpu.memory_space<hbm>> -> memref<1x32x128xi32, #tpu.memory_space<hbm>>
          %dma_wait3A_81 = tpu.memref_squeeze %dma_wait3A_80 : memref<1x32x128xi32, #tpu.memory_space<hbm>> -> memref<32x128xi32, #tpu.memory_space<hbm>>
          %dma_wait3A_82 = arith.constant 0 : i32
          %dma_wait3A_83 = tpu.memref_slice %arg4[%arg1, %mul3A_54, %dma_wait3A_82] : memref<16x160x128xi32, #tpu.memory_space<hbm>> -> memref<1x32x128xi32, #tpu.memory_space<hbm>>
          %dma_wait3A_84 = tpu.memref_squeeze %dma_wait3A_83 : memref<1x32x128xi32, #tpu.memory_space<hbm>> -> memref<32x128xi32, #tpu.memory_space<hbm>>
          tpu.wait_dma2 semaphore(%run_scoped3A_73 : memref<!tpu.dma_semaphore, #tpu.memory_space<semaphore_mem>>) src(%dma_wait3A_84 : memref<32x128xi32, #tpu.memory_space<hbm>>) dst(%arg10 : memref<32x128xi32, #tpu.memory_space<vmem>>)
          tpu.yield
        }) : () -> ()
        %mul3A_55 = arith.constant 32 : i32
        %mul3A_56 = arith.muli %scan3A_52, %mul3A_55 : i32
        "tpu.region"() ({
          %run_scoped3A_73 = tpu.sem_alloc : memref<!tpu.dma_semaphore, #tpu.memory_space<semaphore_mem>>
          %dma_start3A_74 = arith.constant 0 : i32
          %dma_start3A_75 = tpu.memref_slice %arg5[%arg1, %mul3A_56, %dma_start3A_74] : memref<16x160x128xi32, #tpu.memory_space<hbm>> -> memref<1x32x128xi32, #tpu.memory_space<hbm>>
          %dma_start3A_76 = tpu.memref_squeeze %dma_start3A_75 : memref<1x32x128xi32, #tpu.memory_space<hbm>> -> memref<32x128xi32, #tpu.memory_space<hbm>>
          %dma_start3A_77 = arith.constant 0 : i32
          %dma_start3A_78 = tpu.memref_slice %arg5[%arg1, %mul3A_56, %dma_start3A_77] : memref<16x160x128xi32, #tpu.memory_space<hbm>> -> memref<1x32x128xi32, #tpu.memory_space<hbm>>
          %dma_start3A_79 = tpu.memref_squeeze %dma_start3A_78 : memref<1x32x128xi32, #tpu.memory_space<hbm>> -> memref<32x128xi32, #tpu.memory_space<hbm>>
          tpu.enqueue_dma source(%dma_start3A_79 : memref<32x128xi32, #tpu.memory_space<hbm>>) target(%arg11 : memref<32x128xi32, #tpu.memory_space<vmem>>) target_semaphore(%run_scoped3A_73 : memref<!tpu.dma_semaphore, #tpu.memory_space<semaphore_mem>>)
          %dma_wait3A = arith.constant 0 : i32
          %dma_wait3A_80 = tpu.memref_slice %arg5[%arg1, %mul3A_56, %dma_wait3A] : memref<16x160x128xi32, #tpu.memory_space<hbm>> -> memref<1x32x128xi32, #tpu.memory_space<hbm>>
          %dma_wait3A_81 = tpu.memref_squeeze %dma_wait3A_80 : memref<1x32x128xi32, #tpu.memory_space<hbm>> -> memref<32x128xi32, #tpu.memory_space<hbm>>
          %dma_wait3A_82 = arith.constant 0 : i32
          %dma_wait3A_83 = tpu.memref_slice %arg5[%arg1, %mul3A_56, %dma_wait3A_82] : memref<16x160x128xi32, #tpu.memory_space<hbm>> -> memref<1x32x128xi32, #tpu.memory_space<hbm>>
          %dma_wait3A_84 = tpu.memref_squeeze %dma_wait3A_83 : memref<1x32x128xi32, #tpu.memory_space<hbm>> -> memref<32x128xi32, #tpu.memory_space<hbm>>
          tpu.wait_dma2 semaphore(%run_scoped3A_73 : memref<!tpu.dma_semaphore, #tpu.memory_space<semaphore_mem>>) src(%dma_wait3A_84 : memref<32x128xi32, #tpu.memory_space<hbm>>) dst(%arg11 : memref<32x128xi32, #tpu.memory_space<vmem>>)
          tpu.yield
        }) : () -> ()
        %dma_start3A = arith.constant 0 : i32
        %dma_start3A_57 = arith.constant 0 : i32
        %dma_start3A_58 = arith.constant 0 : i32
        %dma_start3A_59 = arith.constant 0 : i32
        %dma_start3A_60 = tpu.memref_slice %arg12[%dma_start3A_57, %dma_start3A_58, %dma_start3A_59] : memref<2x128x128xf32, #tpu.memory_space<vmem>> -> memref<1x128x128xf32, #tpu.memory_space<vmem>>
        %dma_start3A_61 = tpu.memref_squeeze %dma_start3A_60 : memref<1x128x128xf32, #tpu.memory_space<vmem>> -> memref<128x128xf32, #tpu.memory_space<vmem>>
        %dma_start3A_62 = arith.constant 0 : i32
        %dma_start3A_63 = tpu.memref_slice %arg10[%dma_start3A, %dma_start3A_62] : memref<32x128xi32, #tpu.memory_space<vmem>> -> memref<1x128xi32, #tpu.memory_space<vmem>>
        %dma_start3A_64 = tpu.memref_squeeze %dma_start3A_63 : memref<1x128xi32, #tpu.memory_space<vmem>> -> memref<128xi32, #tpu.memory_space<vmem>>
        %dma_start3A_65 = arith.constant 0 : i32
        %dma_start3A_66 = arith.constant 0 : i32
        %dma_start3A_67 = tpu.memref_slice %arg2[%dma_start3A_65, %dma_start3A_66] : memref<10240x128xf32, #tpu.memory_space<hbm>> -> memref<10240x128xf32, #tpu.memory_space<hbm>>
        tpu.enqueue_indirect_dma source(%dma_start3A_67 : memref<10240x128xf32, #tpu.memory_space<hbm>>) target(%dma_start3A_61 : memref<128x128xf32, #tpu.memory_space<vmem>>) offsets(%dma_start3A_64 : memref<128xi32, #tpu.memory_space<vmem>>) semaphore(%arg14 : memref<!tpu.dma_semaphore, #tpu.memory_space<semaphore_mem>>)
        %scan3A_68 = arith.constant 0 : i32
        %scan3A_69 = arith.constant 16 : i32
        %scan3A_70 = arith.addi %scan3A_68, %scan3A_69 : i32
        %scan3A_71 = arith.constant 1 : i32
        scf.for %scan3A_73 = %scan3A_68 to %scan3A_70 step %scan3A_71  : i32 {
          %mul3A_74 = arith.constant 2 : i32
          %mul3A_75 = arith.muli %scan3A_73, %mul3A_74 : i32
          %add3A_76 = arith.constant 0 : i32
          %add3A_77 = arith.addi %mul3A_75, %add3A_76 : i32
          %add3A_78 = arith.constant 2 : i32
          %add3A_79 = arith.addi %add3A_77, %add3A_78 : i32
          %sub3A = arith.constant 1 : i32
          %sub3A_80 = arith.subi %add3A_79, %sub3A : i32
          %lt3A = arith.constant 32 : i32
          %lt3A_81 = arith.cmpi slt, %sub3A_80, %lt3A : i32
          %convert_element_type3A_82 = arith.extui %lt3A_81 : i1 to i32
          %cond3A_83 = arith.constant 0 : i32
          %cond3A_84 = arith.cmpi ne, %convert_element_type3A_82, %cond3A_83 : i32
          scf.if %cond3A_84 {
            %dma_start3A_125 = arith.constant 1 : i32
            %dma_start3A_126 = arith.constant 0 : i32
            %dma_start3A_127 = arith.constant 0 : i32
            %dma_start3A_128 = tpu.memref_slice %arg12[%dma_start3A_125, %dma_start3A_126, %dma_start3A_127] : memref<2x128x128xf32, #tpu.memory_space<vmem>> -> memref<1x128x128xf32, #tpu.memory_space<vmem>>
            %dma_start3A_129 = tpu.memref_squeeze %dma_start3A_128 : memref<1x128x128xf32, #tpu.memory_space<vmem>> -> memref<128x128xf32, #tpu.memory_space<vmem>>
            %dma_start3A_130 = arith.constant 0 : i32
            %dma_start3A_131 = tpu.memref_slice %arg10[%sub3A_80, %dma_start3A_130] : memref<32x128xi32, #tpu.memory_space<vmem>> -> memref<1x128xi32, #tpu.memory_space<vmem>>
            %dma_start3A_132 = tpu.memref_squeeze %dma_start3A_131 : memref<1x128xi32, #tpu.memory_space<vmem>> -> memref<128xi32, #tpu.memory_space<vmem>>
            %dma_start3A_133 = arith.constant 0 : i32
            %dma_start3A_134 = arith.constant 0 : i32
            %dma_start3A_135 = tpu.memref_slice %arg2[%dma_start3A_133, %dma_start3A_134] : memref<10240x128xf32, #tpu.memory_space<hbm>> -> memref<10240x128xf32, #tpu.memory_space<hbm>>
            tpu.enqueue_indirect_dma source(%dma_start3A_135 : memref<10240x128xf32, #tpu.memory_space<hbm>>) target(%dma_start3A_129 : memref<128x128xf32, #tpu.memory_space<vmem>>) offsets(%dma_start3A_132 : memref<128xi32, #tpu.memory_space<vmem>>) semaphore(%arg15 : memref<!tpu.dma_semaphore, #tpu.memory_space<semaphore_mem>>)
          } else {
          }
          %dma_wait3A = arith.constant 0 : i32
          %dma_wait3A_85 = arith.constant 0 : i32
          %dma_wait3A_86 = arith.constant 0 : i32
          %dma_wait3A_87 = arith.constant 0 : i32
          %dma_wait3A_88 = tpu.memref_slice %arg12[%dma_wait3A_85, %dma_wait3A_86, %dma_wait3A_87] : memref<2x128x128xf32, #tpu.memory_space<vmem>> -> memref<1x128x128xf32, #tpu.memory_space<vmem>>
          %dma_wait3A_89 = tpu.memref_squeeze %dma_wait3A_88 : memref<1x128x128xf32, #tpu.memory_space<vmem>> -> memref<128x128xf32, #tpu.memory_space<vmem>>
          %dma_wait3A_90 = arith.constant 0 : i32
          %dma_wait3A_91 = tpu.memref_slice %arg10[%dma_wait3A, %dma_wait3A_90] : memref<32x128xi32, #tpu.memory_space<vmem>> -> memref<1x128xi32, #tpu.memory_space<vmem>>
          %dma_wait3A_92 = tpu.memref_squeeze %dma_wait3A_91 : memref<1x128xi32, #tpu.memory_space<vmem>> -> memref<128xi32, #tpu.memory_space<vmem>>
          %dma_wait3A_93 = arith.constant 0 : i32
          %dma_wait3A_94 = arith.constant 0 : i32
          %dma_wait3A_95 = tpu.memref_slice %arg2[%dma_wait3A_93, %dma_wait3A_94] : memref<10240x128xf32, #tpu.memory_space<hbm>> -> memref<10240x128xf32, #tpu.memory_space<hbm>>
          tpu.wait_indirect_dma semaphore(%arg14 : memref<!tpu.dma_semaphore, #tpu.memory_space<semaphore_mem>>) src(%dma_wait3A_95 : memref<10240x128xf32, #tpu.memory_space<hbm>>) dst(%dma_wait3A_89 : memref<128x128xf32, #tpu.memory_space<vmem>>)
          %add3A_96 = arith.constant 0 : i32
          %add3A_97 = arith.addi %mul3A_75, %add3A_96 : i32
          %run_scoped3A_98 = arith.constant 0 : i32
          "tpu.region"() ({
            %run_scoped3A_125 = tpu.sem_alloc : memref<!tpu.dma_semaphore, #tpu.memory_space<semaphore_mem>>
            %dma_start3A_126 = arith.constant 0 : i32
            %dma_start3A_127 = arith.constant 0 : i32
            %dma_start3A_128 = tpu.memref_slice %arg12[%run_scoped3A_98, %dma_start3A_126, %dma_start3A_127] : memref<2x128x128xf32, #tpu.memory_space<vmem>> -> memref<1x128x128xf32, #tpu.memory_space<vmem>>
            %dma_start3A_129 = tpu.memref_squeeze %dma_start3A_128 : memref<1x128x128xf32, #tpu.memory_space<vmem>> -> memref<128x128xf32, #tpu.memory_space<vmem>>
            %dma_start3A_130 = arith.constant 0 : i32
            %dma_start3A_131 = tpu.memref_slice %arg11[%add3A_97, %dma_start3A_130] : memref<32x128xi32, #tpu.memory_space<vmem>> -> memref<1x128xi32, #tpu.memory_space<vmem>>
            %dma_start3A_132 = tpu.memref_squeeze %dma_start3A_131 : memref<1x128xi32, #tpu.memory_space<vmem>> -> memref<128xi32, #tpu.memory_space<vmem>>
            %dma_start3A_133 = arith.constant 0 : i32
            %dma_start3A_134 = arith.constant 0 : i32
            %dma_start3A_135 = tpu.memref_slice %arg13[%dma_start3A_133, %dma_start3A_134] : memref<10240x128xf32, #tpu.memory_space<vmem_shared>> -> memref<10240x128xf32, #tpu.memory_space<vmem_shared>>
            tpu.enqueue_indirect_dma source(%dma_start3A_129 : memref<128x128xf32, #tpu.memory_space<vmem>>) target(%dma_start3A_135 : memref<10240x128xf32, #tpu.memory_space<vmem_shared>>) offsets(%dma_start3A_132 : memref<128xi32, #tpu.memory_space<vmem>>) semaphore(%run_scoped3A_125 : memref<!tpu.dma_semaphore, #tpu.memory_space<semaphore_mem>>) {add = true}
            %dma_wait3A_136 = arith.constant 0 : i32
            %dma_wait3A_137 = arith.constant 0 : i32
            %dma_wait3A_138 = tpu.memref_slice %arg12[%run_scoped3A_98, %dma_wait3A_136, %dma_wait3A_137] : memref<2x128x128xf32, #tpu.memory_space<vmem>> -> memref<1x128x128xf32, #tpu.memory_space<vmem>>
            %dma_wait3A_139 = tpu.memref_squeeze %dma_wait3A_138 : memref<1x128x128xf32, #tpu.memory_space<vmem>> -> memref<128x128xf32, #tpu.memory_space<vmem>>
            %dma_wait3A_140 = arith.constant 0 : i32
            %dma_wait3A_141 = tpu.memref_slice %arg11[%add3A_97, %dma_wait3A_140] : memref<32x128xi32, #tpu.memory_space<vmem>> -> memref<1x128xi32, #tpu.memory_space<vmem>>
            %dma_wait3A_142 = tpu.memref_squeeze %dma_wait3A_141 : memref<1x128xi32, #tpu.memory_space<vmem>> -> memref<128xi32, #tpu.memory_space<vmem>>
            %dma_wait3A_143 = arith.constant 0 : i32
            %dma_wait3A_144 = arith.constant 0 : i32
            %dma_wait3A_145 = tpu.memref_slice %arg13[%dma_wait3A_143, %dma_wait3A_144] : memref<10240x128xf32, #tpu.memory_space<vmem_shared>> -> memref<10240x128xf32, #tpu.memory_space<vmem_shared>>
            tpu.wait_indirect_dma semaphore(%run_scoped3A_125 : memref<!tpu.dma_semaphore, #tpu.memory_space<semaphore_mem>>) src(%dma_wait3A_139 : memref<128x128xf32, #tpu.memory_space<vmem>>) dst(%dma_wait3A_145 : memref<10240x128xf32, #tpu.memory_space<vmem_shared>>)
            tpu.yield
          }) : () -> ()
          %add3A_99 = arith.constant 1 : i32
          %add3A_100 = arith.addi %mul3A_75, %add3A_99 : i32
          %add3A_101 = arith.constant 2 : i32
          %add3A_102 = arith.addi %add3A_100, %add3A_101 : i32
          %sub3A_103 = arith.constant 1 : i32
          %sub3A_104 = arith.subi %add3A_102, %sub3A_103 : i32
          %lt3A_105 = arith.constant 32 : i32
          %lt3A_106 = arith.cmpi slt, %sub3A_104, %lt3A_105 : i32
          %convert_element_type3A_107 = arith.extui %lt3A_106 : i1 to i32
          %cond3A_108 = arith.constant 0 : i32
          %cond3A_109 = arith.cmpi ne, %convert_element_type3A_107, %cond3A_108 : i32
          scf.if %cond3A_109 {
            %dma_start3A_125 = arith.constant 0 : i32
            %dma_start3A_126 = arith.constant 0 : i32
            %dma_start3A_127 = arith.constant 0 : i32
            %dma_start3A_128 = tpu.memref_slice %arg12[%dma_start3A_125, %dma_start3A_126, %dma_start3A_127] : memref<2x128x128xf32, #tpu.memory_space<vmem>> -> memref<1x128x128xf32, #tpu.memory_space<vmem>>
            %dma_start3A_129 = tpu.memref_squeeze %dma_start3A_128 : memref<1x128x128xf32, #tpu.memory_space<vmem>> -> memref<128x128xf32, #tpu.memory_space<vmem>>
            %dma_start3A_130 = arith.constant 0 : i32
            %dma_start3A_131 = tpu.memref_slice %arg10[%sub3A_104, %dma_start3A_130] : memref<32x128xi32, #tpu.memory_space<vmem>> -> memref<1x128xi32, #tpu.memory_space<vmem>>
            %dma_start3A_132 = tpu.memref_squeeze %dma_start3A_131 : memref<1x128xi32, #tpu.memory_space<vmem>> -> memref<128xi32, #tpu.memory_space<vmem>>
            %dma_start3A_133 = arith.constant 0 : i32
            %dma_start3A_134 = arith.constant 0 : i32
            %dma_start3A_135 = tpu.memref_slice %arg2[%dma_start3A_133, %dma_start3A_134] : memref<10240x128xf32, #tpu.memory_space<hbm>> -> memref<10240x128xf32, #tpu.memory_space<hbm>>
            tpu.enqueue_indirect_dma source(%dma_start3A_135 : memref<10240x128xf32, #tpu.memory_space<hbm>>) target(%dma_start3A_129 : memref<128x128xf32, #tpu.memory_space<vmem>>) offsets(%dma_start3A_132 : memref<128xi32, #tpu.memory_space<vmem>>) semaphore(%arg14 : memref<!tpu.dma_semaphore, #tpu.memory_space<semaphore_mem>>)
          } else {
          }
          %dma_wait3A_110 = arith.constant 0 : i32
          %dma_wait3A_111 = arith.constant 1 : i32
          %dma_wait3A_112 = arith.constant 0 : i32
          %dma_wait3A_113 = arith.constant 0 : i32
          %dma_wait3A_114 = tpu.memref_slice %arg12[%dma_wait3A_111, %dma_wait3A_112, %dma_wait3A_113] : memref<2x128x128xf32, #tpu.memory_space<vmem>> -> memref<1x128x128xf32, #tpu.memory_space<vmem>>
          %dma_wait3A_115 = tpu.memref_squeeze %dma_wait3A_114 : memref<1x128x128xf32, #tpu.memory_space<vmem>> -> memref<128x128xf32, #tpu.memory_space<vmem>>
          %dma_wait3A_116 = arith.constant 0 : i32
          %dma_wait3A_117 = tpu.memref_slice %arg10[%dma_wait3A_110, %dma_wait3A_116] : memref<32x128xi32, #tpu.memory_space<vmem>> -> memref<1x128xi32, #tpu.memory_space<vmem>>
          %dma_wait3A_118 = tpu.memref_squeeze %dma_wait3A_117 : memref<1x128xi32, #tpu.memory_space<vmem>> -> memref<128xi32, #tpu.memory_space<vmem>>
          %dma_wait3A_119 = arith.constant 0 : i32
          %dma_wait3A_120 = arith.constant 0 : i32
          %dma_wait3A_121 = tpu.memref_slice %arg2[%dma_wait3A_119, %dma_wait3A_120] : memref<10240x128xf32, #tpu.memory_space<hbm>> -> memref<10240x128xf32, #tpu.memory_space<hbm>>
          tpu.wait_indirect_dma semaphore(%arg15 : memref<!tpu.dma_semaphore, #tpu.memory_space<semaphore_mem>>) src(%dma_wait3A_121 : memref<10240x128xf32, #tpu.memory_space<hbm>>) dst(%dma_wait3A_115 : memref<128x128xf32, #tpu.memory_space<vmem>>)
          %add3A_122 = arith.constant 1 : i32
          %add3A_123 = arith.addi %mul3A_75, %add3A_122 : i32
          %run_scoped3A_124 = arith.constant 1 : i32
          "tpu.region"() ({
            %run_scoped3A_125 = tpu.sem_alloc : memref<!tpu.dma_semaphore, #tpu.memory_space<semaphore_mem>>
            %dma_start3A_126 = arith.constant 0 : i32
            %dma_start3A_127 = arith.constant 0 : i32
            %dma_start3A_128 = tpu.memref_slice %arg12[%run_scoped3A_124, %dma_start3A_126, %dma_start3A_127] : memref<2x128x128xf32, #tpu.memory_space<vmem>> -> memref<1x128x128xf32, #tpu.memory_space<vmem>>
            %dma_start3A_129 = tpu.memref_squeeze %dma_start3A_128 : memref<1x128x128xf32, #tpu.memory_space<vmem>> -> memref<128x128xf32, #tpu.memory_space<vmem>>
            %dma_start3A_130 = arith.constant 0 : i32
            %dma_start3A_131 = tpu.memref_slice %arg11[%add3A_123, %dma_start3A_130] : memref<32x128xi32, #tpu.memory_space<vmem>> -> memref<1x128xi32, #tpu.memory_space<vmem>>
            %dma_start3A_132 = tpu.memref_squeeze %dma_start3A_131 : memref<1x128xi32, #tpu.memory_space<vmem>> -> memref<128xi32, #tpu.memory_space<vmem>>
            %dma_start3A_133 = arith.constant 0 : i32
            %dma_start3A_134 = arith.constant 0 : i32
            %dma_start3A_135 = tpu.memref_slice %arg13[%dma_start3A_133, %dma_start3A_134] : memref<10240x128xf32, #tpu.memory_space<vmem_shared>> -> memref<10240x128xf32, #tpu.memory_space<vmem_shared>>
            tpu.enqueue_indirect_dma source(%dma_start3A_129 : memref<128x128xf32, #tpu.memory_space<vmem>>) target(%dma_start3A_135 : memref<10240x128xf32, #tpu.memory_space<vmem_shared>>) offsets(%dma_start3A_132 : memref<128xi32, #tpu.memory_space<vmem>>) semaphore(%run_scoped3A_125 : memref<!tpu.dma_semaphore, #tpu.memory_space<semaphore_mem>>) {add = true}
            %dma_wait3A_136 = arith.constant 0 : i32
            %dma_wait3A_137 = arith.constant 0 : i32
            %dma_wait3A_138 = tpu.memref_slice %arg12[%run_scoped3A_124, %dma_wait3A_136, %dma_wait3A_137] : memref<2x128x128xf32, #tpu.memory_space<vmem>> -> memref<1x128x128xf32, #tpu.memory_space<vmem>>
            %dma_wait3A_139 = tpu.memref_squeeze %dma_wait3A_138 : memref<1x128x128xf32, #tpu.memory_space<vmem>> -> memref<128x128xf32, #tpu.memory_space<vmem>>
            %dma_wait3A_140 = arith.constant 0 : i32
            %dma_wait3A_141 = tpu.memref_slice %arg11[%add3A_123, %dma_wait3A_140] : memref<32x128xi32, #tpu.memory_space<vmem>> -> memref<1x128xi32, #tpu.memory_space<vmem>>
            %dma_wait3A_142 = tpu.memref_squeeze %dma_wait3A_141 : memref<1x128xi32, #tpu.memory_space<vmem>> -> memref<128xi32, #tpu.memory_space<vmem>>
            %dma_wait3A_143 = arith.constant 0 : i32
            %dma_wait3A_144 = arith.constant 0 : i32
            %dma_wait3A_145 = tpu.memref_slice %arg13[%dma_wait3A_143, %dma_wait3A_144] : memref<10240x128xf32, #tpu.memory_space<vmem_shared>> -> memref<10240x128xf32, #tpu.memory_space<vmem_shared>>
            tpu.wait_indirect_dma semaphore(%run_scoped3A_125 : memref<!tpu.dma_semaphore, #tpu.memory_space<semaphore_mem>>) src(%dma_wait3A_139 : memref<128x128xf32, #tpu.memory_space<vmem>>) dst(%dma_wait3A_145 : memref<10240x128xf32, #tpu.memory_space<vmem_shared>>)
            tpu.yield
          }) : () -> ()
        }
        %scan3A_72 = arith.constant 16 : i32
      }
      %scan3A_30 = arith.constant 5 : i32
      %barrier3A_31 = arith.constant 0 : index
      tpu.barrier barrier_id(%barrier3A_31)
      %add3A_32 = arith.constant 0 : i32
      %add3A_33 = arith.addi %mul3A_5, %add3A_32 : i32
      %run_scoped3A_34 = arith.constant 0 : i32
      "tpu.region"() ({
        %run_scoped3A_52 = tpu.sem_alloc : memref<!tpu.dma_semaphore, #tpu.memory_space<semaphore_mem>>
        %dma_start3A = arith.constant 0 : i32
        %dma_start3A_53 = arith.constant 0 : i32
        %dma_start3A_54 = tpu.memref_slice %arg12[%run_scoped3A_34, %dma_start3A, %dma_start3A_53] : memref<2x128x128xf32, #tpu.memory_space<vmem>> -> memref<1x128x128xf32, #tpu.memory_space<vmem>>
        %dma_start3A_55 = tpu.memref_squeeze %dma_start3A_54 : memref<1x128x128xf32, #tpu.memory_space<vmem>> -> memref<128x128xf32, #tpu.memory_space<vmem>>
        %dma_start3A_56 = arith.constant 0 : i32
        %dma_start3A_57 = tpu.memref_slice %arg13[%add3A_33, %dma_start3A_56] : memref<10240x128xf32, #tpu.memory_space<vmem_shared>> -> memref<128x128xf32, #tpu.memory_space<vmem_shared>>
        %dma_start3A_58 = arith.constant 0 : i32
        %dma_start3A_59 = arith.constant 0 : i32
        %dma_start3A_60 = tpu.memref_slice %arg12[%run_scoped3A_34, %dma_start3A_58, %dma_start3A_59] : memref<2x128x128xf32, #tpu.memory_space<vmem>> -> memref<1x128x128xf32, #tpu.memory_space<vmem>>
        %dma_start3A_61 = tpu.memref_squeeze %dma_start3A_60 : memref<1x128x128xf32, #tpu.memory_space<vmem>> -> memref<128x128xf32, #tpu.memory_space<vmem>>
        %dma_start3A_62 = arith.constant 0 : i32
        %dma_start3A_63 = tpu.memref_slice %arg13[%add3A_33, %dma_start3A_62] : memref<10240x128xf32, #tpu.memory_space<vmem_shared>> -> memref<128x128xf32, #tpu.memory_space<vmem_shared>>
        tpu.enqueue_dma source(%dma_start3A_63 : memref<128x128xf32, #tpu.memory_space<vmem_shared>>) target(%dma_start3A_61 : memref<128x128xf32, #tpu.memory_space<vmem>>) target_semaphore(%run_scoped3A_52 : memref<!tpu.dma_semaphore, #tpu.memory_space<semaphore_mem>>)
        %dma_wait3A = arith.constant 0 : i32
        %dma_wait3A_64 = arith.constant 0 : i32
        %dma_wait3A_65 = tpu.memref_slice %arg12[%run_scoped3A_34, %dma_wait3A, %dma_wait3A_64] : memref<2x128x128xf32, #tpu.memory_space<vmem>> -> memref<1x128x128xf32, #tpu.memory_space<vmem>>
        %dma_wait3A_66 = tpu.memref_squeeze %dma_wait3A_65 : memref<1x128x128xf32, #tpu.memory_space<vmem>> -> memref<128x128xf32, #tpu.memory_space<vmem>>
        %dma_wait3A_67 = arith.constant 0 : i32
        %dma_wait3A_68 = tpu.memref_slice %arg13[%add3A_33, %dma_wait3A_67] : memref<10240x128xf32, #tpu.memory_space<vmem_shared>> -> memref<128x128xf32, #tpu.memory_space<vmem_shared>>
        %dma_wait3A_69 = arith.constant 0 : i32
        %dma_wait3A_70 = arith.constant 0 : i32
        %dma_wait3A_71 = tpu.memref_slice %arg12[%run_scoped3A_34, %dma_wait3A_69, %dma_wait3A_70] : memref<2x128x128xf32, #tpu.memory_space<vmem>> -> memref<1x128x128xf32, #tpu.memory_space<vmem>>
        %dma_wait3A_72 = tpu.memref_squeeze %dma_wait3A_71 : memref<1x128x128xf32, #tpu.memory_space<vmem>> -> memref<128x128xf32, #tpu.memory_space<vmem>>
        %dma_wait3A_73 = arith.constant 0 : i32
        %dma_wait3A_74 = tpu.memref_slice %arg13[%add3A_33, %dma_wait3A_73] : memref<10240x128xf32, #tpu.memory_space<vmem_shared>> -> memref<128x128xf32, #tpu.memory_space<vmem_shared>>
        tpu.wait_dma2 semaphore(%run_scoped3A_52 : memref<!tpu.dma_semaphore, #tpu.memory_space<semaphore_mem>>) src(%dma_wait3A_74 : memref<128x128xf32, #tpu.memory_space<vmem_shared>>) dst(%dma_wait3A_72 : memref<128x128xf32, #tpu.memory_space<vmem>>)
        tpu.yield
      }) : () -> ()
      %run_scoped3A_35 = arith.constant 0 : i32
      "tpu.region"() ({
        %run_scoped3A_52 = tpu.sem_alloc : memref<!tpu.dma_semaphore, #tpu.memory_space<semaphore_mem>>
        %dma_start3A = arith.constant 0 : i32
        %dma_start3A_53 = arith.constant 0 : i32
        %dma_start3A_54 = tpu.memref_slice %arg12[%run_scoped3A_35, %dma_start3A, %dma_start3A_53] : memref<2x128x128xf32, #tpu.memory_space<vmem>> -> memref<1x128x128xf32, #tpu.memory_space<vmem>>
        %dma_start3A_55 = tpu.memref_squeeze %dma_start3A_54 : memref<1x128x128xf32, #tpu.memory_space<vmem>> -> memref<128x128xf32, #tpu.memory_space<vmem>>
        %dma_start3A_56 = arith.constant 0 : i32
        %dma_start3A_57 = tpu.memref_slice %arg8[%add3A_33, %dma_start3A_56] : memref<10240x128xf32, #tpu.memory_space<hbm>> -> memref<128x128xf32, #tpu.memory_space<hbm>>
        %dma_start3A_58 = arith.constant 0 : i32
        %dma_start3A_59 = tpu.memref_slice %arg8[%add3A_33, %dma_start3A_58] : memref<10240x128xf32, #tpu.memory_space<hbm>> -> memref<128x128xf32, #tpu.memory_space<hbm>>
        %dma_start3A_60 = arith.constant 0 : i32
        %dma_start3A_61 = arith.constant 0 : i32
        %dma_start3A_62 = tpu.memref_slice %arg12[%run_scoped3A_35, %dma_start3A_60, %dma_start3A_61] : memref<2x128x128xf32, #tpu.memory_space<vmem>> -> memref<1x128x128xf32, #tpu.memory_space<vmem>>
        %dma_start3A_63 = tpu.memref_squeeze %dma_start3A_62 : memref<1x128x128xf32, #tpu.memory_space<vmem>> -> memref<128x128xf32, #tpu.memory_space<vmem>>
        tpu.enqueue_dma source(%dma_start3A_63 : memref<128x128xf32, #tpu.memory_space<vmem>>) target(%dma_start3A_59 : memref<128x128xf32, #tpu.memory_space<hbm>>) target_semaphore(%run_scoped3A_52 : memref<!tpu.dma_semaphore, #tpu.memory_space<semaphore_mem>>)
        %dma_wait3A = arith.constant 0 : i32
        %dma_wait3A_64 = arith.constant 0 : i32
        %dma_wait3A_65 = tpu.memref_slice %arg12[%run_scoped3A_35, %dma_wait3A, %dma_wait3A_64] : memref<2x128x128xf32, #tpu.memory_space<vmem>> -> memref<1x128x128xf32, #tpu.memory_space<vmem>>
        %dma_wait3A_66 = tpu.memref_squeeze %dma_wait3A_65 : memref<1x128x128xf32, #tpu.memory_space<vmem>> -> memref<128x128xf32, #tpu.memory_space<vmem>>
        %dma_wait3A_67 = arith.constant 0 : i32
        %dma_wait3A_68 = tpu.memref_slice %arg8[%add3A_33, %dma_wait3A_67] : memref<10240x128xf32, #tpu.memory_space<hbm>> -> memref<128x128xf32, #tpu.memory_space<hbm>>
        %dma_wait3A_69 = arith.constant 0 : i32
        %dma_wait3A_70 = tpu.memref_slice %arg8[%add3A_33, %dma_wait3A_69] : memref<10240x128xf32, #tpu.memory_space<hbm>> -> memref<128x128xf32, #tpu.memory_space<hbm>>
        %dma_wait3A_71 = arith.constant 0 : i32
        %dma_wait3A_72 = arith.constant 0 : i32
        %dma_wait3A_73 = tpu.memref_slice %arg12[%run_scoped3A_35, %dma_wait3A_71, %dma_wait3A_72] : memref<2x128x128xf32, #tpu.memory_space<vmem>> -> memref<1x128x128xf32, #tpu.memory_space<vmem>>
        %dma_wait3A_74 = tpu.memref_squeeze %dma_wait3A_73 : memref<1x128x128xf32, #tpu.memory_space<vmem>> -> memref<128x128xf32, #tpu.memory_space<vmem>>
        tpu.wait_dma2 semaphore(%run_scoped3A_52 : memref<!tpu.dma_semaphore, #tpu.memory_space<semaphore_mem>>) src(%dma_wait3A_74 : memref<128x128xf32, #tpu.memory_space<vmem>>) dst(%dma_wait3A_70 : memref<128x128xf32, #tpu.memory_space<hbm>>)
        tpu.yield
      }) : () -> ()
      %add3A_36 = arith.constant 128 : i32
      %add3A_37 = arith.addi %mul3A_5, %add3A_36 : i32
      %run_scoped3A_38 = arith.constant 0 : i32
      "tpu.region"() ({
        %run_scoped3A_52 = tpu.sem_alloc : memref<!tpu.dma_semaphore, #tpu.memory_space<semaphore_mem>>
        %dma_start3A = arith.constant 0 : i32
        %dma_start3A_53 = arith.constant 0 : i32
        %dma_start3A_54 = tpu.memref_slice %arg12[%run_scoped3A_38, %dma_start3A, %dma_start3A_53] : memref<2x128x128xf32, #tpu.memory_space<vmem>> -> memref<1x128x128xf32, #tpu.memory_space<vmem>>
        %dma_start3A_55 = tpu.memref_squeeze %dma_start3A_54 : memref<1x128x128xf32, #tpu.memory_space<vmem>> -> memref<128x128xf32, #tpu.memory_space<vmem>>
        %dma_start3A_56 = arith.constant 0 : i32
        %dma_start3A_57 = tpu.memref_slice %arg13[%add3A_37, %dma_start3A_56] : memref<10240x128xf32, #tpu.memory_space<vmem_shared>> -> memref<128x128xf32, #tpu.memory_space<vmem_shared>>
        %dma_start3A_58 = arith.constant 0 : i32
        %dma_start3A_59 = arith.constant 0 : i32
        %dma_start3A_60 = tpu.memref_slice %arg12[%run_scoped3A_38, %dma_start3A_58, %dma_start3A_59] : memref<2x128x128xf32, #tpu.memory_space<vmem>> -> memref<1x128x128xf32, #tpu.memory_space<vmem>>
        %dma_start3A_61 = tpu.memref_squeeze %dma_start3A_60 : memref<1x128x128xf32, #tpu.memory_space<vmem>> -> memref<128x128xf32, #tpu.memory_space<vmem>>
        %dma_start3A_62 = arith.constant 0 : i32
        %dma_start3A_63 = tpu.memref_slice %arg13[%add3A_37, %dma_start3A_62] : memref<10240x128xf32, #tpu.memory_space<vmem_shared>> -> memref<128x128xf32, #tpu.memory_space<vmem_shared>>
        tpu.enqueue_dma source(%dma_start3A_63 : memref<128x128xf32, #tpu.memory_space<vmem_shared>>) target(%dma_start3A_61 : memref<128x128xf32, #tpu.memory_space<vmem>>) target_semaphore(%run_scoped3A_52 : memref<!tpu.dma_semaphore, #tpu.memory_space<semaphore_mem>>)
        %dma_wait3A = arith.constant 0 : i32
        %dma_wait3A_64 = arith.constant 0 : i32
        %dma_wait3A_65 = tpu.memref_slice %arg12[%run_scoped3A_38, %dma_wait3A, %dma_wait3A_64] : memref<2x128x128xf32, #tpu.memory_space<vmem>> -> memref<1x128x128xf32, #tpu.memory_space<vmem>>
        %dma_wait3A_66 = tpu.memref_squeeze %dma_wait3A_65 : memref<1x128x128xf32, #tpu.memory_space<vmem>> -> memref<128x128xf32, #tpu.memory_space<vmem>>
        %dma_wait3A_67 = arith.constant 0 : i32
        %dma_wait3A_68 = tpu.memref_slice %arg13[%add3A_37, %dma_wait3A_67] : memref<10240x128xf32, #tpu.memory_space<vmem_shared>> -> memref<128x128xf32, #tpu.memory_space<vmem_shared>>
        %dma_wait3A_69 = arith.constant 0 : i32
        %dma_wait3A_70 = arith.constant 0 : i32
        %dma_wait3A_71 = tpu.memref_slice %arg12[%run_scoped3A_38, %dma_wait3A_69, %dma_wait3A_70] : memref<2x128x128xf32, #tpu.memory_space<vmem>> -> memref<1x128x128xf32, #tpu.memory_space<vmem>>
        %dma_wait3A_72 = tpu.memref_squeeze %dma_wait3A_71 : memref<1x128x128xf32, #tpu.memory_space<vmem>> -> memref<128x128xf32, #tpu.memory_space<vmem>>
        %dma_wait3A_73 = arith.constant 0 : i32
        %dma_wait3A_74 = tpu.memref_slice %arg13[%add3A_37, %dma_wait3A_73] : memref<10240x128xf32, #tpu.memory_space<vmem_shared>> -> memref<128x128xf32, #tpu.memory_space<vmem_shared>>
        tpu.wait_dma2 semaphore(%run_scoped3A_52 : memref<!tpu.dma_semaphore, #tpu.memory_space<semaphore_mem>>) src(%dma_wait3A_74 : memref<128x128xf32, #tpu.memory_space<vmem_shared>>) dst(%dma_wait3A_72 : memref<128x128xf32, #tpu.memory_space<vmem>>)
        tpu.yield
      }) : () -> ()
      %run_scoped3A_39 = arith.constant 0 : i32
      "tpu.region"() ({
        %run_scoped3A_52 = tpu.sem_alloc : memref<!tpu.dma_semaphore, #tpu.memory_space<semaphore_mem>>
        %dma_start3A = arith.constant 0 : i32
        %dma_start3A_53 = arith.constant 0 : i32
        %dma_start3A_54 = tpu.memref_slice %arg12[%run_scoped3A_39, %dma_start3A, %dma_start3A_53] : memref<2x128x128xf32, #tpu.memory_space<vmem>> -> memref<1x128x128xf32, #tpu.memory_space<vmem>>
        %dma_start3A_55 = tpu.memref_squeeze %dma_start3A_54 : memref<1x128x128xf32, #tpu.memory_space<vmem>> -> memref<128x128xf32, #tpu.memory_space<vmem>>
        %dma_start3A_56 = arith.constant 0 : i32
        %dma_start3A_57 = tpu.memref_slice %arg8[%add3A_37, %dma_start3A_56] : memref<10240x128xf32, #tpu.memory_space<hbm>> -> memref<128x128xf32, #tpu.memory_space<hbm>>
        %dma_start3A_58 = arith.constant 0 : i32
        %dma_start3A_59 = tpu.memref_slice %arg8[%add3A_37, %dma_start3A_58] : memref<10240x128xf32, #tpu.memory_space<hbm>> -> memref<128x128xf32, #tpu.memory_space<hbm>>
        %dma_start3A_60 = arith.constant 0 : i32
        %dma_start3A_61 = arith.constant 0 : i32
        %dma_start3A_62 = tpu.memref_slice %arg12[%run_scoped3A_39, %dma_start3A_60, %dma_start3A_61] : memref<2x128x128xf32, #tpu.memory_space<vmem>> -> memref<1x128x128xf32, #tpu.memory_space<vmem>>
        %dma_start3A_63 = tpu.memref_squeeze %dma_start3A_62 : memref<1x128x128xf32, #tpu.memory_space<vmem>> -> memref<128x128xf32, #tpu.memory_space<vmem>>
        tpu.enqueue_dma source(%dma_start3A_63 : memref<128x128xf32, #tpu.memory_space<vmem>>) target(%dma_start3A_59 : memref<128x128xf32, #tpu.memory_space<hbm>>) target_semaphore(%run_scoped3A_52 : memref<!tpu.dma_semaphore, #tpu.memory_space<semaphore_mem>>)
        %dma_wait3A = arith.constant 0 : i32
        %dma_wait3A_64 = arith.constant 0 : i32
        %dma_wait3A_65 = tpu.memref_slice %arg12[%run_scoped3A_39, %dma_wait3A, %dma_wait3A_64] : memref<2x128x128xf32, #tpu.memory_space<vmem>> -> memref<1x128x128xf32, #tpu.memory_space<vmem>>
        %dma_wait3A_66 = tpu.memref_squeeze %dma_wait3A_65 : memref<1x128x128xf32, #tpu.memory_space<vmem>> -> memref<128x128xf32, #tpu.memory_space<vmem>>
        %dma_wait3A_67 = arith.constant 0 : i32
        %dma_wait3A_68 = tpu.memref_slice %arg8[%add3A_37, %dma_wait3A_67] : memref<10240x128xf32, #tpu.memory_space<hbm>> -> memref<128x128xf32, #tpu.memory_space<hbm>>
        %dma_wait3A_69 = arith.constant 0 : i32
        %dma_wait3A_70 = tpu.memref_slice %arg8[%add3A_37, %dma_wait3A_69] : memref<10240x128xf32, #tpu.memory_space<hbm>> -> memref<128x128xf32, #tpu.memory_space<hbm>>
        %dma_wait3A_71 = arith.constant 0 : i32
        %dma_wait3A_72 = arith.constant 0 : i32
        %dma_wait3A_73 = tpu.memref_slice %arg12[%run_scoped3A_39, %dma_wait3A_71, %dma_wait3A_72] : memref<2x128x128xf32, #tpu.memory_space<vmem>> -> memref<1x128x128xf32, #tpu.memory_space<vmem>>
        %dma_wait3A_74 = tpu.memref_squeeze %dma_wait3A_73 : memref<1x128x128xf32, #tpu.memory_space<vmem>> -> memref<128x128xf32, #tpu.memory_space<vmem>>
        tpu.wait_dma2 semaphore(%run_scoped3A_52 : memref<!tpu.dma_semaphore, #tpu.memory_space<semaphore_mem>>) src(%dma_wait3A_74 : memref<128x128xf32, #tpu.memory_space<vmem>>) dst(%dma_wait3A_70 : memref<128x128xf32, #tpu.memory_space<hbm>>)
        tpu.yield
      }) : () -> ()
      %add3A_40 = arith.constant 256 : i32
      %add3A_41 = arith.addi %mul3A_5, %add3A_40 : i32
      %run_scoped3A_42 = arith.constant 0 : i32
      "tpu.region"() ({
        %run_scoped3A_52 = tpu.sem_alloc : memref<!tpu.dma_semaphore, #tpu.memory_space<semaphore_mem>>
        %dma_start3A = arith.constant 0 : i32
        %dma_start3A_53 = arith.constant 0 : i32
        %dma_start3A_54 = tpu.memref_slice %arg12[%run_scoped3A_42, %dma_start3A, %dma_start3A_53] : memref<2x128x128xf32, #tpu.memory_space<vmem>> -> memref<1x128x128xf32, #tpu.memory_space<vmem>>
        %dma_start3A_55 = tpu.memref_squeeze %dma_start3A_54 : memref<1x128x128xf32, #tpu.memory_space<vmem>> -> memref<128x128xf32, #tpu.memory_space<vmem>>
        %dma_start3A_56 = arith.constant 0 : i32
        %dma_start3A_57 = tpu.memref_slice %arg13[%add3A_41, %dma_start3A_56] : memref<10240x128xf32, #tpu.memory_space<vmem_shared>> -> memref<128x128xf32, #tpu.memory_space<vmem_shared>>
        %dma_start3A_58 = arith.constant 0 : i32
        %dma_start3A_59 = arith.constant 0 : i32
        %dma_start3A_60 = tpu.memref_slice %arg12[%run_scoped3A_42, %dma_start3A_58, %dma_start3A_59] : memref<2x128x128xf32, #tpu.memory_space<vmem>> -> memref<1x128x128xf32, #tpu.memory_space<vmem>>
        %dma_start3A_61 = tpu.memref_squeeze %dma_start3A_60 : memref<1x128x128xf32, #tpu.memory_space<vmem>> -> memref<128x128xf32, #tpu.memory_space<vmem>>
        %dma_start3A_62 = arith.constant 0 : i32
        %dma_start3A_63 = tpu.memref_slice %arg13[%add3A_41, %dma_start3A_62] : memref<10240x128xf32, #tpu.memory_space<vmem_shared>> -> memref<128x128xf32, #tpu.memory_space<vmem_shared>>
        tpu.enqueue_dma source(%dma_start3A_63 : memref<128x128xf32, #tpu.memory_space<vmem_shared>>) target(%dma_start3A_61 : memref<128x128xf32, #tpu.memory_space<vmem>>) target_semaphore(%run_scoped3A_52 : memref<!tpu.dma_semaphore, #tpu.memory_space<semaphore_mem>>)
        %dma_wait3A = arith.constant 0 : i32
        %dma_wait3A_64 = arith.constant 0 : i32
        %dma_wait3A_65 = tpu.memref_slice %arg12[%run_scoped3A_42, %dma_wait3A, %dma_wait3A_64] : memref<2x128x128xf32, #tpu.memory_space<vmem>> -> memref<1x128x128xf32, #tpu.memory_space<vmem>>
        %dma_wait3A_66 = tpu.memref_squeeze %dma_wait3A_65 : memref<1x128x128xf32, #tpu.memory_space<vmem>> -> memref<128x128xf32, #tpu.memory_space<vmem>>
        %dma_wait3A_67 = arith.constant 0 : i32
        %dma_wait3A_68 = tpu.memref_slice %arg13[%add3A_41, %dma_wait3A_67] : memref<10240x128xf32, #tpu.memory_space<vmem_shared>> -> memref<128x128xf32, #tpu.memory_space<vmem_shared>>
        %dma_wait3A_69 = arith.constant 0 : i32
        %dma_wait3A_70 = arith.constant 0 : i32
        %dma_wait3A_71 = tpu.memref_slice %arg12[%run_scoped3A_42, %dma_wait3A_69, %dma_wait3A_70] : memref<2x128x128xf32, #tpu.memory_space<vmem>> -> memref<1x128x128xf32, #tpu.memory_space<vmem>>
        %dma_wait3A_72 = tpu.memref_squeeze %dma_wait3A_71 : memref<1x128x128xf32, #tpu.memory_space<vmem>> -> memref<128x128xf32, #tpu.memory_space<vmem>>
        %dma_wait3A_73 = arith.constant 0 : i32
        %dma_wait3A_74 = tpu.memref_slice %arg13[%add3A_41, %dma_wait3A_73] : memref<10240x128xf32, #tpu.memory_space<vmem_shared>> -> memref<128x128xf32, #tpu.memory_space<vmem_shared>>
        tpu.wait_dma2 semaphore(%run_scoped3A_52 : memref<!tpu.dma_semaphore, #tpu.memory_space<semaphore_mem>>) src(%dma_wait3A_74 : memref<128x128xf32, #tpu.memory_space<vmem_shared>>) dst(%dma_wait3A_72 : memref<128x128xf32, #tpu.memory_space<vmem>>)
        tpu.yield
      }) : () -> ()
      %run_scoped3A_43 = arith.constant 0 : i32
      "tpu.region"() ({
        %run_scoped3A_52 = tpu.sem_alloc : memref<!tpu.dma_semaphore, #tpu.memory_space<semaphore_mem>>
        %dma_start3A = arith.constant 0 : i32
        %dma_start3A_53 = arith.constant 0 : i32
        %dma_start3A_54 = tpu.memref_slice %arg12[%run_scoped3A_43, %dma_start3A, %dma_start3A_53] : memref<2x128x128xf32, #tpu.memory_space<vmem>> -> memref<1x128x128xf32, #tpu.memory_space<vmem>>
        %dma_start3A_55 = tpu.memref_squeeze %dma_start3A_54 : memref<1x128x128xf32, #tpu.memory_space<vmem>> -> memref<128x128xf32, #tpu.memory_space<vmem>>
        %dma_start3A_56 = arith.constant 0 : i32
        %dma_start3A_57 = tpu.memref_slice %arg8[%add3A_41, %dma_start3A_56] : memref<10240x128xf32, #tpu.memory_space<hbm>> -> memref<128x128xf32, #tpu.memory_space<hbm>>
        %dma_start3A_58 = arith.constant 0 : i32
        %dma_start3A_59 = tpu.memref_slice %arg8[%add3A_41, %dma_start3A_58] : memref<10240x128xf32, #tpu.memory_space<hbm>> -> memref<128x128xf32, #tpu.memory_space<hbm>>
        %dma_start3A_60 = arith.constant 0 : i32
        %dma_start3A_61 = arith.constant 0 : i32
        %dma_start3A_62 = tpu.memref_slice %arg12[%run_scoped3A_43, %dma_start3A_60, %dma_start3A_61] : memref<2x128x128xf32, #tpu.memory_space<vmem>> -> memref<1x128x128xf32, #tpu.memory_space<vmem>>
        %dma_start3A_63 = tpu.memref_squeeze %dma_start3A_62 : memref<1x128x128xf32, #tpu.memory_space<vmem>> -> memref<128x128xf32, #tpu.memory_space<vmem>>
        tpu.enqueue_dma source(%dma_start3A_63 : memref<128x128xf32, #tpu.memory_space<vmem>>) target(%dma_start3A_59 : memref<128x128xf32, #tpu.memory_space<hbm>>) target_semaphore(%run_scoped3A_52 : memref<!tpu.dma_semaphore, #tpu.memory_space<semaphore_mem>>)
        %dma_wait3A = arith.constant 0 : i32
        %dma_wait3A_64 = arith.constant 0 : i32
        %dma_wait3A_65 = tpu.memref_slice %arg12[%run_scoped3A_43, %dma_wait3A, %dma_wait3A_64] : memref<2x128x128xf32, #tpu.memory_space<vmem>> -> memref<1x128x128xf32, #tpu.memory_space<vmem>>
        %dma_wait3A_66 = tpu.memref_squeeze %dma_wait3A_65 : memref<1x128x128xf32, #tpu.memory_space<vmem>> -> memref<128x128xf32, #tpu.memory_space<vmem>>
        %dma_wait3A_67 = arith.constant 0 : i32
        %dma_wait3A_68 = tpu.memref_slice %arg8[%add3A_41, %dma_wait3A_67] : memref<10240x128xf32, #tpu.memory_space<hbm>> -> memref<128x128xf32, #tpu.memory_space<hbm>>
        %dma_wait3A_69 = arith.constant 0 : i32
        %dma_wait3A_70 = tpu.memref_slice %arg8[%add3A_41, %dma_wait3A_69] : memref<10240x128xf32, #tpu.memory_space<hbm>> -> memref<128x128xf32, #tpu.memory_space<hbm>>
        %dma_wait3A_71 = arith.constant 0 : i32
        %dma_wait3A_72 = arith.constant 0 : i32
        %dma_wait3A_73 = tpu.memref_slice %arg12[%run_scoped3A_43, %dma_wait3A_71, %dma_wait3A_72] : memref<2x128x128xf32, #tpu.memory_space<vmem>> -> memref<1x128x128xf32, #tpu.memory_space<vmem>>
        %dma_wait3A_74 = tpu.memref_squeeze %dma_wait3A_73 : memref<1x128x128xf32, #tpu.memory_space<vmem>> -> memref<128x128xf32, #tpu.memory_space<vmem>>
        tpu.wait_dma2 semaphore(%run_scoped3A_52 : memref<!tpu.dma_semaphore, #tpu.memory_space<semaphore_mem>>) src(%dma_wait3A_74 : memref<128x128xf32, #tpu.memory_space<vmem>>) dst(%dma_wait3A_70 : memref<128x128xf32, #tpu.memory_space<hbm>>)
        tpu.yield
      }) : () -> ()
      %add3A_44 = arith.constant 384 : i32
      %add3A_45 = arith.addi %mul3A_5, %add3A_44 : i32
      %run_scoped3A_46 = arith.constant 0 : i32
      "tpu.region"() ({
        %run_scoped3A_52 = tpu.sem_alloc : memref<!tpu.dma_semaphore, #tpu.memory_space<semaphore_mem>>
        %dma_start3A = arith.constant 0 : i32
        %dma_start3A_53 = arith.constant 0 : i32
        %dma_start3A_54 = tpu.memref_slice %arg12[%run_scoped3A_46, %dma_start3A, %dma_start3A_53] : memref<2x128x128xf32, #tpu.memory_space<vmem>> -> memref<1x128x128xf32, #tpu.memory_space<vmem>>
        %dma_start3A_55 = tpu.memref_squeeze %dma_start3A_54 : memref<1x128x128xf32, #tpu.memory_space<vmem>> -> memref<128x128xf32, #tpu.memory_space<vmem>>
        %dma_start3A_56 = arith.constant 0 : i32
        %dma_start3A_57 = tpu.memref_slice %arg13[%add3A_45, %dma_start3A_56] : memref<10240x128xf32, #tpu.memory_space<vmem_shared>> -> memref<128x128xf32, #tpu.memory_space<vmem_shared>>
        %dma_start3A_58 = arith.constant 0 : i32
        %dma_start3A_59 = arith.constant 0 : i32
        %dma_start3A_60 = tpu.memref_slice %arg12[%run_scoped3A_46, %dma_start3A_58, %dma_start3A_59] : memref<2x128x128xf32, #tpu.memory_space<vmem>> -> memref<1x128x128xf32, #tpu.memory_space<vmem>>
        %dma_start3A_61 = tpu.memref_squeeze %dma_start3A_60 : memref<1x128x128xf32, #tpu.memory_space<vmem>> -> memref<128x128xf32, #tpu.memory_space<vmem>>
        %dma_start3A_62 = arith.constant 0 : i32
        %dma_start3A_63 = tpu.memref_slice %arg13[%add3A_45, %dma_start3A_62] : memref<10240x128xf32, #tpu.memory_space<vmem_shared>> -> memref<128x128xf32, #tpu.memory_space<vmem_shared>>
        tpu.enqueue_dma source(%dma_start3A_63 : memref<128x128xf32, #tpu.memory_space<vmem_shared>>) target(%dma_start3A_61 : memref<128x128xf32, #tpu.memory_space<vmem>>) target_semaphore(%run_scoped3A_52 : memref<!tpu.dma_semaphore, #tpu.memory_space<semaphore_mem>>)
        %dma_wait3A = arith.constant 0 : i32
        %dma_wait3A_64 = arith.constant 0 : i32
        %dma_wait3A_65 = tpu.memref_slice %arg12[%run_scoped3A_46, %dma_wait3A, %dma_wait3A_64] : memref<2x128x128xf32, #tpu.memory_space<vmem>> -> memref<1x128x128xf32, #tpu.memory_space<vmem>>
        %dma_wait3A_66 = tpu.memref_squeeze %dma_wait3A_65 : memref<1x128x128xf32, #tpu.memory_space<vmem>> -> memref<128x128xf32, #tpu.memory_space<vmem>>
        %dma_wait3A_67 = arith.constant 0 : i32
        %dma_wait3A_68 = tpu.memref_slice %arg13[%add3A_45, %dma_wait3A_67] : memref<10240x128xf32, #tpu.memory_space<vmem_shared>> -> memref<128x128xf32, #tpu.memory_space<vmem_shared>>
        %dma_wait3A_69 = arith.constant 0 : i32
        %dma_wait3A_70 = arith.constant 0 : i32
        %dma_wait3A_71 = tpu.memref_slice %arg12[%run_scoped3A_46, %dma_wait3A_69, %dma_wait3A_70] : memref<2x128x128xf32, #tpu.memory_space<vmem>> -> memref<1x128x128xf32, #tpu.memory_space<vmem>>
        %dma_wait3A_72 = tpu.memref_squeeze %dma_wait3A_71 : memref<1x128x128xf32, #tpu.memory_space<vmem>> -> memref<128x128xf32, #tpu.memory_space<vmem>>
        %dma_wait3A_73 = arith.constant 0 : i32
        %dma_wait3A_74 = tpu.memref_slice %arg13[%add3A_45, %dma_wait3A_73] : memref<10240x128xf32, #tpu.memory_space<vmem_shared>> -> memref<128x128xf32, #tpu.memory_space<vmem_shared>>
        tpu.wait_dma2 semaphore(%run_scoped3A_52 : memref<!tpu.dma_semaphore, #tpu.memory_space<semaphore_mem>>) src(%dma_wait3A_74 : memref<128x128xf32, #tpu.memory_space<vmem_shared>>) dst(%dma_wait3A_72 : memref<128x128xf32, #tpu.memory_space<vmem>>)
        tpu.yield
      }) : () -> ()
      %run_scoped3A_47 = arith.constant 0 : i32
      "tpu.region"() ({
        %run_scoped3A_52 = tpu.sem_alloc : memref<!tpu.dma_semaphore, #tpu.memory_space<semaphore_mem>>
        %dma_start3A = arith.constant 0 : i32
        %dma_start3A_53 = arith.constant 0 : i32
        %dma_start3A_54 = tpu.memref_slice %arg12[%run_scoped3A_47, %dma_start3A, %dma_start3A_53] : memref<2x128x128xf32, #tpu.memory_space<vmem>> -> memref<1x128x128xf32, #tpu.memory_space<vmem>>
        %dma_start3A_55 = tpu.memref_squeeze %dma_start3A_54 : memref<1x128x128xf32, #tpu.memory_space<vmem>> -> memref<128x128xf32, #tpu.memory_space<vmem>>
        %dma_start3A_56 = arith.constant 0 : i32
        %dma_start3A_57 = tpu.memref_slice %arg8[%add3A_45, %dma_start3A_56] : memref<10240x128xf32, #tpu.memory_space<hbm>> -> memref<128x128xf32, #tpu.memory_space<hbm>>
        %dma_start3A_58 = arith.constant 0 : i32
        %dma_start3A_59 = tpu.memref_slice %arg8[%add3A_45, %dma_start3A_58] : memref<10240x128xf32, #tpu.memory_space<hbm>> -> memref<128x128xf32, #tpu.memory_space<hbm>>
        %dma_start3A_60 = arith.constant 0 : i32
        %dma_start3A_61 = arith.constant 0 : i32
        %dma_start3A_62 = tpu.memref_slice %arg12[%run_scoped3A_47, %dma_start3A_60, %dma_start3A_61] : memref<2x128x128xf32, #tpu.memory_space<vmem>> -> memref<1x128x128xf32, #tpu.memory_space<vmem>>
        %dma_start3A_63 = tpu.memref_squeeze %dma_start3A_62 : memref<1x128x128xf32, #tpu.memory_space<vmem>> -> memref<128x128xf32, #tpu.memory_space<vmem>>
        tpu.enqueue_dma source(%dma_start3A_63 : memref<128x128xf32, #tpu.memory_space<vmem>>) target(%dma_start3A_59 : memref<128x128xf32, #tpu.memory_space<hbm>>) target_semaphore(%run_scoped3A_52 : memref<!tpu.dma_semaphore, #tpu.memory_space<semaphore_mem>>)
        %dma_wait3A = arith.constant 0 : i32
        %dma_wait3A_64 = arith.constant 0 : i32
        %dma_wait3A_65 = tpu.memref_slice %arg12[%run_scoped3A_47, %dma_wait3A, %dma_wait3A_64] : memref<2x128x128xf32, #tpu.memory_space<vmem>> -> memref<1x128x128xf32, #tpu.memory_space<vmem>>
        %dma_wait3A_66 = tpu.memref_squeeze %dma_wait3A_65 : memref<1x128x128xf32, #tpu.memory_space<vmem>> -> memref<128x128xf32, #tpu.memory_space<vmem>>
        %dma_wait3A_67 = arith.constant 0 : i32
        %dma_wait3A_68 = tpu.memref_slice %arg8[%add3A_45, %dma_wait3A_67] : memref<10240x128xf32, #tpu.memory_space<hbm>> -> memref<128x128xf32, #tpu.memory_space<hbm>>
        %dma_wait3A_69 = arith.constant 0 : i32
        %dma_wait3A_70 = tpu.memref_slice %arg8[%add3A_45, %dma_wait3A_69] : memref<10240x128xf32, #tpu.memory_space<hbm>> -> memref<128x128xf32, #tpu.memory_space<hbm>>
        %dma_wait3A_71 = arith.constant 0 : i32
        %dma_wait3A_72 = arith.constant 0 : i32
        %dma_wait3A_73 = tpu.memref_slice %arg12[%run_scoped3A_47, %dma_wait3A_71, %dma_wait3A_72] : memref<2x128x128xf32, #tpu.memory_space<vmem>> -> memref<1x128x128xf32, #tpu.memory_space<vmem>>
        %dma_wait3A_74 = tpu.memref_squeeze %dma_wait3A_73 : memref<1x128x128xf32, #tpu.memory_space<vmem>> -> memref<128x128xf32, #tpu.memory_space<vmem>>
        tpu.wait_dma2 semaphore(%run_scoped3A_52 : memref<!tpu.dma_semaphore, #tpu.memory_space<semaphore_mem>>) src(%dma_wait3A_74 : memref<128x128xf32, #tpu.memory_space<vmem>>) dst(%dma_wait3A_70 : memref<128x128xf32, #tpu.memory_space<hbm>>)
        tpu.yield
      }) : () -> ()
      %add3A_48 = arith.constant 512 : i32
      %add3A_49 = arith.addi %mul3A_5, %add3A_48 : i32
      %run_scoped3A_50 = arith.constant 0 : i32
      "tpu.region"() ({
        %run_scoped3A_52 = tpu.sem_alloc : memref<!tpu.dma_semaphore, #tpu.memory_space<semaphore_mem>>
        %dma_start3A = arith.constant 0 : i32
        %dma_start3A_53 = arith.constant 0 : i32
        %dma_start3A_54 = tpu.memref_slice %arg12[%run_scoped3A_50, %dma_start3A, %dma_start3A_53] : memref<2x128x128xf32, #tpu.memory_space<vmem>> -> memref<1x128x128xf32, #tpu.memory_space<vmem>>
        %dma_start3A_55 = tpu.memref_squeeze %dma_start3A_54 : memref<1x128x128xf32, #tpu.memory_space<vmem>> -> memref<128x128xf32, #tpu.memory_space<vmem>>
        %dma_start3A_56 = arith.constant 0 : i32
        %dma_start3A_57 = tpu.memref_slice %arg13[%add3A_49, %dma_start3A_56] : memref<10240x128xf32, #tpu.memory_space<vmem_shared>> -> memref<128x128xf32, #tpu.memory_space<vmem_shared>>
        %dma_start3A_58 = arith.constant 0 : i32
        %dma_start3A_59 = arith.constant 0 : i32
        %dma_start3A_60 = tpu.memref_slice %arg12[%run_scoped3A_50, %dma_start3A_58, %dma_start3A_59] : memref<2x128x128xf32, #tpu.memory_space<vmem>> -> memref<1x128x128xf32, #tpu.memory_space<vmem>>
        %dma_start3A_61 = tpu.memref_squeeze %dma_start3A_60 : memref<1x128x128xf32, #tpu.memory_space<vmem>> -> memref<128x128xf32, #tpu.memory_space<vmem>>
        %dma_start3A_62 = arith.constant 0 : i32
        %dma_start3A_63 = tpu.memref_slice %arg13[%add3A_49, %dma_start3A_62] : memref<10240x128xf32, #tpu.memory_space<vmem_shared>> -> memref<128x128xf32, #tpu.memory_space<vmem_shared>>
        tpu.enqueue_dma source(%dma_start3A_63 : memref<128x128xf32, #tpu.memory_space<vmem_shared>>) target(%dma_start3A_61 : memref<128x128xf32, #tpu.memory_space<vmem>>) target_semaphore(%run_scoped3A_52 : memref<!tpu.dma_semaphore, #tpu.memory_space<semaphore_mem>>)
        %dma_wait3A = arith.constant 0 : i32
        %dma_wait3A_64 = arith.constant 0 : i32
        %dma_wait3A_65 = tpu.memref_slice %arg12[%run_scoped3A_50, %dma_wait3A, %dma_wait3A_64] : memref<2x128x128xf32, #tpu.memory_space<vmem>> -> memref<1x128x128xf32, #tpu.memory_space<vmem>>
        %dma_wait3A_66 = tpu.memref_squeeze %dma_wait3A_65 : memref<1x128x128xf32, #tpu.memory_space<vmem>> -> memref<128x128xf32, #tpu.memory_space<vmem>>
        %dma_wait3A_67 = arith.constant 0 : i32
        %dma_wait3A_68 = tpu.memref_slice %arg13[%add3A_49, %dma_wait3A_67] : memref<10240x128xf32, #tpu.memory_space<vmem_shared>> -> memref<128x128xf32, #tpu.memory_space<vmem_shared>>
        %dma_wait3A_69 = arith.constant 0 : i32
        %dma_wait3A_70 = arith.constant 0 : i32
        %dma_wait3A_71 = tpu.memref_slice %arg12[%run_scoped3A_50, %dma_wait3A_69, %dma_wait3A_70] : memref<2x128x128xf32, #tpu.memory_space<vmem>> -> memref<1x128x128xf32, #tpu.memory_space<vmem>>
        %dma_wait3A_72 = tpu.memref_squeeze %dma_wait3A_71 : memref<1x128x128xf32, #tpu.memory_space<vmem>> -> memref<128x128xf32, #tpu.memory_space<vmem>>
        %dma_wait3A_73 = arith.constant 0 : i32
        %dma_wait3A_74 = tpu.memref_slice %arg13[%add3A_49, %dma_wait3A_73] : memref<10240x128xf32, #tpu.memory_space<vmem_shared>> -> memref<128x128xf32, #tpu.memory_space<vmem_shared>>
        tpu.wait_dma2 semaphore(%run_scoped3A_52 : memref<!tpu.dma_semaphore, #tpu.memory_space<semaphore_mem>>) src(%dma_wait3A_74 : memref<128x128xf32, #tpu.memory_space<vmem_shared>>) dst(%dma_wait3A_72 : memref<128x128xf32, #tpu.memory_space<vmem>>)
        tpu.yield
      }) : () -> ()
      %run_scoped3A_51 = arith.constant 0 : i32
      "tpu.region"() ({
        %run_scoped3A_52 = tpu.sem_alloc : memref<!tpu.dma_semaphore, #tpu.memory_space<semaphore_mem>>
        %dma_start3A = arith.constant 0 : i32
        %dma_start3A_53 = arith.constant 0 : i32
        %dma_start3A_54 = tpu.memref_slice %arg12[%run_scoped3A_51, %dma_start3A, %dma_start3A_53] : memref<2x128x128xf32, #tpu.memory_space<vmem>> -> memref<1x128x128xf32, #tpu.memory_space<vmem>>
        %dma_start3A_55 = tpu.memref_squeeze %dma_start3A_54 : memref<1x128x128xf32, #tpu.memory_space<vmem>> -> memref<128x128xf32, #tpu.memory_space<vmem>>
        %dma_start3A_56 = arith.constant 0 : i32
        %dma_start3A_57 = tpu.memref_slice %arg8[%add3A_49, %dma_start3A_56] : memref<10240x128xf32, #tpu.memory_space<hbm>> -> memref<128x128xf32, #tpu.memory_space<hbm>>
        %dma_start3A_58 = arith.constant 0 : i32
        %dma_start3A_59 = tpu.memref_slice %arg8[%add3A_49, %dma_start3A_58] : memref<10240x128xf32, #tpu.memory_space<hbm>> -> memref<128x128xf32, #tpu.memory_space<hbm>>
        %dma_start3A_60 = arith.constant 0 : i32
        %dma_start3A_61 = arith.constant 0 : i32
        %dma_start3A_62 = tpu.memref_slice %arg12[%run_scoped3A_51, %dma_start3A_60, %dma_start3A_61] : memref<2x128x128xf32, #tpu.memory_space<vmem>> -> memref<1x128x128xf32, #tpu.memory_space<vmem>>
        %dma_start3A_63 = tpu.memref_squeeze %dma_start3A_62 : memref<1x128x128xf32, #tpu.memory_space<vmem>> -> memref<128x128xf32, #tpu.memory_space<vmem>>
        tpu.enqueue_dma source(%dma_start3A_63 : memref<128x128xf32, #tpu.memory_space<vmem>>) target(%dma_start3A_59 : memref<128x128xf32, #tpu.memory_space<hbm>>) target_semaphore(%run_scoped3A_52 : memref<!tpu.dma_semaphore, #tpu.memory_space<semaphore_mem>>)
        %dma_wait3A = arith.constant 0 : i32
        %dma_wait3A_64 = arith.constant 0 : i32
        %dma_wait3A_65 = tpu.memref_slice %arg12[%run_scoped3A_51, %dma_wait3A, %dma_wait3A_64] : memref<2x128x128xf32, #tpu.memory_space<vmem>> -> memref<1x128x128xf32, #tpu.memory_space<vmem>>
        %dma_wait3A_66 = tpu.memref_squeeze %dma_wait3A_65 : memref<1x128x128xf32, #tpu.memory_space<vmem>> -> memref<128x128xf32, #tpu.memory_space<vmem>>
        %dma_wait3A_67 = arith.constant 0 : i32
        %dma_wait3A_68 = tpu.memref_slice %arg8[%add3A_49, %dma_wait3A_67] : memref<10240x128xf32, #tpu.memory_space<hbm>> -> memref<128x128xf32, #tpu.memory_space<hbm>>
        %dma_wait3A_69 = arith.constant 0 : i32
        %dma_wait3A_70 = tpu.memref_slice %arg8[%add3A_49, %dma_wait3A_69] : memref<10240x128xf32, #tpu.memory_space<hbm>> -> memref<128x128xf32, #tpu.memory_space<hbm>>
        %dma_wait3A_71 = arith.constant 0 : i32
        %dma_wait3A_72 = arith.constant 0 : i32
        %dma_wait3A_73 = tpu.memref_slice %arg12[%run_scoped3A_51, %dma_wait3A_71, %dma_wait3A_72] : memref<2x128x128xf32, #tpu.memory_space<vmem>> -> memref<1x128x128xf32, #tpu.memory_space<vmem>>
        %dma_wait3A_74 = tpu.memref_squeeze %dma_wait3A_73 : memref<1x128x128xf32, #tpu.memory_space<vmem>> -> memref<128x128xf32, #tpu.memory_space<vmem>>
        tpu.wait_dma2 semaphore(%run_scoped3A_52 : memref<!tpu.dma_semaphore, #tpu.memory_space<semaphore_mem>>) src(%dma_wait3A_74 : memref<128x128xf32, #tpu.memory_space<vmem>>) dst(%dma_wait3A_70 : memref<128x128xf32, #tpu.memory_space<hbm>>)
        tpu.yield
      }) : () -> ()
    } else {
    }
    %eq3A_21 = arith.constant 1 : i32
    %eq3A_22 = arith.cmpi eq, %arg0, %eq3A_21 : i32
    %convert_element_type3A_23 = arith.extui %eq3A_22 : i1 to i32
    %cond3A_24 = arith.constant 0 : i32
    %cond3A_25 = arith.cmpi ne, %convert_element_type3A_23, %cond3A_24 : i32
    scf.if %cond3A_25 {
      %scan3A_26 = arith.constant 0 : i32
      %scan3A_27 = arith.constant 5 : i32
      %scan3A_28 = arith.addi %scan3A_26, %scan3A_27 : i32
      %scan3A_29 = arith.constant 1 : i32
      scf.for %scan3A_52 = %scan3A_26 to %scan3A_28 step %scan3A_29  : i32 {
        %mul3A_53 = arith.constant 32 : i32
        %mul3A_54 = arith.muli %scan3A_52, %mul3A_53 : i32
        "tpu.region"() ({
          %run_scoped3A_73 = tpu.sem_alloc : memref<!tpu.dma_semaphore, #tpu.memory_space<semaphore_mem>>
          %dma_start3A_74 = arith.constant 0 : i32
          %dma_start3A_75 = tpu.memref_slice %arg6[%arg1, %mul3A_54, %dma_start3A_74] : memref<16x160x128xi32, #tpu.memory_space<hbm>> -> memref<1x32x128xi32, #tpu.memory_space<hbm>>
          %dma_start3A_76 = tpu.memref_squeeze %dma_start3A_75 : memref<1x32x128xi32, #tpu.memory_space<hbm>> -> memref<32x128xi32, #tpu.memory_space<hbm>>
          %dma_start3A_77 = arith.constant 0 : i32
          %dma_start3A_78 = tpu.memref_slice %arg6[%arg1, %mul3A_54, %dma_start3A_77] : memref<16x160x128xi32, #tpu.memory_space<hbm>> -> memref<1x32x128xi32, #tpu.memory_space<hbm>>
          %dma_start3A_79 = tpu.memref_squeeze %dma_start3A_78 : memref<1x32x128xi32, #tpu.memory_space<hbm>> -> memref<32x128xi32, #tpu.memory_space<hbm>>
          tpu.enqueue_dma source(%dma_start3A_79 : memref<32x128xi32, #tpu.memory_space<hbm>>) target(%arg10 : memref<32x128xi32, #tpu.memory_space<vmem>>) target_semaphore(%run_scoped3A_73 : memref<!tpu.dma_semaphore, #tpu.memory_space<semaphore_mem>>)
          %dma_wait3A = arith.constant 0 : i32
          %dma_wait3A_80 = tpu.memref_slice %arg6[%arg1, %mul3A_54, %dma_wait3A] : memref<16x160x128xi32, #tpu.memory_space<hbm>> -> memref<1x32x128xi32, #tpu.memory_space<hbm>>
          %dma_wait3A_81 = tpu.memref_squeeze %dma_wait3A_80 : memref<1x32x128xi32, #tpu.memory_space<hbm>> -> memref<32x128xi32, #tpu.memory_space<hbm>>
          %dma_wait3A_82 = arith.constant 0 : i32
          %dma_wait3A_83 = tpu.memref_slice %arg6[%arg1, %mul3A_54, %dma_wait3A_82] : memref<16x160x128xi32, #tpu.memory_space<hbm>> -> memref<1x32x128xi32, #tpu.memory_space<hbm>>
          %dma_wait3A_84 = tpu.memref_squeeze %dma_wait3A_83 : memref<1x32x128xi32, #tpu.memory_space<hbm>> -> memref<32x128xi32, #tpu.memory_space<hbm>>
          tpu.wait_dma2 semaphore(%run_scoped3A_73 : memref<!tpu.dma_semaphore, #tpu.memory_space<semaphore_mem>>) src(%dma_wait3A_84 : memref<32x128xi32, #tpu.memory_space<hbm>>) dst(%arg10 : memref<32x128xi32, #tpu.memory_space<vmem>>)
          tpu.yield
        }) : () -> ()
        %mul3A_55 = arith.constant 32 : i32
        %mul3A_56 = arith.muli %scan3A_52, %mul3A_55 : i32
        "tpu.region"() ({
          %run_scoped3A_73 = tpu.sem_alloc : memref<!tpu.dma_semaphore, #tpu.memory_space<semaphore_mem>>
          %dma_start3A_74 = arith.constant 0 : i32
          %dma_start3A_75 = tpu.memref_slice %arg7[%arg1, %mul3A_56, %dma_start3A_74] : memref<16x160x128xi32, #tpu.memory_space<hbm>> -> memref<1x32x128xi32, #tpu.memory_space<hbm>>
          %dma_start3A_76 = tpu.memref_squeeze %dma_start3A_75 : memref<1x32x128xi32, #tpu.memory_space<hbm>> -> memref<32x128xi32, #tpu.memory_space<hbm>>
          %dma_start3A_77 = arith.constant 0 : i32
          %dma_start3A_78 = tpu.memref_slice %arg7[%arg1, %mul3A_56, %dma_start3A_77] : memref<16x160x128xi32, #tpu.memory_space<hbm>> -> memref<1x32x128xi32, #tpu.memory_space<hbm>>
          %dma_start3A_79 = tpu.memref_squeeze %dma_start3A_78 : memref<1x32x128xi32, #tpu.memory_space<hbm>> -> memref<32x128xi32, #tpu.memory_space<hbm>>
          tpu.enqueue_dma source(%dma_start3A_79 : memref<32x128xi32, #tpu.memory_space<hbm>>) target(%arg11 : memref<32x128xi32, #tpu.memory_space<vmem>>) target_semaphore(%run_scoped3A_73 : memref<!tpu.dma_semaphore, #tpu.memory_space<semaphore_mem>>)
          %dma_wait3A = arith.constant 0 : i32
          %dma_wait3A_80 = tpu.memref_slice %arg7[%arg1, %mul3A_56, %dma_wait3A] : memref<16x160x128xi32, #tpu.memory_space<hbm>> -> memref<1x32x128xi32, #tpu.memory_space<hbm>>
          %dma_wait3A_81 = tpu.memref_squeeze %dma_wait3A_80 : memref<1x32x128xi32, #tpu.memory_space<hbm>> -> memref<32x128xi32, #tpu.memory_space<hbm>>
          %dma_wait3A_82 = arith.constant 0 : i32
          %dma_wait3A_83 = tpu.memref_slice %arg7[%arg1, %mul3A_56, %dma_wait3A_82] : memref<16x160x128xi32, #tpu.memory_space<hbm>> -> memref<1x32x128xi32, #tpu.memory_space<hbm>>
          %dma_wait3A_84 = tpu.memref_squeeze %dma_wait3A_83 : memref<1x32x128xi32, #tpu.memory_space<hbm>> -> memref<32x128xi32, #tpu.memory_space<hbm>>
          tpu.wait_dma2 semaphore(%run_scoped3A_73 : memref<!tpu.dma_semaphore, #tpu.memory_space<semaphore_mem>>) src(%dma_wait3A_84 : memref<32x128xi32, #tpu.memory_space<hbm>>) dst(%arg11 : memref<32x128xi32, #tpu.memory_space<vmem>>)
          tpu.yield
        }) : () -> ()
        %dma_start3A = arith.constant 0 : i32
        %dma_start3A_57 = arith.constant 0 : i32
        %dma_start3A_58 = arith.constant 0 : i32
        %dma_start3A_59 = arith.constant 0 : i32
        %dma_start3A_60 = tpu.memref_slice %arg12[%dma_start3A_57, %dma_start3A_58, %dma_start3A_59] : memref<2x128x128xf32, #tpu.memory_space<vmem>> -> memref<1x128x128xf32, #tpu.memory_space<vmem>>
        %dma_start3A_61 = tpu.memref_squeeze %dma_start3A_60 : memref<1x128x128xf32, #tpu.memory_space<vmem>> -> memref<128x128xf32, #tpu.memory_space<vmem>>
        %dma_start3A_62 = arith.constant 0 : i32
        %dma_start3A_63 = tpu.memref_slice %arg10[%dma_start3A, %dma_start3A_62] : memref<32x128xi32, #tpu.memory_space<vmem>> -> memref<1x128xi32, #tpu.memory_space<vmem>>
        %dma_start3A_64 = tpu.memref_squeeze %dma_start3A_63 : memref<1x128xi32, #tpu.memory_space<vmem>> -> memref<128xi32, #tpu.memory_space<vmem>>
        %dma_start3A_65 = arith.constant 0 : i32
        %dma_start3A_66 = arith.constant 0 : i32
        %dma_start3A_67 = tpu.memref_slice %arg3[%dma_start3A_65, %dma_start3A_66] : memref<10240x128xf32, #tpu.memory_space<hbm>> -> memref<10240x128xf32, #tpu.memory_space<hbm>>
        tpu.enqueue_indirect_dma source(%dma_start3A_67 : memref<10240x128xf32, #tpu.memory_space<hbm>>) target(%dma_start3A_61 : memref<128x128xf32, #tpu.memory_space<vmem>>) offsets(%dma_start3A_64 : memref<128xi32, #tpu.memory_space<vmem>>) semaphore(%arg14 : memref<!tpu.dma_semaphore, #tpu.memory_space<semaphore_mem>>)
        %scan3A_68 = arith.constant 0 : i32
        %scan3A_69 = arith.constant 16 : i32
        %scan3A_70 = arith.addi %scan3A_68, %scan3A_69 : i32
        %scan3A_71 = arith.constant 1 : i32
        scf.for %scan3A_73 = %scan3A_68 to %scan3A_70 step %scan3A_71  : i32 {
          %mul3A_74 = arith.constant 2 : i32
          %mul3A_75 = arith.muli %scan3A_73, %mul3A_74 : i32
          %add3A_76 = arith.constant 0 : i32
          %add3A_77 = arith.addi %mul3A_75, %add3A_76 : i32
          %add3A_78 = arith.constant 2 : i32
          %add3A_79 = arith.addi %add3A_77, %add3A_78 : i32
          %sub3A = arith.constant 1 : i32
          %sub3A_80 = arith.subi %add3A_79, %sub3A : i32
          %lt3A = arith.constant 32 : i32
          %lt3A_81 = arith.cmpi slt, %sub3A_80, %lt3A : i32
          %convert_element_type3A_82 = arith.extui %lt3A_81 : i1 to i32
          %cond3A_83 = arith.constant 0 : i32
          %cond3A_84 = arith.cmpi ne, %convert_element_type3A_82, %cond3A_83 : i32
          scf.if %cond3A_84 {
            %dma_start3A_125 = arith.constant 1 : i32
            %dma_start3A_126 = arith.constant 0 : i32
            %dma_start3A_127 = arith.constant 0 : i32
            %dma_start3A_128 = tpu.memref_slice %arg12[%dma_start3A_125, %dma_start3A_126, %dma_start3A_127] : memref<2x128x128xf32, #tpu.memory_space<vmem>> -> memref<1x128x128xf32, #tpu.memory_space<vmem>>
            %dma_start3A_129 = tpu.memref_squeeze %dma_start3A_128 : memref<1x128x128xf32, #tpu.memory_space<vmem>> -> memref<128x128xf32, #tpu.memory_space<vmem>>
            %dma_start3A_130 = arith.constant 0 : i32
            %dma_start3A_131 = tpu.memref_slice %arg10[%sub3A_80, %dma_start3A_130] : memref<32x128xi32, #tpu.memory_space<vmem>> -> memref<1x128xi32, #tpu.memory_space<vmem>>
            %dma_start3A_132 = tpu.memref_squeeze %dma_start3A_131 : memref<1x128xi32, #tpu.memory_space<vmem>> -> memref<128xi32, #tpu.memory_space<vmem>>
            %dma_start3A_133 = arith.constant 0 : i32
            %dma_start3A_134 = arith.constant 0 : i32
            %dma_start3A_135 = tpu.memref_slice %arg3[%dma_start3A_133, %dma_start3A_134] : memref<10240x128xf32, #tpu.memory_space<hbm>> -> memref<10240x128xf32, #tpu.memory_space<hbm>>
            tpu.enqueue_indirect_dma source(%dma_start3A_135 : memref<10240x128xf32, #tpu.memory_space<hbm>>) target(%dma_start3A_129 : memref<128x128xf32, #tpu.memory_space<vmem>>) offsets(%dma_start3A_132 : memref<128xi32, #tpu.memory_space<vmem>>) semaphore(%arg15 : memref<!tpu.dma_semaphore, #tpu.memory_space<semaphore_mem>>)
          } else {
          }
          %dma_wait3A = arith.constant 0 : i32
          %dma_wait3A_85 = arith.constant 0 : i32
          %dma_wait3A_86 = arith.constant 0 : i32
          %dma_wait3A_87 = arith.constant 0 : i32
          %dma_wait3A_88 = tpu.memref_slice %arg12[%dma_wait3A_85, %dma_wait3A_86, %dma_wait3A_87] : memref<2x128x128xf32, #tpu.memory_space<vmem>> -> memref<1x128x128xf32, #tpu.memory_space<vmem>>
          %dma_wait3A_89 = tpu.memref_squeeze %dma_wait3A_88 : memref<1x128x128xf32, #tpu.memory_space<vmem>> -> memref<128x128xf32, #tpu.memory_space<vmem>>
          %dma_wait3A_90 = arith.constant 0 : i32
          %dma_wait3A_91 = tpu.memref_slice %arg10[%dma_wait3A, %dma_wait3A_90] : memref<32x128xi32, #tpu.memory_space<vmem>> -> memref<1x128xi32, #tpu.memory_space<vmem>>
          %dma_wait3A_92 = tpu.memref_squeeze %dma_wait3A_91 : memref<1x128xi32, #tpu.memory_space<vmem>> -> memref<128xi32, #tpu.memory_space<vmem>>
          %dma_wait3A_93 = arith.constant 0 : i32
          %dma_wait3A_94 = arith.constant 0 : i32
          %dma_wait3A_95 = tpu.memref_slice %arg3[%dma_wait3A_93, %dma_wait3A_94] : memref<10240x128xf32, #tpu.memory_space<hbm>> -> memref<10240x128xf32, #tpu.memory_space<hbm>>
          tpu.wait_indirect_dma semaphore(%arg14 : memref<!tpu.dma_semaphore, #tpu.memory_space<semaphore_mem>>) src(%dma_wait3A_95 : memref<10240x128xf32, #tpu.memory_space<hbm>>) dst(%dma_wait3A_89 : memref<128x128xf32, #tpu.memory_space<vmem>>)
          %add3A_96 = arith.constant 0 : i32
          %add3A_97 = arith.addi %mul3A_75, %add3A_96 : i32
          %run_scoped3A_98 = arith.constant 0 : i32
          "tpu.region"() ({
            %run_scoped3A_125 = tpu.sem_alloc : memref<!tpu.dma_semaphore, #tpu.memory_space<semaphore_mem>>
            %dma_start3A_126 = arith.constant 0 : i32
            %dma_start3A_127 = arith.constant 0 : i32
            %dma_start3A_128 = tpu.memref_slice %arg12[%run_scoped3A_98, %dma_start3A_126, %dma_start3A_127] : memref<2x128x128xf32, #tpu.memory_space<vmem>> -> memref<1x128x128xf32, #tpu.memory_space<vmem>>
            %dma_start3A_129 = tpu.memref_squeeze %dma_start3A_128 : memref<1x128x128xf32, #tpu.memory_space<vmem>> -> memref<128x128xf32, #tpu.memory_space<vmem>>
            %dma_start3A_130 = arith.constant 0 : i32
            %dma_start3A_131 = tpu.memref_slice %arg11[%add3A_97, %dma_start3A_130] : memref<32x128xi32, #tpu.memory_space<vmem>> -> memref<1x128xi32, #tpu.memory_space<vmem>>
            %dma_start3A_132 = tpu.memref_squeeze %dma_start3A_131 : memref<1x128xi32, #tpu.memory_space<vmem>> -> memref<128xi32, #tpu.memory_space<vmem>>
            %dma_start3A_133 = arith.constant 0 : i32
            %dma_start3A_134 = arith.constant 0 : i32
            %dma_start3A_135 = tpu.memref_slice %arg13[%dma_start3A_133, %dma_start3A_134] : memref<10240x128xf32, #tpu.memory_space<vmem_shared>> -> memref<10240x128xf32, #tpu.memory_space<vmem_shared>>
            tpu.enqueue_indirect_dma source(%dma_start3A_129 : memref<128x128xf32, #tpu.memory_space<vmem>>) target(%dma_start3A_135 : memref<10240x128xf32, #tpu.memory_space<vmem_shared>>) offsets(%dma_start3A_132 : memref<128xi32, #tpu.memory_space<vmem>>) semaphore(%run_scoped3A_125 : memref<!tpu.dma_semaphore, #tpu.memory_space<semaphore_mem>>) {add = true}
            %dma_wait3A_136 = arith.constant 0 : i32
            %dma_wait3A_137 = arith.constant 0 : i32
            %dma_wait3A_138 = tpu.memref_slice %arg12[%run_scoped3A_98, %dma_wait3A_136, %dma_wait3A_137] : memref<2x128x128xf32, #tpu.memory_space<vmem>> -> memref<1x128x128xf32, #tpu.memory_space<vmem>>
            %dma_wait3A_139 = tpu.memref_squeeze %dma_wait3A_138 : memref<1x128x128xf32, #tpu.memory_space<vmem>> -> memref<128x128xf32, #tpu.memory_space<vmem>>
            %dma_wait3A_140 = arith.constant 0 : i32
            %dma_wait3A_141 = tpu.memref_slice %arg11[%add3A_97, %dma_wait3A_140] : memref<32x128xi32, #tpu.memory_space<vmem>> -> memref<1x128xi32, #tpu.memory_space<vmem>>
            %dma_wait3A_142 = tpu.memref_squeeze %dma_wait3A_141 : memref<1x128xi32, #tpu.memory_space<vmem>> -> memref<128xi32, #tpu.memory_space<vmem>>
            %dma_wait3A_143 = arith.constant 0 : i32
            %dma_wait3A_144 = arith.constant 0 : i32
            %dma_wait3A_145 = tpu.memref_slice %arg13[%dma_wait3A_143, %dma_wait3A_144] : memref<10240x128xf32, #tpu.memory_space<vmem_shared>> -> memref<10240x128xf32, #tpu.memory_space<vmem_shared>>
            tpu.wait_indirect_dma semaphore(%run_scoped3A_125 : memref<!tpu.dma_semaphore, #tpu.memory_space<semaphore_mem>>) src(%dma_wait3A_139 : memref<128x128xf32, #tpu.memory_space<vmem>>) dst(%dma_wait3A_145 : memref<10240x128xf32, #tpu.memory_space<vmem_shared>>)
            tpu.yield
          }) : () -> ()
          %add3A_99 = arith.constant 1 : i32
          %add3A_100 = arith.addi %mul3A_75, %add3A_99 : i32
          %add3A_101 = arith.constant 2 : i32
          %add3A_102 = arith.addi %add3A_100, %add3A_101 : i32
          %sub3A_103 = arith.constant 1 : i32
          %sub3A_104 = arith.subi %add3A_102, %sub3A_103 : i32
          %lt3A_105 = arith.constant 32 : i32
          %lt3A_106 = arith.cmpi slt, %sub3A_104, %lt3A_105 : i32
          %convert_element_type3A_107 = arith.extui %lt3A_106 : i1 to i32
          %cond3A_108 = arith.constant 0 : i32
          %cond3A_109 = arith.cmpi ne, %convert_element_type3A_107, %cond3A_108 : i32
          scf.if %cond3A_109 {
            %dma_start3A_125 = arith.constant 0 : i32
            %dma_start3A_126 = arith.constant 0 : i32
            %dma_start3A_127 = arith.constant 0 : i32
            %dma_start3A_128 = tpu.memref_slice %arg12[%dma_start3A_125, %dma_start3A_126, %dma_start3A_127] : memref<2x128x128xf32, #tpu.memory_space<vmem>> -> memref<1x128x128xf32, #tpu.memory_space<vmem>>
            %dma_start3A_129 = tpu.memref_squeeze %dma_start3A_128 : memref<1x128x128xf32, #tpu.memory_space<vmem>> -> memref<128x128xf32, #tpu.memory_space<vmem>>
            %dma_start3A_130 = arith.constant 0 : i32
            %dma_start3A_131 = tpu.memref_slice %arg10[%sub3A_104, %dma_start3A_130] : memref<32x128xi32, #tpu.memory_space<vmem>> -> memref<1x128xi32, #tpu.memory_space<vmem>>
            %dma_start3A_132 = tpu.memref_squeeze %dma_start3A_131 : memref<1x128xi32, #tpu.memory_space<vmem>> -> memref<128xi32, #tpu.memory_space<vmem>>
            %dma_start3A_133 = arith.constant 0 : i32
            %dma_start3A_134 = arith.constant 0 : i32
            %dma_start3A_135 = tpu.memref_slice %arg3[%dma_start3A_133, %dma_start3A_134] : memref<10240x128xf32, #tpu.memory_space<hbm>> -> memref<10240x128xf32, #tpu.memory_space<hbm>>
            tpu.enqueue_indirect_dma source(%dma_start3A_135 : memref<10240x128xf32, #tpu.memory_space<hbm>>) target(%dma_start3A_129 : memref<128x128xf32, #tpu.memory_space<vmem>>) offsets(%dma_start3A_132 : memref<128xi32, #tpu.memory_space<vmem>>) semaphore(%arg14 : memref<!tpu.dma_semaphore, #tpu.memory_space<semaphore_mem>>)
          } else {
          }
          %dma_wait3A_110 = arith.constant 0 : i32
          %dma_wait3A_111 = arith.constant 1 : i32
          %dma_wait3A_112 = arith.constant 0 : i32
          %dma_wait3A_113 = arith.constant 0 : i32
          %dma_wait3A_114 = tpu.memref_slice %arg12[%dma_wait3A_111, %dma_wait3A_112, %dma_wait3A_113] : memref<2x128x128xf32, #tpu.memory_space<vmem>> -> memref<1x128x128xf32, #tpu.memory_space<vmem>>
          %dma_wait3A_115 = tpu.memref_squeeze %dma_wait3A_114 : memref<1x128x128xf32, #tpu.memory_space<vmem>> -> memref<128x128xf32, #tpu.memory_space<vmem>>
          %dma_wait3A_116 = arith.constant 0 : i32
          %dma_wait3A_117 = tpu.memref_slice %arg10[%dma_wait3A_110, %dma_wait3A_116] : memref<32x128xi32, #tpu.memory_space<vmem>> -> memref<1x128xi32, #tpu.memory_space<vmem>>
          %dma_wait3A_118 = tpu.memref_squeeze %dma_wait3A_117 : memref<1x128xi32, #tpu.memory_space<vmem>> -> memref<128xi32, #tpu.memory_space<vmem>>
          %dma_wait3A_119 = arith.constant 0 : i32
          %dma_wait3A_120 = arith.constant 0 : i32
          %dma_wait3A_121 = tpu.memref_slice %arg3[%dma_wait3A_119, %dma_wait3A_120] : memref<10240x128xf32, #tpu.memory_space<hbm>> -> memref<10240x128xf32, #tpu.memory_space<hbm>>
          tpu.wait_indirect_dma semaphore(%arg15 : memref<!tpu.dma_semaphore, #tpu.memory_space<semaphore_mem>>) src(%dma_wait3A_121 : memref<10240x128xf32, #tpu.memory_space<hbm>>) dst(%dma_wait3A_115 : memref<128x128xf32, #tpu.memory_space<vmem>>)
          %add3A_122 = arith.constant 1 : i32
          %add3A_123 = arith.addi %mul3A_75, %add3A_122 : i32
          %run_scoped3A_124 = arith.constant 1 : i32
          "tpu.region"() ({
            %run_scoped3A_125 = tpu.sem_alloc : memref<!tpu.dma_semaphore, #tpu.memory_space<semaphore_mem>>
            %dma_start3A_126 = arith.constant 0 : i32
            %dma_start3A_127 = arith.constant 0 : i32
            %dma_start3A_128 = tpu.memref_slice %arg12[%run_scoped3A_124, %dma_start3A_126, %dma_start3A_127] : memref<2x128x128xf32, #tpu.memory_space<vmem>> -> memref<1x128x128xf32, #tpu.memory_space<vmem>>
            %dma_start3A_129 = tpu.memref_squeeze %dma_start3A_128 : memref<1x128x128xf32, #tpu.memory_space<vmem>> -> memref<128x128xf32, #tpu.memory_space<vmem>>
            %dma_start3A_130 = arith.constant 0 : i32
            %dma_start3A_131 = tpu.memref_slice %arg11[%add3A_123, %dma_start3A_130] : memref<32x128xi32, #tpu.memory_space<vmem>> -> memref<1x128xi32, #tpu.memory_space<vmem>>
            %dma_start3A_132 = tpu.memref_squeeze %dma_start3A_131 : memref<1x128xi32, #tpu.memory_space<vmem>> -> memref<128xi32, #tpu.memory_space<vmem>>
            %dma_start3A_133 = arith.constant 0 : i32
            %dma_start3A_134 = arith.constant 0 : i32
            %dma_start3A_135 = tpu.memref_slice %arg13[%dma_start3A_133, %dma_start3A_134] : memref<10240x128xf32, #tpu.memory_space<vmem_shared>> -> memref<10240x128xf32, #tpu.memory_space<vmem_shared>>
            tpu.enqueue_indirect_dma source(%dma_start3A_129 : memref<128x128xf32, #tpu.memory_space<vmem>>) target(%dma_start3A_135 : memref<10240x128xf32, #tpu.memory_space<vmem_shared>>) offsets(%dma_start3A_132 : memref<128xi32, #tpu.memory_space<vmem>>) semaphore(%run_scoped3A_125 : memref<!tpu.dma_semaphore, #tpu.memory_space<semaphore_mem>>) {add = true}
            %dma_wait3A_136 = arith.constant 0 : i32
            %dma_wait3A_137 = arith.constant 0 : i32
            %dma_wait3A_138 = tpu.memref_slice %arg12[%run_scoped3A_124, %dma_wait3A_136, %dma_wait3A_137] : memref<2x128x128xf32, #tpu.memory_space<vmem>> -> memref<1x128x128xf32, #tpu.memory_space<vmem>>
            %dma_wait3A_139 = tpu.memref_squeeze %dma_wait3A_138 : memref<1x128x128xf32, #tpu.memory_space<vmem>> -> memref<128x128xf32, #tpu.memory_space<vmem>>
            %dma_wait3A_140 = arith.constant 0 : i32
            %dma_wait3A_141 = tpu.memref_slice %arg11[%add3A_123, %dma_wait3A_140] : memref<32x128xi32, #tpu.memory_space<vmem>> -> memref<1x128xi32, #tpu.memory_space<vmem>>
            %dma_wait3A_142 = tpu.memref_squeeze %dma_wait3A_141 : memref<1x128xi32, #tpu.memory_space<vmem>> -> memref<128xi32, #tpu.memory_space<vmem>>
            %dma_wait3A_143 = arith.constant 0 : i32
            %dma_wait3A_144 = arith.constant 0 : i32
            %dma_wait3A_145 = tpu.memref_slice %arg13[%dma_wait3A_143, %dma_wait3A_144] : memref<10240x128xf32, #tpu.memory_space<vmem_shared>> -> memref<10240x128xf32, #tpu.memory_space<vmem_shared>>
            tpu.wait_indirect_dma semaphore(%run_scoped3A_125 : memref<!tpu.dma_semaphore, #tpu.memory_space<semaphore_mem>>) src(%dma_wait3A_139 : memref<128x128xf32, #tpu.memory_space<vmem>>) dst(%dma_wait3A_145 : memref<10240x128xf32, #tpu.memory_space<vmem_shared>>)
            tpu.yield
          }) : () -> ()
        }
        %scan3A_72 = arith.constant 16 : i32
      }
      %scan3A_30 = arith.constant 5 : i32
      %barrier3A_31 = arith.constant 0 : index
      tpu.barrier barrier_id(%barrier3A_31)
      %add3A_32 = arith.constant 0 : i32
      %add3A_33 = arith.addi %mul3A_5, %add3A_32 : i32
      %run_scoped3A_34 = arith.constant 0 : i32
      "tpu.region"() ({
        %run_scoped3A_52 = tpu.sem_alloc : memref<!tpu.dma_semaphore, #tpu.memory_space<semaphore_mem>>
        %dma_start3A = arith.constant 0 : i32
        %dma_start3A_53 = arith.constant 0 : i32
        %dma_start3A_54 = tpu.memref_slice %arg12[%run_scoped3A_34, %dma_start3A, %dma_start3A_53] : memref<2x128x128xf32, #tpu.memory_space<vmem>> -> memref<1x128x128xf32, #tpu.memory_space<vmem>>
        %dma_start3A_55 = tpu.memref_squeeze %dma_start3A_54 : memref<1x128x128xf32, #tpu.memory_space<vmem>> -> memref<128x128xf32, #tpu.memory_space<vmem>>
        %dma_start3A_56 = arith.constant 0 : i32
        %dma_start3A_57 = tpu.memref_slice %arg13[%add3A_33, %dma_start3A_56] : memref<10240x128xf32, #tpu.memory_space<vmem_shared>> -> memref<128x128xf32, #tpu.memory_space<vmem_shared>>
        %dma_start3A_58 = arith.constant 0 : i32
        %dma_start3A_59 = arith.constant 0 : i32
        %dma_start3A_60 = tpu.memref_slice %arg12[%run_scoped3A_34, %dma_start3A_58, %dma_start3A_59] : memref<2x128x128xf32, #tpu.memory_space<vmem>> -> memref<1x128x128xf32, #tpu.memory_space<vmem>>
        %dma_start3A_61 = tpu.memref_squeeze %dma_start3A_60 : memref<1x128x128xf32, #tpu.memory_space<vmem>> -> memref<128x128xf32, #tpu.memory_space<vmem>>
        %dma_start3A_62 = arith.constant 0 : i32
        %dma_start3A_63 = tpu.memref_slice %arg13[%add3A_33, %dma_start3A_62] : memref<10240x128xf32, #tpu.memory_space<vmem_shared>> -> memref<128x128xf32, #tpu.memory_space<vmem_shared>>
        tpu.enqueue_dma source(%dma_start3A_63 : memref<128x128xf32, #tpu.memory_space<vmem_shared>>) target(%dma_start3A_61 : memref<128x128xf32, #tpu.memory_space<vmem>>) target_semaphore(%run_scoped3A_52 : memref<!tpu.dma_semaphore, #tpu.memory_space<semaphore_mem>>)
        %dma_wait3A = arith.constant 0 : i32
        %dma_wait3A_64 = arith.constant 0 : i32
        %dma_wait3A_65 = tpu.memref_slice %arg12[%run_scoped3A_34, %dma_wait3A, %dma_wait3A_64] : memref<2x128x128xf32, #tpu.memory_space<vmem>> -> memref<1x128x128xf32, #tpu.memory_space<vmem>>
        %dma_wait3A_66 = tpu.memref_squeeze %dma_wait3A_65 : memref<1x128x128xf32, #tpu.memory_space<vmem>> -> memref<128x128xf32, #tpu.memory_space<vmem>>
        %dma_wait3A_67 = arith.constant 0 : i32
        %dma_wait3A_68 = tpu.memref_slice %arg13[%add3A_33, %dma_wait3A_67] : memref<10240x128xf32, #tpu.memory_space<vmem_shared>> -> memref<128x128xf32, #tpu.memory_space<vmem_shared>>
        %dma_wait3A_69 = arith.constant 0 : i32
        %dma_wait3A_70 = arith.constant 0 : i32
        %dma_wait3A_71 = tpu.memref_slice %arg12[%run_scoped3A_34, %dma_wait3A_69, %dma_wait3A_70] : memref<2x128x128xf32, #tpu.memory_space<vmem>> -> memref<1x128x128xf32, #tpu.memory_space<vmem>>
        %dma_wait3A_72 = tpu.memref_squeeze %dma_wait3A_71 : memref<1x128x128xf32, #tpu.memory_space<vmem>> -> memref<128x128xf32, #tpu.memory_space<vmem>>
        %dma_wait3A_73 = arith.constant 0 : i32
        %dma_wait3A_74 = tpu.memref_slice %arg13[%add3A_33, %dma_wait3A_73] : memref<10240x128xf32, #tpu.memory_space<vmem_shared>> -> memref<128x128xf32, #tpu.memory_space<vmem_shared>>
        tpu.wait_dma2 semaphore(%run_scoped3A_52 : memref<!tpu.dma_semaphore, #tpu.memory_space<semaphore_mem>>) src(%dma_wait3A_74 : memref<128x128xf32, #tpu.memory_space<vmem_shared>>) dst(%dma_wait3A_72 : memref<128x128xf32, #tpu.memory_space<vmem>>)
        tpu.yield
      }) : () -> ()
      %run_scoped3A_35 = arith.constant 0 : i32
      "tpu.region"() ({
        %run_scoped3A_52 = tpu.sem_alloc : memref<!tpu.dma_semaphore, #tpu.memory_space<semaphore_mem>>
        %dma_start3A = arith.constant 0 : i32
        %dma_start3A_53 = arith.constant 0 : i32
        %dma_start3A_54 = tpu.memref_slice %arg12[%run_scoped3A_35, %dma_start3A, %dma_start3A_53] : memref<2x128x128xf32, #tpu.memory_space<vmem>> -> memref<1x128x128xf32, #tpu.memory_space<vmem>>
        %dma_start3A_55 = tpu.memref_squeeze %dma_start3A_54 : memref<1x128x128xf32, #tpu.memory_space<vmem>> -> memref<128x128xf32, #tpu.memory_space<vmem>>
        %dma_start3A_56 = arith.constant 0 : i32
        %dma_start3A_57 = tpu.memref_slice %arg9[%add3A_33, %dma_start3A_56] : memref<10240x128xf32, #tpu.memory_space<hbm>> -> memref<128x128xf32, #tpu.memory_space<hbm>>
        %dma_start3A_58 = arith.constant 0 : i32
        %dma_start3A_59 = tpu.memref_slice %arg9[%add3A_33, %dma_start3A_58] : memref<10240x128xf32, #tpu.memory_space<hbm>> -> memref<128x128xf32, #tpu.memory_space<hbm>>
        %dma_start3A_60 = arith.constant 0 : i32
        %dma_start3A_61 = arith.constant 0 : i32
        %dma_start3A_62 = tpu.memref_slice %arg12[%run_scoped3A_35, %dma_start3A_60, %dma_start3A_61] : memref<2x128x128xf32, #tpu.memory_space<vmem>> -> memref<1x128x128xf32, #tpu.memory_space<vmem>>
        %dma_start3A_63 = tpu.memref_squeeze %dma_start3A_62 : memref<1x128x128xf32, #tpu.memory_space<vmem>> -> memref<128x128xf32, #tpu.memory_space<vmem>>
        tpu.enqueue_dma source(%dma_start3A_63 : memref<128x128xf32, #tpu.memory_space<vmem>>) target(%dma_start3A_59 : memref<128x128xf32, #tpu.memory_space<hbm>>) target_semaphore(%run_scoped3A_52 : memref<!tpu.dma_semaphore, #tpu.memory_space<semaphore_mem>>)
        %dma_wait3A = arith.constant 0 : i32
        %dma_wait3A_64 = arith.constant 0 : i32
        %dma_wait3A_65 = tpu.memref_slice %arg12[%run_scoped3A_35, %dma_wait3A, %dma_wait3A_64] : memref<2x128x128xf32, #tpu.memory_space<vmem>> -> memref<1x128x128xf32, #tpu.memory_space<vmem>>
        %dma_wait3A_66 = tpu.memref_squeeze %dma_wait3A_65 : memref<1x128x128xf32, #tpu.memory_space<vmem>> -> memref<128x128xf32, #tpu.memory_space<vmem>>
        %dma_wait3A_67 = arith.constant 0 : i32
        %dma_wait3A_68 = tpu.memref_slice %arg9[%add3A_33, %dma_wait3A_67] : memref<10240x128xf32, #tpu.memory_space<hbm>> -> memref<128x128xf32, #tpu.memory_space<hbm>>
        %dma_wait3A_69 = arith.constant 0 : i32
        %dma_wait3A_70 = tpu.memref_slice %arg9[%add3A_33, %dma_wait3A_69] : memref<10240x128xf32, #tpu.memory_space<hbm>> -> memref<128x128xf32, #tpu.memory_space<hbm>>
        %dma_wait3A_71 = arith.constant 0 : i32
        %dma_wait3A_72 = arith.constant 0 : i32
        %dma_wait3A_73 = tpu.memref_slice %arg12[%run_scoped3A_35, %dma_wait3A_71, %dma_wait3A_72] : memref<2x128x128xf32, #tpu.memory_space<vmem>> -> memref<1x128x128xf32, #tpu.memory_space<vmem>>
        %dma_wait3A_74 = tpu.memref_squeeze %dma_wait3A_73 : memref<1x128x128xf32, #tpu.memory_space<vmem>> -> memref<128x128xf32, #tpu.memory_space<vmem>>
        tpu.wait_dma2 semaphore(%run_scoped3A_52 : memref<!tpu.dma_semaphore, #tpu.memory_space<semaphore_mem>>) src(%dma_wait3A_74 : memref<128x128xf32, #tpu.memory_space<vmem>>) dst(%dma_wait3A_70 : memref<128x128xf32, #tpu.memory_space<hbm>>)
        tpu.yield
      }) : () -> ()
      %add3A_36 = arith.constant 128 : i32
      %add3A_37 = arith.addi %mul3A_5, %add3A_36 : i32
      %run_scoped3A_38 = arith.constant 0 : i32
      "tpu.region"() ({
        %run_scoped3A_52 = tpu.sem_alloc : memref<!tpu.dma_semaphore, #tpu.memory_space<semaphore_mem>>
        %dma_start3A = arith.constant 0 : i32
        %dma_start3A_53 = arith.constant 0 : i32
        %dma_start3A_54 = tpu.memref_slice %arg12[%run_scoped3A_38, %dma_start3A, %dma_start3A_53] : memref<2x128x128xf32, #tpu.memory_space<vmem>> -> memref<1x128x128xf32, #tpu.memory_space<vmem>>
        %dma_start3A_55 = tpu.memref_squeeze %dma_start3A_54 : memref<1x128x128xf32, #tpu.memory_space<vmem>> -> memref<128x128xf32, #tpu.memory_space<vmem>>
        %dma_start3A_56 = arith.constant 0 : i32
        %dma_start3A_57 = tpu.memref_slice %arg13[%add3A_37, %dma_start3A_56] : memref<10240x128xf32, #tpu.memory_space<vmem_shared>> -> memref<128x128xf32, #tpu.memory_space<vmem_shared>>
        %dma_start3A_58 = arith.constant 0 : i32
        %dma_start3A_59 = arith.constant 0 : i32
        %dma_start3A_60 = tpu.memref_slice %arg12[%run_scoped3A_38, %dma_start3A_58, %dma_start3A_59] : memref<2x128x128xf32, #tpu.memory_space<vmem>> -> memref<1x128x128xf32, #tpu.memory_space<vmem>>
        %dma_start3A_61 = tpu.memref_squeeze %dma_start3A_60 : memref<1x128x128xf32, #tpu.memory_space<vmem>> -> memref<128x128xf32, #tpu.memory_space<vmem>>
        %dma_start3A_62 = arith.constant 0 : i32
        %dma_start3A_63 = tpu.memref_slice %arg13[%add3A_37, %dma_start3A_62] : memref<10240x128xf32, #tpu.memory_space<vmem_shared>> -> memref<128x128xf32, #tpu.memory_space<vmem_shared>>
        tpu.enqueue_dma source(%dma_start3A_63 : memref<128x128xf32, #tpu.memory_space<vmem_shared>>) target(%dma_start3A_61 : memref<128x128xf32, #tpu.memory_space<vmem>>) target_semaphore(%run_scoped3A_52 : memref<!tpu.dma_semaphore, #tpu.memory_space<semaphore_mem>>)
        %dma_wait3A = arith.constant 0 : i32
        %dma_wait3A_64 = arith.constant 0 : i32
        %dma_wait3A_65 = tpu.memref_slice %arg12[%run_scoped3A_38, %dma_wait3A, %dma_wait3A_64] : memref<2x128x128xf32, #tpu.memory_space<vmem>> -> memref<1x128x128xf32, #tpu.memory_space<vmem>>
        %dma_wait3A_66 = tpu.memref_squeeze %dma_wait3A_65 : memref<1x128x128xf32, #tpu.memory_space<vmem>> -> memref<128x128xf32, #tpu.memory_space<vmem>>
        %dma_wait3A_67 = arith.constant 0 : i32
        %dma_wait3A_68 = tpu.memref_slice %arg13[%add3A_37, %dma_wait3A_67] : memref<10240x128xf32, #tpu.memory_space<vmem_shared>> -> memref<128x128xf32, #tpu.memory_space<vmem_shared>>
        %dma_wait3A_69 = arith.constant 0 : i32
        %dma_wait3A_70 = arith.constant 0 : i32
        %dma_wait3A_71 = tpu.memref_slice %arg12[%run_scoped3A_38, %dma_wait3A_69, %dma_wait3A_70] : memref<2x128x128xf32, #tpu.memory_space<vmem>> -> memref<1x128x128xf32, #tpu.memory_space<vmem>>
        %dma_wait3A_72 = tpu.memref_squeeze %dma_wait3A_71 : memref<1x128x128xf32, #tpu.memory_space<vmem>> -> memref<128x128xf32, #tpu.memory_space<vmem>>
        %dma_wait3A_73 = arith.constant 0 : i32
        %dma_wait3A_74 = tpu.memref_slice %arg13[%add3A_37, %dma_wait3A_73] : memref<10240x128xf32, #tpu.memory_space<vmem_shared>> -> memref<128x128xf32, #tpu.memory_space<vmem_shared>>
        tpu.wait_dma2 semaphore(%run_scoped3A_52 : memref<!tpu.dma_semaphore, #tpu.memory_space<semaphore_mem>>) src(%dma_wait3A_74 : memref<128x128xf32, #tpu.memory_space<vmem_shared>>) dst(%dma_wait3A_72 : memref<128x128xf32, #tpu.memory_space<vmem>>)
        tpu.yield
      }) : () -> ()
      %run_scoped3A_39 = arith.constant 0 : i32
      "tpu.region"() ({
        %run_scoped3A_52 = tpu.sem_alloc : memref<!tpu.dma_semaphore, #tpu.memory_space<semaphore_mem>>
        %dma_start3A = arith.constant 0 : i32
        %dma_start3A_53 = arith.constant 0 : i32
        %dma_start3A_54 = tpu.memref_slice %arg12[%run_scoped3A_39, %dma_start3A, %dma_start3A_53] : memref<2x128x128xf32, #tpu.memory_space<vmem>> -> memref<1x128x128xf32, #tpu.memory_space<vmem>>
        %dma_start3A_55 = tpu.memref_squeeze %dma_start3A_54 : memref<1x128x128xf32, #tpu.memory_space<vmem>> -> memref<128x128xf32, #tpu.memory_space<vmem>>
        %dma_start3A_56 = arith.constant 0 : i32
        %dma_start3A_57 = tpu.memref_slice %arg9[%add3A_37, %dma_start3A_56] : memref<10240x128xf32, #tpu.memory_space<hbm>> -> memref<128x128xf32, #tpu.memory_space<hbm>>
        %dma_start3A_58 = arith.constant 0 : i32
        %dma_start3A_59 = tpu.memref_slice %arg9[%add3A_37, %dma_start3A_58] : memref<10240x128xf32, #tpu.memory_space<hbm>> -> memref<128x128xf32, #tpu.memory_space<hbm>>
        %dma_start3A_60 = arith.constant 0 : i32
        %dma_start3A_61 = arith.constant 0 : i32
        %dma_start3A_62 = tpu.memref_slice %arg12[%run_scoped3A_39, %dma_start3A_60, %dma_start3A_61] : memref<2x128x128xf32, #tpu.memory_space<vmem>> -> memref<1x128x128xf32, #tpu.memory_space<vmem>>
        %dma_start3A_63 = tpu.memref_squeeze %dma_start3A_62 : memref<1x128x128xf32, #tpu.memory_space<vmem>> -> memref<128x128xf32, #tpu.memory_space<vmem>>
        tpu.enqueue_dma source(%dma_start3A_63 : memref<128x128xf32, #tpu.memory_space<vmem>>) target(%dma_start3A_59 : memref<128x128xf32, #tpu.memory_space<hbm>>) target_semaphore(%run_scoped3A_52 : memref<!tpu.dma_semaphore, #tpu.memory_space<semaphore_mem>>)
        %dma_wait3A = arith.constant 0 : i32
        %dma_wait3A_64 = arith.constant 0 : i32
        %dma_wait3A_65 = tpu.memref_slice %arg12[%run_scoped3A_39, %dma_wait3A, %dma_wait3A_64] : memref<2x128x128xf32, #tpu.memory_space<vmem>> -> memref<1x128x128xf32, #tpu.memory_space<vmem>>
        %dma_wait3A_66 = tpu.memref_squeeze %dma_wait3A_65 : memref<1x128x128xf32, #tpu.memory_space<vmem>> -> memref<128x128xf32, #tpu.memory_space<vmem>>
        %dma_wait3A_67 = arith.constant 0 : i32
        %dma_wait3A_68 = tpu.memref_slice %arg9[%add3A_37, %dma_wait3A_67] : memref<10240x128xf32, #tpu.memory_space<hbm>> -> memref<128x128xf32, #tpu.memory_space<hbm>>
        %dma_wait3A_69 = arith.constant 0 : i32
        %dma_wait3A_70 = tpu.memref_slice %arg9[%add3A_37, %dma_wait3A_69] : memref<10240x128xf32, #tpu.memory_space<hbm>> -> memref<128x128xf32, #tpu.memory_space<hbm>>
        %dma_wait3A_71 = arith.constant 0 : i32
        %dma_wait3A_72 = arith.constant 0 : i32
        %dma_wait3A_73 = tpu.memref_slice %arg12[%run_scoped3A_39, %dma_wait3A_71, %dma_wait3A_72] : memref<2x128x128xf32, #tpu.memory_space<vmem>> -> memref<1x128x128xf32, #tpu.memory_space<vmem>>
        %dma_wait3A_74 = tpu.memref_squeeze %dma_wait3A_73 : memref<1x128x128xf32, #tpu.memory_space<vmem>> -> memref<128x128xf32, #tpu.memory_space<vmem>>
        tpu.wait_dma2 semaphore(%run_scoped3A_52 : memref<!tpu.dma_semaphore, #tpu.memory_space<semaphore_mem>>) src(%dma_wait3A_74 : memref<128x128xf32, #tpu.memory_space<vmem>>) dst(%dma_wait3A_70 : memref<128x128xf32, #tpu.memory_space<hbm>>)
        tpu.yield
      }) : () -> ()
      %add3A_40 = arith.constant 256 : i32
      %add3A_41 = arith.addi %mul3A_5, %add3A_40 : i32
      %run_scoped3A_42 = arith.constant 0 : i32
      "tpu.region"() ({
        %run_scoped3A_52 = tpu.sem_alloc : memref<!tpu.dma_semaphore, #tpu.memory_space<semaphore_mem>>
        %dma_start3A = arith.constant 0 : i32
        %dma_start3A_53 = arith.constant 0 : i32
        %dma_start3A_54 = tpu.memref_slice %arg12[%run_scoped3A_42, %dma_start3A, %dma_start3A_53] : memref<2x128x128xf32, #tpu.memory_space<vmem>> -> memref<1x128x128xf32, #tpu.memory_space<vmem>>
        %dma_start3A_55 = tpu.memref_squeeze %dma_start3A_54 : memref<1x128x128xf32, #tpu.memory_space<vmem>> -> memref<128x128xf32, #tpu.memory_space<vmem>>
        %dma_start3A_56 = arith.constant 0 : i32
        %dma_start3A_57 = tpu.memref_slice %arg13[%add3A_41, %dma_start3A_56] : memref<10240x128xf32, #tpu.memory_space<vmem_shared>> -> memref<128x128xf32, #tpu.memory_space<vmem_shared>>
        %dma_start3A_58 = arith.constant 0 : i32
        %dma_start3A_59 = arith.constant 0 : i32
        %dma_start3A_60 = tpu.memref_slice %arg12[%run_scoped3A_42, %dma_start3A_58, %dma_start3A_59] : memref<2x128x128xf32, #tpu.memory_space<vmem>> -> memref<1x128x128xf32, #tpu.memory_space<vmem>>
        %dma_start3A_61 = tpu.memref_squeeze %dma_start3A_60 : memref<1x128x128xf32, #tpu.memory_space<vmem>> -> memref<128x128xf32, #tpu.memory_space<vmem>>
        %dma_start3A_62 = arith.constant 0 : i32
        %dma_start3A_63 = tpu.memref_slice %arg13[%add3A_41, %dma_start3A_62] : memref<10240x128xf32, #tpu.memory_space<vmem_shared>> -> memref<128x128xf32, #tpu.memory_space<vmem_shared>>
        tpu.enqueue_dma source(%dma_start3A_63 : memref<128x128xf32, #tpu.memory_space<vmem_shared>>) target(%dma_start3A_61 : memref<128x128xf32, #tpu.memory_space<vmem>>) target_semaphore(%run_scoped3A_52 : memref<!tpu.dma_semaphore, #tpu.memory_space<semaphore_mem>>)
        %dma_wait3A = arith.constant 0 : i32
        %dma_wait3A_64 = arith.constant 0 : i32
        %dma_wait3A_65 = tpu.memref_slice %arg12[%run_scoped3A_42, %dma_wait3A, %dma_wait3A_64] : memref<2x128x128xf32, #tpu.memory_space<vmem>> -> memref<1x128x128xf32, #tpu.memory_space<vmem>>
        %dma_wait3A_66 = tpu.memref_squeeze %dma_wait3A_65 : memref<1x128x128xf32, #tpu.memory_space<vmem>> -> memref<128x128xf32, #tpu.memory_space<vmem>>
        %dma_wait3A_67 = arith.constant 0 : i32
        %dma_wait3A_68 = tpu.memref_slice %arg13[%add3A_41, %dma_wait3A_67] : memref<10240x128xf32, #tpu.memory_space<vmem_shared>> -> memref<128x128xf32, #tpu.memory_space<vmem_shared>>
        %dma_wait3A_69 = arith.constant 0 : i32
        %dma_wait3A_70 = arith.constant 0 : i32
        %dma_wait3A_71 = tpu.memref_slice %arg12[%run_scoped3A_42, %dma_wait3A_69, %dma_wait3A_70] : memref<2x128x128xf32, #tpu.memory_space<vmem>> -> memref<1x128x128xf32, #tpu.memory_space<vmem>>
        %dma_wait3A_72 = tpu.memref_squeeze %dma_wait3A_71 : memref<1x128x128xf32, #tpu.memory_space<vmem>> -> memref<128x128xf32, #tpu.memory_space<vmem>>
        %dma_wait3A_73 = arith.constant 0 : i32
        %dma_wait3A_74 = tpu.memref_slice %arg13[%add3A_41, %dma_wait3A_73] : memref<10240x128xf32, #tpu.memory_space<vmem_shared>> -> memref<128x128xf32, #tpu.memory_space<vmem_shared>>
        tpu.wait_dma2 semaphore(%run_scoped3A_52 : memref<!tpu.dma_semaphore, #tpu.memory_space<semaphore_mem>>) src(%dma_wait3A_74 : memref<128x128xf32, #tpu.memory_space<vmem_shared>>) dst(%dma_wait3A_72 : memref<128x128xf32, #tpu.memory_space<vmem>>)
        tpu.yield
      }) : () -> ()
      %run_scoped3A_43 = arith.constant 0 : i32
      "tpu.region"() ({
        %run_scoped3A_52 = tpu.sem_alloc : memref<!tpu.dma_semaphore, #tpu.memory_space<semaphore_mem>>
        %dma_start3A = arith.constant 0 : i32
        %dma_start3A_53 = arith.constant 0 : i32
        %dma_start3A_54 = tpu.memref_slice %arg12[%run_scoped3A_43, %dma_start3A, %dma_start3A_53] : memref<2x128x128xf32, #tpu.memory_space<vmem>> -> memref<1x128x128xf32, #tpu.memory_space<vmem>>
        %dma_start3A_55 = tpu.memref_squeeze %dma_start3A_54 : memref<1x128x128xf32, #tpu.memory_space<vmem>> -> memref<128x128xf32, #tpu.memory_space<vmem>>
        %dma_start3A_56 = arith.constant 0 : i32
        %dma_start3A_57 = tpu.memref_slice %arg9[%add3A_41, %dma_start3A_56] : memref<10240x128xf32, #tpu.memory_space<hbm>> -> memref<128x128xf32, #tpu.memory_space<hbm>>
        %dma_start3A_58 = arith.constant 0 : i32
        %dma_start3A_59 = tpu.memref_slice %arg9[%add3A_41, %dma_start3A_58] : memref<10240x128xf32, #tpu.memory_space<hbm>> -> memref<128x128xf32, #tpu.memory_space<hbm>>
        %dma_start3A_60 = arith.constant 0 : i32
        %dma_start3A_61 = arith.constant 0 : i32
        %dma_start3A_62 = tpu.memref_slice %arg12[%run_scoped3A_43, %dma_start3A_60, %dma_start3A_61] : memref<2x128x128xf32, #tpu.memory_space<vmem>> -> memref<1x128x128xf32, #tpu.memory_space<vmem>>
        %dma_start3A_63 = tpu.memref_squeeze %dma_start3A_62 : memref<1x128x128xf32, #tpu.memory_space<vmem>> -> memref<128x128xf32, #tpu.memory_space<vmem>>
        tpu.enqueue_dma source(%dma_start3A_63 : memref<128x128xf32, #tpu.memory_space<vmem>>) target(%dma_start3A_59 : memref<128x128xf32, #tpu.memory_space<hbm>>) target_semaphore(%run_scoped3A_52 : memref<!tpu.dma_semaphore, #tpu.memory_space<semaphore_mem>>)
        %dma_wait3A = arith.constant 0 : i32
        %dma_wait3A_64 = arith.constant 0 : i32
        %dma_wait3A_65 = tpu.memref_slice %arg12[%run_scoped3A_43, %dma_wait3A, %dma_wait3A_64] : memref<2x128x128xf32, #tpu.memory_space<vmem>> -> memref<1x128x128xf32, #tpu.memory_space<vmem>>
        %dma_wait3A_66 = tpu.memref_squeeze %dma_wait3A_65 : memref<1x128x128xf32, #tpu.memory_space<vmem>> -> memref<128x128xf32, #tpu.memory_space<vmem>>
        %dma_wait3A_67 = arith.constant 0 : i32
        %dma_wait3A_68 = tpu.memref_slice %arg9[%add3A_41, %dma_wait3A_67] : memref<10240x128xf32, #tpu.memory_space<hbm>> -> memref<128x128xf32, #tpu.memory_space<hbm>>
        %dma_wait3A_69 = arith.constant 0 : i32
        %dma_wait3A_70 = tpu.memref_slice %arg9[%add3A_41, %dma_wait3A_69] : memref<10240x128xf32, #tpu.memory_space<hbm>> -> memref<128x128xf32, #tpu.memory_space<hbm>>
        %dma_wait3A_71 = arith.constant 0 : i32
        %dma_wait3A_72 = arith.constant 0 : i32
        %dma_wait3A_73 = tpu.memref_slice %arg12[%run_scoped3A_43, %dma_wait3A_71, %dma_wait3A_72] : memref<2x128x128xf32, #tpu.memory_space<vmem>> -> memref<1x128x128xf32, #tpu.memory_space<vmem>>
        %dma_wait3A_74 = tpu.memref_squeeze %dma_wait3A_73 : memref<1x128x128xf32, #tpu.memory_space<vmem>> -> memref<128x128xf32, #tpu.memory_space<vmem>>
        tpu.wait_dma2 semaphore(%run_scoped3A_52 : memref<!tpu.dma_semaphore, #tpu.memory_space<semaphore_mem>>) src(%dma_wait3A_74 : memref<128x128xf32, #tpu.memory_space<vmem>>) dst(%dma_wait3A_70 : memref<128x128xf32, #tpu.memory_space<hbm>>)
        tpu.yield
      }) : () -> ()
      %add3A_44 = arith.constant 384 : i32
      %add3A_45 = arith.addi %mul3A_5, %add3A_44 : i32
      %run_scoped3A_46 = arith.constant 0 : i32
      "tpu.region"() ({
        %run_scoped3A_52 = tpu.sem_alloc : memref<!tpu.dma_semaphore, #tpu.memory_space<semaphore_mem>>
        %dma_start3A = arith.constant 0 : i32
        %dma_start3A_53 = arith.constant 0 : i32
        %dma_start3A_54 = tpu.memref_slice %arg12[%run_scoped3A_46, %dma_start3A, %dma_start3A_53] : memref<2x128x128xf32, #tpu.memory_space<vmem>> -> memref<1x128x128xf32, #tpu.memory_space<vmem>>
        %dma_start3A_55 = tpu.memref_squeeze %dma_start3A_54 : memref<1x128x128xf32, #tpu.memory_space<vmem>> -> memref<128x128xf32, #tpu.memory_space<vmem>>
        %dma_start3A_56 = arith.constant 0 : i32
        %dma_start3A_57 = tpu.memref_slice %arg13[%add3A_45, %dma_start3A_56] : memref<10240x128xf32, #tpu.memory_space<vmem_shared>> -> memref<128x128xf32, #tpu.memory_space<vmem_shared>>
        %dma_start3A_58 = arith.constant 0 : i32
        %dma_start3A_59 = arith.constant 0 : i32
        %dma_start3A_60 = tpu.memref_slice %arg12[%run_scoped3A_46, %dma_start3A_58, %dma_start3A_59] : memref<2x128x128xf32, #tpu.memory_space<vmem>> -> memref<1x128x128xf32, #tpu.memory_space<vmem>>
        %dma_start3A_61 = tpu.memref_squeeze %dma_start3A_60 : memref<1x128x128xf32, #tpu.memory_space<vmem>> -> memref<128x128xf32, #tpu.memory_space<vmem>>
        %dma_start3A_62 = arith.constant 0 : i32
        %dma_start3A_63 = tpu.memref_slice %arg13[%add3A_45, %dma_start3A_62] : memref<10240x128xf32, #tpu.memory_space<vmem_shared>> -> memref<128x128xf32, #tpu.memory_space<vmem_shared>>
        tpu.enqueue_dma source(%dma_start3A_63 : memref<128x128xf32, #tpu.memory_space<vmem_shared>>) target(%dma_start3A_61 : memref<128x128xf32, #tpu.memory_space<vmem>>) target_semaphore(%run_scoped3A_52 : memref<!tpu.dma_semaphore, #tpu.memory_space<semaphore_mem>>)
        %dma_wait3A = arith.constant 0 : i32
        %dma_wait3A_64 = arith.constant 0 : i32
        %dma_wait3A_65 = tpu.memref_slice %arg12[%run_scoped3A_46, %dma_wait3A, %dma_wait3A_64] : memref<2x128x128xf32, #tpu.memory_space<vmem>> -> memref<1x128x128xf32, #tpu.memory_space<vmem>>
        %dma_wait3A_66 = tpu.memref_squeeze %dma_wait3A_65 : memref<1x128x128xf32, #tpu.memory_space<vmem>> -> memref<128x128xf32, #tpu.memory_space<vmem>>
        %dma_wait3A_67 = arith.constant 0 : i32
        %dma_wait3A_68 = tpu.memref_slice %arg13[%add3A_45, %dma_wait3A_67] : memref<10240x128xf32, #tpu.memory_space<vmem_shared>> -> memref<128x128xf32, #tpu.memory_space<vmem_shared>>
        %dma_wait3A_69 = arith.constant 0 : i32
        %dma_wait3A_70 = arith.constant 0 : i32
        %dma_wait3A_71 = tpu.memref_slice %arg12[%run_scoped3A_46, %dma_wait3A_69, %dma_wait3A_70] : memref<2x128x128xf32, #tpu.memory_space<vmem>> -> memref<1x128x128xf32, #tpu.memory_space<vmem>>
        %dma_wait3A_72 = tpu.memref_squeeze %dma_wait3A_71 : memref<1x128x128xf32, #tpu.memory_space<vmem>> -> memref<128x128xf32, #tpu.memory_space<vmem>>
        %dma_wait3A_73 = arith.constant 0 : i32
        %dma_wait3A_74 = tpu.memref_slice %arg13[%add3A_45, %dma_wait3A_73] : memref<10240x128xf32, #tpu.memory_space<vmem_shared>> -> memref<128x128xf32, #tpu.memory_space<vmem_shared>>
        tpu.wait_dma2 semaphore(%run_scoped3A_52 : memref<!tpu.dma_semaphore, #tpu.memory_space<semaphore_mem>>) src(%dma_wait3A_74 : memref<128x128xf32, #tpu.memory_space<vmem_shared>>) dst(%dma_wait3A_72 : memref<128x128xf32, #tpu.memory_space<vmem>>)
        tpu.yield
      }) : () -> ()
      %run_scoped3A_47 = arith.constant 0 : i32
      "tpu.region"() ({
        %run_scoped3A_52 = tpu.sem_alloc : memref<!tpu.dma_semaphore, #tpu.memory_space<semaphore_mem>>
        %dma_start3A = arith.constant 0 : i32
        %dma_start3A_53 = arith.constant 0 : i32
        %dma_start3A_54 = tpu.memref_slice %arg12[%run_scoped3A_47, %dma_start3A, %dma_start3A_53] : memref<2x128x128xf32, #tpu.memory_space<vmem>> -> memref<1x128x128xf32, #tpu.memory_space<vmem>>
        %dma_start3A_55 = tpu.memref_squeeze %dma_start3A_54 : memref<1x128x128xf32, #tpu.memory_space<vmem>> -> memref<128x128xf32, #tpu.memory_space<vmem>>
        %dma_start3A_56 = arith.constant 0 : i32
        %dma_start3A_57 = tpu.memref_slice %arg9[%add3A_45, %dma_start3A_56] : memref<10240x128xf32, #tpu.memory_space<hbm>> -> memref<128x128xf32, #tpu.memory_space<hbm>>
        %dma_start3A_58 = arith.constant 0 : i32
        %dma_start3A_59 = tpu.memref_slice %arg9[%add3A_45, %dma_start3A_58] : memref<10240x128xf32, #tpu.memory_space<hbm>> -> memref<128x128xf32, #tpu.memory_space<hbm>>
        %dma_start3A_60 = arith.constant 0 : i32
        %dma_start3A_61 = arith.constant 0 : i32
        %dma_start3A_62 = tpu.memref_slice %arg12[%run_scoped3A_47, %dma_start3A_60, %dma_start3A_61] : memref<2x128x128xf32, #tpu.memory_space<vmem>> -> memref<1x128x128xf32, #tpu.memory_space<vmem>>
        %dma_start3A_63 = tpu.memref_squeeze %dma_start3A_62 : memref<1x128x128xf32, #tpu.memory_space<vmem>> -> memref<128x128xf32, #tpu.memory_space<vmem>>
        tpu.enqueue_dma source(%dma_start3A_63 : memref<128x128xf32, #tpu.memory_space<vmem>>) target(%dma_start3A_59 : memref<128x128xf32, #tpu.memory_space<hbm>>) target_semaphore(%run_scoped3A_52 : memref<!tpu.dma_semaphore, #tpu.memory_space<semaphore_mem>>)
        %dma_wait3A = arith.constant 0 : i32
        %dma_wait3A_64 = arith.constant 0 : i32
        %dma_wait3A_65 = tpu.memref_slice %arg12[%run_scoped3A_47, %dma_wait3A, %dma_wait3A_64] : memref<2x128x128xf32, #tpu.memory_space<vmem>> -> memref<1x128x128xf32, #tpu.memory_space<vmem>>
        %dma_wait3A_66 = tpu.memref_squeeze %dma_wait3A_65 : memref<1x128x128xf32, #tpu.memory_space<vmem>> -> memref<128x128xf32, #tpu.memory_space<vmem>>
        %dma_wait3A_67 = arith.constant 0 : i32
        %dma_wait3A_68 = tpu.memref_slice %arg9[%add3A_45, %dma_wait3A_67] : memref<10240x128xf32, #tpu.memory_space<hbm>> -> memref<128x128xf32, #tpu.memory_space<hbm>>
        %dma_wait3A_69 = arith.constant 0 : i32
        %dma_wait3A_70 = tpu.memref_slice %arg9[%add3A_45, %dma_wait3A_69] : memref<10240x128xf32, #tpu.memory_space<hbm>> -> memref<128x128xf32, #tpu.memory_space<hbm>>
        %dma_wait3A_71 = arith.constant 0 : i32
        %dma_wait3A_72 = arith.constant 0 : i32
        %dma_wait3A_73 = tpu.memref_slice %arg12[%run_scoped3A_47, %dma_wait3A_71, %dma_wait3A_72] : memref<2x128x128xf32, #tpu.memory_space<vmem>> -> memref<1x128x128xf32, #tpu.memory_space<vmem>>
        %dma_wait3A_74 = tpu.memref_squeeze %dma_wait3A_73 : memref<1x128x128xf32, #tpu.memory_space<vmem>> -> memref<128x128xf32, #tpu.memory_space<vmem>>
        tpu.wait_dma2 semaphore(%run_scoped3A_52 : memref<!tpu.dma_semaphore, #tpu.memory_space<semaphore_mem>>) src(%dma_wait3A_74 : memref<128x128xf32, #tpu.memory_space<vmem>>) dst(%dma_wait3A_70 : memref<128x128xf32, #tpu.memory_space<hbm>>)
        tpu.yield
      }) : () -> ()
      %add3A_48 = arith.constant 512 : i32
      %add3A_49 = arith.addi %mul3A_5, %add3A_48 : i32
      %run_scoped3A_50 = arith.constant 0 : i32
      "tpu.region"() ({
        %run_scoped3A_52 = tpu.sem_alloc : memref<!tpu.dma_semaphore, #tpu.memory_space<semaphore_mem>>
        %dma_start3A = arith.constant 0 : i32
        %dma_start3A_53 = arith.constant 0 : i32
        %dma_start3A_54 = tpu.memref_slice %arg12[%run_scoped3A_50, %dma_start3A, %dma_start3A_53] : memref<2x128x128xf32, #tpu.memory_space<vmem>> -> memref<1x128x128xf32, #tpu.memory_space<vmem>>
        %dma_start3A_55 = tpu.memref_squeeze %dma_start3A_54 : memref<1x128x128xf32, #tpu.memory_space<vmem>> -> memref<128x128xf32, #tpu.memory_space<vmem>>
        %dma_start3A_56 = arith.constant 0 : i32
        %dma_start3A_57 = tpu.memref_slice %arg13[%add3A_49, %dma_start3A_56] : memref<10240x128xf32, #tpu.memory_space<vmem_shared>> -> memref<128x128xf32, #tpu.memory_space<vmem_shared>>
        %dma_start3A_58 = arith.constant 0 : i32
        %dma_start3A_59 = arith.constant 0 : i32
        %dma_start3A_60 = tpu.memref_slice %arg12[%run_scoped3A_50, %dma_start3A_58, %dma_start3A_59] : memref<2x128x128xf32, #tpu.memory_space<vmem>> -> memref<1x128x128xf32, #tpu.memory_space<vmem>>
        %dma_start3A_61 = tpu.memref_squeeze %dma_start3A_60 : memref<1x128x128xf32, #tpu.memory_space<vmem>> -> memref<128x128xf32, #tpu.memory_space<vmem>>
        %dma_start3A_62 = arith.constant 0 : i32
        %dma_start3A_63 = tpu.memref_slice %arg13[%add3A_49, %dma_start3A_62] : memref<10240x128xf32, #tpu.memory_space<vmem_shared>> -> memref<128x128xf32, #tpu.memory_space<vmem_shared>>
        tpu.enqueue_dma source(%dma_start3A_63 : memref<128x128xf32, #tpu.memory_space<vmem_shared>>) target(%dma_start3A_61 : memref<128x128xf32, #tpu.memory_space<vmem>>) target_semaphore(%run_scoped3A_52 : memref<!tpu.dma_semaphore, #tpu.memory_space<semaphore_mem>>)
        %dma_wait3A = arith.constant 0 : i32
        %dma_wait3A_64 = arith.constant 0 : i32
        %dma_wait3A_65 = tpu.memref_slice %arg12[%run_scoped3A_50, %dma_wait3A, %dma_wait3A_64] : memref<2x128x128xf32, #tpu.memory_space<vmem>> -> memref<1x128x128xf32, #tpu.memory_space<vmem>>
        %dma_wait3A_66 = tpu.memref_squeeze %dma_wait3A_65 : memref<1x128x128xf32, #tpu.memory_space<vmem>> -> memref<128x128xf32, #tpu.memory_space<vmem>>
        %dma_wait3A_67 = arith.constant 0 : i32
        %dma_wait3A_68 = tpu.memref_slice %arg13[%add3A_49, %dma_wait3A_67] : memref<10240x128xf32, #tpu.memory_space<vmem_shared>> -> memref<128x128xf32, #tpu.memory_space<vmem_shared>>
        %dma_wait3A_69 = arith.constant 0 : i32
        %dma_wait3A_70 = arith.constant 0 : i32
        %dma_wait3A_71 = tpu.memref_slice %arg12[%run_scoped3A_50, %dma_wait3A_69, %dma_wait3A_70] : memref<2x128x128xf32, #tpu.memory_space<vmem>> -> memref<1x128x128xf32, #tpu.memory_space<vmem>>
        %dma_wait3A_72 = tpu.memref_squeeze %dma_wait3A_71 : memref<1x128x128xf32, #tpu.memory_space<vmem>> -> memref<128x128xf32, #tpu.memory_space<vmem>>
        %dma_wait3A_73 = arith.constant 0 : i32
        %dma_wait3A_74 = tpu.memref_slice %arg13[%add3A_49, %dma_wait3A_73] : memref<10240x128xf32, #tpu.memory_space<vmem_shared>> -> memref<128x128xf32, #tpu.memory_space<vmem_shared>>
        tpu.wait_dma2 semaphore(%run_scoped3A_52 : memref<!tpu.dma_semaphore, #tpu.memory_space<semaphore_mem>>) src(%dma_wait3A_74 : memref<128x128xf32, #tpu.memory_space<vmem_shared>>) dst(%dma_wait3A_72 : memref<128x128xf32, #tpu.memory_space<vmem>>)
        tpu.yield
      }) : () -> ()
      %run_scoped3A_51 = arith.constant 0 : i32
      "tpu.region"() ({
        %run_scoped3A_52 = tpu.sem_alloc : memref<!tpu.dma_semaphore, #tpu.memory_space<semaphore_mem>>
        %dma_start3A = arith.constant 0 : i32
        %dma_start3A_53 = arith.constant 0 : i32
        %dma_start3A_54 = tpu.memref_slice %arg12[%run_scoped3A_51, %dma_start3A, %dma_start3A_53] : memref<2x128x128xf32, #tpu.memory_space<vmem>> -> memref<1x128x128xf32, #tpu.memory_space<vmem>>
        %dma_start3A_55 = tpu.memref_squeeze %dma_start3A_54 : memref<1x128x128xf32, #tpu.memory_space<vmem>> -> memref<128x128xf32, #tpu.memory_space<vmem>>
        %dma_start3A_56 = arith.constant 0 : i32
        %dma_start3A_57 = tpu.memref_slice %arg9[%add3A_49, %dma_start3A_56] : memref<10240x128xf32, #tpu.memory_space<hbm>> -> memref<128x128xf32, #tpu.memory_space<hbm>>
        %dma_start3A_58 = arith.constant 0 : i32
        %dma_start3A_59 = tpu.memref_slice %arg9[%add3A_49, %dma_start3A_58] : memref<10240x128xf32, #tpu.memory_space<hbm>> -> memref<128x128xf32, #tpu.memory_space<hbm>>
        %dma_start3A_60 = arith.constant 0 : i32
        %dma_start3A_61 = arith.constant 0 : i32
        %dma_start3A_62 = tpu.memref_slice %arg12[%run_scoped3A_51, %dma_start3A_60, %dma_start3A_61] : memref<2x128x128xf32, #tpu.memory_space<vmem>> -> memref<1x128x128xf32, #tpu.memory_space<vmem>>
        %dma_start3A_63 = tpu.memref_squeeze %dma_start3A_62 : memref<1x128x128xf32, #tpu.memory_space<vmem>> -> memref<128x128xf32, #tpu.memory_space<vmem>>
        tpu.enqueue_dma source(%dma_start3A_63 : memref<128x128xf32, #tpu.memory_space<vmem>>) target(%dma_start3A_59 : memref<128x128xf32, #tpu.memory_space<hbm>>) target_semaphore(%run_scoped3A_52 : memref<!tpu.dma_semaphore, #tpu.memory_space<semaphore_mem>>)
        %dma_wait3A = arith.constant 0 : i32
        %dma_wait3A_64 = arith.constant 0 : i32
        %dma_wait3A_65 = tpu.memref_slice %arg12[%run_scoped3A_51, %dma_wait3A, %dma_wait3A_64] : memref<2x128x128xf32, #tpu.memory_space<vmem>> -> memref<1x128x128xf32, #tpu.memory_space<vmem>>
        %dma_wait3A_66 = tpu.memref_squeeze %dma_wait3A_65 : memref<1x128x128xf32, #tpu.memory_space<vmem>> -> memref<128x128xf32, #tpu.memory_space<vmem>>
        %dma_wait3A_67 = arith.constant 0 : i32
        %dma_wait3A_68 = tpu.memref_slice %arg9[%add3A_49, %dma_wait3A_67] : memref<10240x128xf32, #tpu.memory_space<hbm>> -> memref<128x128xf32, #tpu.memory_space<hbm>>
        %dma_wait3A_69 = arith.constant 0 : i32
        %dma_wait3A_70 = tpu.memref_slice %arg9[%add3A_49, %dma_wait3A_69] : memref<10240x128xf32, #tpu.memory_space<hbm>> -> memref<128x128xf32, #tpu.memory_space<hbm>>
        %dma_wait3A_71 = arith.constant 0 : i32
        %dma_wait3A_72 = arith.constant 0 : i32
        %dma_wait3A_73 = tpu.memref_slice %arg12[%run_scoped3A_51, %dma_wait3A_71, %dma_wait3A_72] : memref<2x128x128xf32, #tpu.memory_space<vmem>> -> memref<1x128x128xf32, #tpu.memory_space<vmem>>
        %dma_wait3A_74 = tpu.memref_squeeze %dma_wait3A_73 : memref<1x128x128xf32, #tpu.memory_space<vmem>> -> memref<128x128xf32, #tpu.memory_space<vmem>>
        tpu.wait_dma2 semaphore(%run_scoped3A_52 : memref<!tpu.dma_semaphore, #tpu.memory_space<semaphore_mem>>) src(%dma_wait3A_74 : memref<128x128xf32, #tpu.memory_space<vmem>>) dst(%dma_wait3A_70 : memref<128x128xf32, #tpu.memory_space<hbm>>)
        tpu.yield
      }) : () -> ()
    } else {
    }
    return
  }
}

module attributes {stable_mosaic.version = 14 : i64} {
  func.func @_scale_body(%arg0: i32, %arg1: memref<1024x128xf32, #tpu.memory_space<vmem>>, %arg2: memref<1024x1xf32, #tpu.memory_space<vmem>>, %arg3: memref<1024x1xf32, #tpu.memory_space<vmem>>, %arg4: memref<1024x128xf32, #tpu.memory_space<vmem>>, %arg5: memref<1024x128xf32, #tpu.memory_space<vmem>>) attributes {dimension_semantics = [#tpu.dimension_semantics<arbitrary>], iteration_bounds = array<i64: 10>, scalar_prefetch = 0 : i64, scratch_operands = 0 : i64, tpu.core_type = #tpu.core_type<tc>, window_params = [{transform_indices = @transform_0, window_bounds = array<i64: 1024, 128>}, {transform_indices = @transform_1, window_bounds = array<i64: 1024, 1>}, {transform_indices = @transform_2, window_bounds = array<i64: 1024, 1>}, {transform_indices = @transform_3, window_bounds = array<i64: 1024, 128>}, {transform_indices = @transform_4, window_bounds = array<i64: 1024, 128>}]} {
    %get3A = arith.constant 0 : index
    %get3A_0 = arith.constant 0 : index
    %get3A_1 = vector.load %arg1[%get3A, %get3A_0] : memref<1024x128xf32, #tpu.memory_space<vmem>>, vector<1024x128xf32>
    %get3A_2 = arith.constant 0 : index
    %get3A_3 = arith.constant 0 : index
    %get3A_4 = vector.load %arg2[%get3A_2, %get3A_3] : memref<1024x1xf32, #tpu.memory_space<vmem>>, vector<1024x1xf32>
    %max3A = arith.constant 1.000000e+00 : f32
    %max3A_5 = vector.broadcast %max3A : f32 to vector<1024x1xf32>
    %max3A_6 = arith.maximumf %get3A_4, %max3A_5 : vector<1024x1xf32>
    %rsqrt3A = math.rsqrt %max3A_6 : vector<1024x1xf32>
    %mul3A = vector.broadcast %rsqrt3A : vector<1024x1xf32> to vector<1024x128xf32>
    %mul3A_7 = arith.mulf %get3A_1, %mul3A : vector<1024x128xf32>
    %swap3A = arith.constant 0 : index
    %swap3A_8 = arith.constant 0 : index
    %swap3A_9 = vector.load %arg4[%swap3A, %swap3A_8] : memref<1024x128xf32, #tpu.memory_space<vmem>>, vector<1024x128xf32>
    tpu.vector_store %arg4[%swap3A, %swap3A_8], %mul3A_7 {strides = array<i32>} : memref<1024x128xf32, #tpu.memory_space<vmem>>, vector<1024x128xf32>,
    %get3A_10 = arith.constant 0 : index
    %get3A_11 = arith.constant 0 : index
    %get3A_12 = vector.load %arg3[%get3A_10, %get3A_11] : memref<1024x1xf32, #tpu.memory_space<vmem>>, vector<1024x1xf32>
    %max3A_13 = arith.constant 1.000000e+00 : f32
    %max3A_14 = vector.broadcast %max3A_13 : f32 to vector<1024x1xf32>
    %max3A_15 = arith.maximumf %get3A_12, %max3A_14 : vector<1024x1xf32>
    %rsqrt3A_16 = math.rsqrt %max3A_15 : vector<1024x1xf32>
    %mul3A_17 = vector.broadcast %rsqrt3A_16 : vector<1024x1xf32> to vector<1024x128xf32>
    %mul3A_18 = arith.mulf %get3A_1, %mul3A_17 : vector<1024x128xf32>
    %swap3A_19 = arith.constant 0 : index
    %swap3A_20 = arith.constant 0 : index
    %swap3A_21 = vector.load %arg5[%swap3A_19, %swap3A_20] : memref<1024x128xf32, #tpu.memory_space<vmem>>, vector<1024x128xf32>
    tpu.vector_store %arg5[%swap3A_19, %swap3A_20], %mul3A_18 {strides = array<i32>} : memref<1024x128xf32, #tpu.memory_space<vmem>>, vector<1024x128xf32>,
    return
  }
  func.func @transform_0(%arg0: i32) -> (i32, i32) {
    %c0_i32 = arith.constant 0 : i32
    %c0_i32_0 = arith.constant 0 : i32
    return %arg0, %c0_i32 : i32, i32
  }
  func.func @transform_1(%arg0: i32) -> (i32, i32) {
    %c0_i32 = arith.constant 0 : i32
    %c0_i32_0 = arith.constant 0 : i32
    return %arg0, %c0_i32 : i32, i32
  }
  func.func @transform_2(%arg0: i32) -> (i32, i32) {
    %c0_i32 = arith.constant 0 : i32
    %c0_i32_0 = arith.constant 0 : i32
    return %arg0, %c0_i32 : i32, i32
  }
  func.func @transform_3(%arg0: i32) -> (i32, i32) {
    %c0_i32 = arith.constant 0 : i32
    %c0_i32_0 = arith.constant 0 : i32
    return %arg0, %c0_i32 : i32, i32
  }
  func.func @transform_4(%arg0: i32) -> (i32, i32) {
    %c0_i32 = arith.constant 0 : i32
    %c0_i32_0 = arith.constant 0 : i32
    return %arg0, %c0_i32 : i32, i32
  }
}

module attributes {stable_mosaic.version = 14 : i64} {
  func.func @_head_body(%arg0: i32, %arg1: memref<1000x128xf32, #tpu.memory_space<vmem>>, %arg2: memref<1000x128xf32, #tpu.memory_space<vmem>>, %arg3: memref<1000x1xf32, #tpu.memory_space<vmem>>, %arg4: memref<1000x1xf32, #tpu.memory_space<vmem>>, %arg5: memref<128x128xf32, #tpu.memory_space<vmem>>, %arg6: memref<1x128xf32, #tpu.memory_space<vmem>>, %arg7: memref<128x128xf32, #tpu.memory_space<vmem>>, %arg8: memref<1x128xf32, #tpu.memory_space<vmem>>, %arg9: memref<128x40xf32, #tpu.memory_space<vmem>>, %arg10: memref<128x40xf32, #tpu.memory_space<vmem>>, %arg11: memref<1x40xf32, #tpu.memory_space<vmem>>, %arg12: memref<1000x40xf32, #tpu.memory_space<vmem>>) attributes {dimension_semantics = [#tpu.dimension_semantics<arbitrary>], iteration_bounds = array<i64: 10>, scalar_prefetch = 0 : i64, scratch_operands = 0 : i64, tpu.core_type = #tpu.core_type<tc>, window_params = [{transform_indices = @transform_0, window_bounds = array<i64: 1000, 128>}, {transform_indices = @transform_1, window_bounds = array<i64: 1000, 128>}, {transform_indices = @transform_2, window_bounds = array<i64: 1000, 1>}, {transform_indices = @transform_3, window_bounds = array<i64: 1000, 1>}, {pipeline_mode = #tpu.pipeline_mode<synchronous>, transform_indices = @transform_4, window_bounds = array<i64: 128, 128>}, {pipeline_mode = #tpu.pipeline_mode<synchronous>, transform_indices = @transform_5, window_bounds = array<i64: 1, 128>}, {pipeline_mode = #tpu.pipeline_mode<synchronous>, transform_indices = @transform_6, window_bounds = array<i64: 128, 128>}, {pipeline_mode = #tpu.pipeline_mode<synchronous>, transform_indices = @transform_7, window_bounds = array<i64: 1, 128>}, {pipeline_mode = #tpu.pipeline_mode<synchronous>, transform_indices = @transform_8, window_bounds = array<i64: 128, 40>}, {pipeline_mode = #tpu.pipeline_mode<synchronous>, transform_indices = @transform_9, window_bounds = array<i64: 128, 40>}, {pipeline_mode = #tpu.pipeline_mode<synchronous>, transform_indices = @transform_10, window_bounds = array<i64: 1, 40>}, {transform_indices = @transform_11, window_bounds = array<i64: 1000, 40>}]} {
    %get3A = arith.constant 0 : index
    %get3A_0 = arith.constant 0 : index
    %get3A_1 = vector.load %arg3[%get3A, %get3A_0] : memref<1000x1xf32, #tpu.memory_space<vmem>>, vector<1000x1xf32>
    %max3A = arith.constant 1.000000e+00 : f32
    %max3A_2 = vector.broadcast %max3A : f32 to vector<1000x1xf32>
    %max3A_3 = arith.maximumf %get3A_1, %max3A_2 : vector<1000x1xf32>
    %rsqrt3A = math.rsqrt %max3A_3 : vector<1000x1xf32>
    %get3A_4 = arith.constant 0 : index
    %get3A_5 = arith.constant 0 : index
    %get3A_6 = vector.load %arg4[%get3A_4, %get3A_5] : memref<1000x1xf32, #tpu.memory_space<vmem>>, vector<1000x1xf32>
    %max3A_7 = arith.constant 1.000000e+00 : f32
    %max3A_8 = vector.broadcast %max3A_7 : f32 to vector<1000x1xf32>
    %max3A_9 = arith.maximumf %get3A_6, %max3A_8 : vector<1000x1xf32>
    %rsqrt3A_10 = math.rsqrt %max3A_9 : vector<1000x1xf32>
    %get3A_11 = arith.constant 0 : index
    %get3A_12 = arith.constant 0 : index
    %get3A_13 = vector.load %arg1[%get3A_11, %get3A_12] : memref<1000x128xf32, #tpu.memory_space<vmem>>, vector<1000x128xf32>
    %mul3A = vector.broadcast %rsqrt3A : vector<1000x1xf32> to vector<1000x128xf32>
    %mul3A_14 = arith.mulf %get3A_13, %mul3A : vector<1000x128xf32>
    %get3A_15 = arith.constant 0 : index
    %get3A_16 = arith.constant 0 : index
    %get3A_17 = vector.load %arg5[%get3A_15, %get3A_16] : memref<128x128xf32, #tpu.memory_space<vmem>>, vector<128x128xf32>
    %dot_general3A = arith.constant dense<0.000000e+00> : vector<1000x128xf32>
    %dot_general3A_18 = tpu.matmul %mul3A_14, %get3A_17, %dot_general3A {dimension_numbers = #tpu.dot_dimension_numbers<[1], [0], [0], [1], [0, 0, 1, 1], [], []>, transpose_lhs_hint = false} : vector<1000x128xf32>, vector<128x128xf32>, vector<1000x128xf32> -> vector<1000x128xf32>
    %get3A_19 = arith.constant 0 : index
    %get3A_20 = arith.constant 0 : index
    %get3A_21 = vector.load %arg6[%get3A_19, %get3A_20] : memref<1x128xf32, #tpu.memory_space<vmem>>, vector<1x128xf32>
    %add3A = vector.broadcast %get3A_21 : vector<1x128xf32> to vector<1000x128xf32>
    %add3A_22 = arith.addf %dot_general3A_18, %add3A : vector<1000x128xf32>
    %get3A_23 = arith.constant 0 : index
    %get3A_24 = arith.constant 0 : index
    %get3A_25 = vector.load %arg2[%get3A_23, %get3A_24] : memref<1000x128xf32, #tpu.memory_space<vmem>>, vector<1000x128xf32>
    %mul3A_26 = vector.broadcast %rsqrt3A_10 : vector<1000x1xf32> to vector<1000x128xf32>
    %mul3A_27 = arith.mulf %get3A_25, %mul3A_26 : vector<1000x128xf32>
    %get3A_28 = arith.constant 0 : index
    %get3A_29 = arith.constant 0 : index
    %get3A_30 = vector.load %arg7[%get3A_28, %get3A_29] : memref<128x128xf32, #tpu.memory_space<vmem>>, vector<128x128xf32>
    %dot_general3A_31 = arith.constant dense<0.000000e+00> : vector<1000x128xf32>
    %dot_general3A_32 = tpu.matmul %mul3A_27, %get3A_30, %dot_general3A_31 {dimension_numbers = #tpu.dot_dimension_numbers<[1], [0], [0], [1], [0, 0, 1, 1], [], []>, transpose_lhs_hint = false} : vector<1000x128xf32>, vector<128x128xf32>, vector<1000x128xf32> -> vector<1000x128xf32>
    %get3A_33 = arith.constant 0 : index
    %get3A_34 = arith.constant 0 : index
    %get3A_35 = vector.load %arg8[%get3A_33, %get3A_34] : memref<1x128xf32, #tpu.memory_space<vmem>>, vector<1x128xf32>
    %add3A_36 = vector.broadcast %get3A_35 : vector<1x128xf32> to vector<1000x128xf32>
    %add3A_37 = arith.addf %dot_general3A_32, %add3A_36 : vector<1000x128xf32>
    %max3A_38 = arith.constant 0.000000e+00 : f32
    %max3A_39 = vector.broadcast %max3A_38 : f32 to vector<1000x128xf32>
    %max3A_40 = arith.maximumf %add3A_22, %max3A_39 : vector<1000x128xf32>
    %max3A_41 = arith.constant 0.000000e+00 : f32
    %max3A_42 = vector.broadcast %max3A_41 : f32 to vector<1000x128xf32>
    %max3A_43 = arith.maximumf %add3A_37, %max3A_42 : vector<1000x128xf32>
    %get3A_44 = arith.constant 0 : index
    %get3A_45 = arith.constant 0 : index
    %get3A_46 = vector.load %arg9[%get3A_44, %get3A_45] : memref<128x40xf32, #tpu.memory_space<vmem>>, vector<128x40xf32>
    %dot_general3A_47 = arith.constant dense<0.000000e+00> : vector<1000x40xf32>
    %dot_general3A_48 = tpu.matmul %max3A_40, %get3A_46, %dot_general3A_47 {dimension_numbers = #tpu.dot_dimension_numbers<[1], [0], [0], [1], [0, 0, 1, 1], [], []>, transpose_lhs_hint = false} : vector<1000x128xf32>, vector<128x40xf32>, vector<1000x40xf32> -> vector<1000x40xf32>
    %get3A_49 = arith.constant 0 : index
    %get3A_50 = arith.constant 0 : index
    %get3A_51 = vector.load %arg10[%get3A_49, %get3A_50] : memref<128x40xf32, #tpu.memory_space<vmem>>, vector<128x40xf32>
    %dot_general3A_52 = arith.constant dense<0.000000e+00> : vector<1000x40xf32>
    %dot_general3A_53 = tpu.matmul %max3A_43, %get3A_51, %dot_general3A_52 {dimension_numbers = #tpu.dot_dimension_numbers<[1], [0], [0], [1], [0, 0, 1, 1], [], []>, transpose_lhs_hint = false} : vector<1000x128xf32>, vector<128x40xf32>, vector<1000x40xf32> -> vector<1000x40xf32>
    %add3A_54 = arith.addf %dot_general3A_48, %dot_general3A_53 : vector<1000x40xf32>
    %get3A_55 = arith.constant 0 : index
    %get3A_56 = arith.constant 0 : index
    %get3A_57 = vector.load %arg11[%get3A_55, %get3A_56] : memref<1x40xf32, #tpu.memory_space<vmem>>, vector<1x40xf32>
    %add3A_58 = vector.broadcast %get3A_57 : vector<1x40xf32> to vector<1000x40xf32>
    %add3A_59 = arith.addf %add3A_54, %add3A_58 : vector<1000x40xf32>
    %reduce_max3A = arith.constant dense<0xFF800000> : vector<1000xf32>
    %reduce_max3A_60 = vector.multi_reduction <maximumf>, %add3A_59, %reduce_max3A [1] : vector<1000x40xf32> to vector<1000xf32>
    %broadcast_in_dim3A = vector.shape_cast %reduce_max3A_60 : vector<1000xf32> to vector<1000x1xf32>
    %sub3A = vector.broadcast %broadcast_in_dim3A : vector<1000x1xf32> to vector<1000x40xf32>
    %sub3A_61 = arith.subf %add3A_59, %sub3A : vector<1000x40xf32>
    %exp3A = math.exp %sub3A_61 : vector<1000x40xf32>
    %sub3A_62 = vector.broadcast %broadcast_in_dim3A : vector<1000x1xf32> to vector<1000x40xf32>
    %sub3A_63 = arith.subf %add3A_59, %sub3A_62 : vector<1000x40xf32>
    %reduce_sum3A = arith.constant dense<0.000000e+00> : vector<1000xf32>
    %reduce_sum3A_64 = vector.multi_reduction <add>, %exp3A, %reduce_sum3A [1] : vector<1000x40xf32> to vector<1000xf32>
    %broadcast_in_dim3A_65 = vector.shape_cast %reduce_sum3A_64 : vector<1000xf32> to vector<1000x1xf32>
    %log3A = math.log %broadcast_in_dim3A_65 : vector<1000x1xf32>
    %sub3A_66 = vector.broadcast %log3A : vector<1000x1xf32> to vector<1000x40xf32>
    %sub3A_67 = arith.subf %sub3A_63, %sub3A_66 : vector<1000x40xf32>
    %swap3A = arith.constant 0 : index
    %swap3A_68 = arith.constant 0 : index
    %swap3A_69 = vector.load %arg12[%swap3A, %swap3A_68] : memref<1000x40xf32, #tpu.memory_space<vmem>>, vector<1000x40xf32>
    tpu.vector_store %arg12[%swap3A, %swap3A_68], %sub3A_67 {strides = array<i32>} : memref<1000x40xf32, #tpu.memory_space<vmem>>, vector<1000x40xf32>,
    return
  }
  func.func @transform_0(%arg0: i32) -> (i32, i32) {
    %c0_i32 = arith.constant 0 : i32
    %c0_i32_0 = arith.constant 0 : i32
    return %arg0, %c0_i32 : i32, i32
  }
  func.func @transform_1(%arg0: i32) -> (i32, i32) {
    %c0_i32 = arith.constant 0 : i32
    %c0_i32_0 = arith.constant 0 : i32
    return %arg0, %c0_i32 : i32, i32
  }
  func.func @transform_2(%arg0: i32) -> (i32, i32) {
    %c0_i32 = arith.constant 0 : i32
    %c0_i32_0 = arith.constant 0 : i32
    return %arg0, %c0_i32 : i32, i32
  }
  func.func @transform_3(%arg0: i32) -> (i32, i32) {
    %c0_i32 = arith.constant 0 : i32
    %c0_i32_0 = arith.constant 0 : i32
    return %arg0, %c0_i32 : i32, i32
  }
  func.func @transform_4(%arg0: i32) -> (i32, i32) {
    %c0_i32 = arith.constant 0 : i32
    %c0_i32_0 = arith.constant 0 : i32
    %c0_i32_1 = arith.constant 0 : i32
    return %c0_i32, %c0_i32_0 : i32, i32
  }
  func.func @transform_5(%arg0: i32) -> (i32, i32) {
    %c0_i32 = arith.constant 0 : i32
    %c0_i32_0 = arith.constant 0 : i32
    %c0_i32_1 = arith.constant 0 : i32
    return %c0_i32, %c0_i32_0 : i32, i32
  }
  func.func @transform_6(%arg0: i32) -> (i32, i32) {
    %c0_i32 = arith.constant 0 : i32
    %c0_i32_0 = arith.constant 0 : i32
    %c0_i32_1 = arith.constant 0 : i32
    return %c0_i32, %c0_i32_0 : i32, i32
  }
  func.func @transform_7(%arg0: i32) -> (i32, i32) {
    %c0_i32 = arith.constant 0 : i32
    %c0_i32_0 = arith.constant 0 : i32
    %c0_i32_1 = arith.constant 0 : i32
    return %c0_i32, %c0_i32_0 : i32, i32
  }
  func.func @transform_8(%arg0: i32) -> (i32, i32) {
    %c0_i32 = arith.constant 0 : i32
    %c0_i32_0 = arith.constant 0 : i32
    %c0_i32_1 = arith.constant 0 : i32
    return %c0_i32, %c0_i32_0 : i32, i32
  }
  func.func @transform_9(%arg0: i32) -> (i32, i32) {
    %c0_i32 = arith.constant 0 : i32
    %c0_i32_0 = arith.constant 0 : i32
    %c0_i32_1 = arith.constant 0 : i32
    return %c0_i32, %c0_i32_0 : i32, i32
  }
  func.func @transform_10(%arg0: i32) -> (i32, i32) {
    %c0_i32 = arith.constant 0 : i32
    %c0_i32_0 = arith.constant 0 : i32
    %c0_i32_1 = arith.constant 0 : i32
    return %c0_i32, %c0_i32_0 : i32, i32
  }
  func.func @transform_11(%arg0: i32) -> (i32, i32) {
    %c0_i32 = arith.constant 0 : i32
    %c0_i32_0 = arith.constant 0 : i32
    return %arg0, %c0_i32 : i32, i32
  }
}

</mosaic_0001>

<sc_bundles>
// kernel: kernel.6.cloned.1.call-start
scs
__scs_entry_jumppad:
0x0: {  	(pc) =	sbr.rel $0x88, $3  }
0x1: {  	(tag) =	ssettag $0x0;
	lr =	simm.s32 $0x1  }
0x2: {  	[smem:$0x3F98] =	sst lr;
	_ =	strace $0xD0000000  }
0x3: {  	_ = 	snop  }
0x4: {  	_ = 	snop  }
0x5: {  	_ = 	snop  }
0x6: {  	_ = 	snop  }
0x7: {  	_ = 	snop  }
__scs_overlays_trampoline_lowered:
0x8: {  	[smem:$0x3FA7] =	sst s0  }
0x9: {  	[smem:$0x3FA8] =	sst s1  }
0xa: {  	[smem:$0x3FA9] =	sst s2  }
0xb: {  	[smem:$0x3FAA] =	sst s3  }
0xc: {  	[smem:$0x3FAB] =	sst s4  }
0xd: {  	[smem:$0x3FAC] =	sst s5  }
0xe: {  	[smem:$0x3FAD] =	sst s6  }
0xf: {  	[smem:$0x3FAE] =	sst s7  }
0x10: {  	[smem:$0x3FAF] =	sst s8  }
0x11: {  	[smem:$0x3FB0] =	sst s9;
	s0 =	simm.s32 @!p0 $0x0  }
0x12: {  	s1 =	sld [smem:$0x3F96];
	s0 =	simm.s32 @p0 $0x1  }
0x13: {  	[smem:$0x3FB1] =	sst s0;
	s0 =	simm.s32 @!p1 $0x0  }
0x14: {  	s2 =	sld [smem:$0x3F95];
	s0 =	simm.s32 @p1 $0x1  }
0x15: {  	[smem:$0x3FB2] =	sst s0;
	s0 =	simm.s32 @!p2 $0x0  }
0x16: {  	s3 =	sld [smem:$0x3FDB];
	s0 =	simm.s32 @p2 $0x1  }
0x17: {  	s4 =	simm.s32 $0x1BF5;
	[smem:$0x3FB4] =	sst s0  }
0x18: {  	s0 =	sld [smem:$0x3F97];
	_ =	swait.ge [sflag:s4], $0x0  }
0x19: {  	s7 =	sld [smem:$0x3F98]  }
0x1a: {  	s8 =	sadd.s32 $0xFFFFE003, lr  }
0x1b: {  	s9 =	sadd.s32 $0xFFFFFEF7, lr;
	s5 =	simm.s32 $0xFFFFFFFF;
	p2 =	slt.u32 s8, $0xFFFFF086  }
0x1c: {  	p1 =	slt.u32 s9, $0xF7A;
	s5 =	simm.s32 @!p2 $0x0  }
0x1d: {  	s5 =	simm.s32 @p1 $0x1;
	p0 =	seq.s32 s7, s2  }
0x1e: {  	s7 =	smul.u32 @!p0 $0xF7A, s2;
	p2 =	seq.s32 @!p0 s5, $0x0  }
0x1f: {  	s9 =	smul.u32 $0xF7A, s1;
	s8 =	simm.s32 @!p0 $0x1BF5;
	p2 =	por !p2, p0  }
0x20: {  	[sflag:s8] =	ssyncset.s32 @!p0 $0xFFFFF086;
	s6 =	sadd.s32 @!p0 s3, s7;
	s7 =	simm.s32 @!p0 $0x108  }
0x21: {  	s3 =	sadd.s32 s3, s9;
	s6 =	sadd.s32 @!p0 $0x88, s6;
	s7 =	simm.s32 @p2 $0x1082  }
0x22: {  	[simem:s7], [sflag:s8] =	dma.local @!p0 [hbm:s6], $0xF7A  }
0x23: {  	s9 =	sor.u32 $0xD0000000, s2;
	s6 =	simm.s32 $0x108;
	_ =	swait.ge @!p0 [sflag:s8], $0x0  }
0x24: {  	s3 =	sadd.s32 $0x88, s3;
	s6 =	simm.s32 @!p1 $0x1082;
	[sflag:s4] =	ssyncset.s32 $0xFFFFF086  }
0x25: {  	[simem:s6], [sflag:s4] =	dma.local [hbm:s3], $0xF7A  }
0x26: {  	[smem:$0x3F98] =	sst s1;
	(tag) =	ssettag s2;
	_ =	strace s9  }
0x27: {  	s1 =	sld [smem:$0x3FA8]  }
0x28: {  	s2 =	sld [smem:$0x3FA9]  }
0x29: {  	s4 =	sld [smem:$0x3FAB]  }
0x2a: {  	p0 =	seq.s32 s5, $0x0;
	s5 =	sld [smem:$0x3FAC]  }
0x2b: {  	s6 =	sld [smem:$0x3FAD]  }
0x2c: {  	s7 =	sld [smem:$0x3FAE]  }
0x2d: {  	s3 =	simm.s32 $0x108;
	s8 =	sld [smem:$0x3FAF]  }
0x2e: {  	s3 =	simm.s32 @!p0 $0x1082;
	s9 =	sld [smem:$0x3FB0]  }
0x2f: {  	lr =	sadd.s32 s0, s3;
	s0 =	sld [smem:$0x3FA7]  }
0x30: {  	s3 =	sld [smem:$0x3FAA]  }
0x31: {  	[smem:$0x3FB3] =	sst s10  }
0x32: {  	s10 =	sld [smem:$0x3FB1];
	_ =	sdelay $0x3  }
0x33: {  	p0 =	seq.s32 s10, $0x1;
	s10 =	sld [smem:$0x3FB3];
	_ =	sdelay $0x3  }
0x34: {  	[smem:$0x3FB3] =	sst s10  }
0x35: {  	s10 =	sld [smem:$0x3FB2];
	_ =	sdelay $0x3  }
0x36: {  	p1 =	seq.s32 s10, $0x1;
	s10 =	sld [smem:$0x3FB3];
	_ =	sdelay $0x3  }
0x37: {  	[smem:$0x3FB3] =	sst s10  }
0x38: {  	s10 =	sld [smem:$0x3FB4]  }
0x39: {  	_ = 	snop;
	(pc) =	sbr.ind lr, $3  }
0x3a: {  	_ = 	snop  }
0x3b: {  	_ = 	snop  }
0x3c: {  	p2 =	seq.s32 s10, $0x1;
	s10 =	sld [smem:$0x3FB3]  }
0x3d: {  	_ =	shalt  }
0x3e: {  	_ =	shalt  }
0x3f: {  	_ =	shalt  }
0x40: {  	_ =	shalt  }
0x41: {  	_ =	shalt  }
0x42: {  	_ =	shalt  }
0x43: {  	_ =	shalt  }
0x44: {  	_ =	shalt  }
0x45: {  	_ =	shalt  }
0x46: {  	_ =	shalt  }
0x47: {  	_ =	shalt  }
0x48: {  	_ =	shalt  }
0x49: {  	_ =	shalt  }
0x4a: {  	_ =	shalt  }
0x4b: {  	_ =	shalt  }
0x4c: {  	_ =	shalt  }
0x4d: {  	_ =	shalt  }
0x4e: {  	_ =	shalt  }
0x4f: {  	_ =	shalt  }
0x50: {  	_ =	shalt  }
0x51: {  	_ =	shalt  }
0x52: {  	_ =	shalt  }
0x53: {  	_ =	shalt  }
0x54: {  	_ =	shalt  }
0x55: {  	_ =	shalt  }
0x56: {  	_ =	shalt  }
0x57: {  	_ =	shalt  }
0x58: {  	_ =	shalt  }
0x59: {  	_ =	shalt  }
0x5a: {  	_ =	shalt  }
0x5b: {  	_ =	shalt  }
0x5c: {  	_ =	shalt  }
0x5d: {  	_ =	shalt  }
0x5e: {  	_ =	shalt  }
0x5f: {  	_ =	shalt  }
0x60: {  	_ =	shalt  }
0x61: {  	_ =	shalt  }
0x62: {  	_ =	shalt  }
0x63: {  	_ =	shalt  }
0x64: {  	_ =	shalt  }
0x65: {  	_ =	shalt  }
0x66: {  	_ =	shalt  }
0x67: {  	_ =	shalt  }
0x68: {  	_ =	shalt  }
0x69: {  	_ =	shalt  }
0x6a: {  	_ =	shalt  }
0x6b: {  	_ =	shalt  }
0x6c: {  	_ =	shalt  }
0x6d: {  	_ =	shalt  }
0x6e: {  	_ =	shalt  }
0x6f: {  	_ =	shalt  }
0x70: {  	_ =	shalt  }
0x71: {  	_ =	shalt  }
0x72: {  	_ =	shalt  }
0x73: {  	_ =	shalt  }
0x74: {  	_ =	shalt  }
0x75: {  	_ =	shalt  }
0x76: {  	_ =	shalt  }
0x77: {  	_ =	shalt  }
0x78: {  	_ =	shalt  }
0x79: {  	_ =	shalt  }
0x7a: {  	_ =	shalt  }
0x7b: {  	_ =	shalt  }
0x7c: {  	_ =	shalt  }
0x7d: {  	_ =	shalt  }
0x7e: {  	_ =	shalt  }
0x7f: {  	_ =	shalt  }
0x80: {  	_ =	shalt  }
0x81: {  	_ =	shalt  }
0x82: {  	_ =	shalt  }
0x83: {  	_ =	shalt  }
0x84: {  	_ =	shalt  }
0x85: {  	_ =	shalt  }
0x86: {  	_ =	shalt  }
0x87: {  	_ =	shalt  }
.Lfunc_end0:
.L_simem_size_0:
called_computation_lowered:
.L_overlay_start_0:
0x88: {  	s2 =	sld [smem:$0x3FD9]  }
0x89: {  	s3 =	sld [smem:$0x3FFE];
	_ =	sdelay $0x1  }
0x8a: {  	s1 =	srdreg.scid  }
0x8b: {  	s0 =	sand.u32 $0x1, s1  }
0x8c: {  	s17 =	sshll.u32 s0, $0xA;
	s2 =	sadd.s32 s3, s2  }
0x8d: {  	s2 =	sadd.s32 s2, s17  }
0x8e: {  	[smem:$0x3FBF] =	sst s2  }
0x8f: {  	_ = 	snop  }
0x90: {  	s2 =	sld [smem:$0x3FD0];
	(tm) =	ssettm $0x1  }
0x91: {  	s18 =	sld [smem:$0x3FFB];
	_ =	sdelay $0x3  }
0x92: {  	_ =	strace s18  }
0x93: {  	s3 =	sld [smem:$0x3FFC];
	_ =	sdelay $0x3  }
0x94: {  	_ =	strace s3  }
0x95: {  	s3 =	sld [smem:$0x3FFD];
	_ =	sdelay $0x3  }
0x96: {  	_ =	strace s3  }
0x97: {  	_ =	strace $0x8FFFFFFF  }
0x98: {  	s19 =	sld [smem:$0x3FDB];
	_ =	sdelay $0x1  }
0x99: {  	s4 =	simm.s32 $_scs_section_size  }
0x9a: {  	s5 =	simm.s32 $_size__tile_overlayer_lowered;
	s6 =	simm.s32 $_tile_overlayer_lowered  }
0x9b: {  	s22 =	simm.s32 $0x1BFF;
	s21 =	sshll.u32 s6, $0x1;
	s3 =	sadd.s32 s4, s19  }
0x9c: {  	s7 =	simm.s32 $0x0;
	s20 =	sshll.u32 s5, $0x1;
	s5 =	sadd.s32 s21, s3  }
0x9d: {  	[timem:s7], [sflag:s22] =	dma.local [hbm:s5], s20  }
0x9e: {  	_ =	swait.ge [sflag:s22], s20  }
0x9f: {  	s4 =	ssub.s32 $0x0, s20;
	[sflag:s22] =	ssyncset.done $0x0  }
0xa0: {  	[sflag:s22] =	ssyncadd.s32 s4;
	_ =	sdelay $0x1  }
0xa1: {  	s23 =	simm.s32 $0x1B8B  }
0xa2: {  	_ =	swait.ge [sflag:s23], $0x1  }
0xa3: {  	[sflag:s23] =	ssyncset.done $0x0  }
0xa4: {  	s25 =	simm.s32 $0x1B8E;
	s24 =	sld [smem:$0x3FFE];
	[sflag:s23] =	ssyncadd.s32 $0xFFFFFFFF  }
0xa5: {  	s26 =	simm.s32 $execute0_lowered;
	[smem:$0x3FD2] =	sst s25  }
0xa6: {  	s5 =	sshll.u32 s26, $0x1;
	_ =	strace $0x80000046;
	[dreg:$0x1] =	wrdreg $0xFFFFFFFF  }
0xa7: {  	s28 =	simm.s32 $_size_execute0_lowered;
	s3 =	sadd.s32 s3, s5;
	[dreg:$0x0] =	wrdreg $0x0  }
0xa8: {  	s5 =	sshll.u32 s28, $0x1;
	[dreg:$0x2] =	wrdreg s3  }
0xa9: {  	[dreg:$0x3] =	wrdreg s5  }
0xaa: {  	[dreg:$0x4] =	wrdreg $0xC0  }
0xab: {  	_ =	task [dreg:s7], $0x5FFFF  }
0xac: {  	[dreg:$0x1] =	wrdreg $0xFFFFFFFF  }
0xad: {  	[dreg:$0x0] =	wrdreg $0x60  }
0xae: {  	[dreg:$0x2] =	wrdreg s24  }
0xaf: {  	[dreg:$0x3] =	wrdreg s2  }
0xb0: {  	[dreg:$0x4] =	wrdreg $0xA3000  }
0xb1: {  	[dreg:$0x5] =	wrdreg $0xA5800  }
0xb2: {  	[dreg:$0x6] =	wrdreg $0x9  }
0xb3: {  	_ =	task.clear_ibuf [dreg:s7], $0x7FFFF;
	_ =	strace $0x90000046  }
0xb4: {  	s29 =	simm.s32 $0x9;
	_ =	strace $0x80000048  }
0xb5: {  	_ =	swait.ge [sflag:s29], $0x1  }
0xb6: {  	[sflag:s29] =	ssyncadd.s32 $0xFFFFFFFF  }
0xb7: {  	_ =	strace $0x90000048  }
0xb8: {  	_ =	sfence  }
0xb9: {  	s30 =	sld [smem:$0x0];
	_ =	sdelay $0x2  }
0xba: {  	s31 =	sshll.u32 s1, $0xD;
	s1 =	sshrl.u32 s1, $0x2  }
0xbb: {  	s3 =	sand.u32 $0x4000, s31;
	s1 =	sadd.s32 s1, s30  }
0xbc: {  	s0 =	sor.u32 s3, s0;
	s1 =	sshll.u32 s1, $0x11  }
0xbd: {  	s0 =	sor.u32 s1, s0  }
0xbe: {  	s0 =	sadd.s32 $0x8F2B, s0  }
0xbf: {  	[sflag:s0] =	ssyncadd.remote.s32 $0x1  }
0xc0: {  	_ =	sfence.sel $0xFFFF  }
0xc1: {  	[dreg:$0x0] =	wrdreg $0xFFFFFFFF;
	(pc) =	sbr.abs _section_cstart, $3  }
0xc2: {  	[dreg:$0x1] =	wrdreg $0xFFFFFFFF  }
0xc3: {  	_ =	task.clear_ibuf [dreg:s7], $0x2FFFF;
	_ =	strace $0x9FFFFFFF  }
0xc4: {  	(tm) =	ssettm $0x7FFFFFFF  }
0xc5: {  	_ =	shalt  }
tec
execute0_lowered:
.L_overlay_start_1:
0x0: {  	(tag) =	ssettag $0x1  }
0x1: {  	s8 =	rddreg [dreg:$0x0]  }
0x2: {  	s15 =	rddreg [dreg:$0x1]  }
0x3: {  	s2 =	rddreg [dreg:$0x2]  }
0x4: {  	s3 =	rddreg [dreg:$0x3];
	s1 =	stileid.u32  }
0x5: {  	s0 =	rddreg [dreg:$0x4];
	s4 =	simm.s32 $0x0;
	s5 =	srdreg.scid  }
0x6: {  	s18 =	simm.s32 $0x2;
	s19 =	simm.s32 $0x5000;
	s20 =	simm.s32 $0x80  }
0x7: {  	s21 =	simm.s32 $0xA000;
	s22 =	simm.s32 $0x1;
	s23 =	simm.s32 $0x0  }
0x8: {  	s16 =	smul.u32 $0xA00, s1;
	[smem:$0x7FF] =	sst s4;
	s11 =	sand.u32 $0x1, s5  }
0x9: {  	s5 =	sadd.s32 $0x20600, s8;
	s13 =	smul.u32 $0x280, s1;
	s6 =	sadd.s32 $0x21200, s8  }
0xa: {  	s7 =	sadd.s32 $0x20C00, s8;
	_ =	strace $0x80000047;
	s9 =	ssub.s32 $0x2, s11  }
.Ltmp0:
0xb: {  	p0 =	seq.s32 s11, $0x1;
	s14 =	sadd.s32 s16, s8;
	(pc) =	sbr.rel .LBB2_1-.Ltmp0, $4  }
0xc: {  	s10 =	sshrl.u32 s9, $0x1;
	s8 =	sadd.s32 $0x21800, s8;
	s15 =	sadd.s32 s15, s16  }
0xd: {  	s17 =	ssub.s32 s9, s10;
	s9 =	sadd.s32 s13, s2;
	s10 =	sadd.s32 s13, s3  }
0xe: {  	s11 =	sadd.s32 $0x16600, s14;
	s12 =	sadd.s32 $0x2600, s14;
	s13 =	sshrl.u32 s13, $0x3  }
0xf: {  	v0 =	vimm.f32 $1.000000000e+00;
	v1 =	vimm.f32 $0.0e+00;
	s14 =	sadd.s32 $0xC600, s14;
	s16 =	smax.u32 s17, $0x1;
	s17 =	simm.s32 $0xA080  }
.LBB2_11:
0x10: {  	[sflag:s22] =	ssyncadd.s32 $0xFFFFFF80;
	s25 =	smov.u32 s7;
	s24 =	smov.u32 s8  }
.LBB2_12:
0x11: {  	[bflag:$0x0] =	sbarrier.arrive $0xFFFF  }
0x12: {  	[tilespmem:s17], [sflag:$0x2] =	stream.linear.gather [spmem:s9], $0x280, $0x38;
	[tilespmem:$0xA800] =	vst v63  }
0x13: {  	_ =	swait.ge [sflag:s18], $0x280  }
0x14: {  	[sflag:s18] =	ssyncset.done $0x0  }
0x15: {  	s25 =	sadd.s32 s25, s13;
	[sflag:s18] =	ssyncadd.s32 $0xFFFFFD80  }
0x16: {  	[hbm4b:s25+s4] =	stream.linear.scatter [tilespmem:s17], [sflag:$0x2], $0x280, $0x38;
	[tilespmem:$0xA800] =	vst v63  }
0x17: {  	_ =	swait.ge [sflag:s18], $0x280  }
0x18: {  	[sflag:s18] =	ssyncset.done $0x0  }
0x19: {  	[sflag:s18] =	ssyncadd.s32 $0xFFFFFD80  }
0x1a: {  	[tilespmem:s17], [sflag:$0x2] =	stream.linear.gather [spmem:s10], $0x280, $0x38;
	[tilespmem:$0xA800] =	vst v63  }
0x1b: {  	s23 =	sadd.s32 $0x1, s23;
	_ =	swait.ge [sflag:s18], $0x280  }
0x1c: {  	p1 =	sne.s32 s23, s16;
	[sflag:s18] =	ssyncset.done $0x0  }
.Ltmp1:
0x1d: {  	s24 =	sadd.s32 s24, s13;
	[sflag:s18] =	ssyncadd.s32 $0xFFFFFD80;
	(pc) =	sbr.rel @!p1 .LBB2_13-.Ltmp1, $4  }
0x1e: {  	[hbm4b:s24+s4] =	stream.linear.scatter [tilespmem:s17], [sflag:$0x2], $0x280, $0x38;
	[tilespmem:$0xA800] =	vst v63  }
0x1f: {  	_ =	swait.ge [sflag:s18], $0x280  }
0x20: {  	[sflag:s18] =	ssyncset.done $0x0  }
0x21: {  	[sflag:s18] =	ssyncadd.s32 $0xFFFFFD80  }
.LBB2_1:
0x22: {  	[tilespmem:$0xA000] =	vst v0  }
0x23: {  	[tilespmem:$0xA010] =	vst v0  }
0x24: {  	[tilespmem:$0xA020] =	vst v0  }
0x25: {  	[tilespmem:$0xA030] =	vst v0  }
0x26: {  	[tilespmem:$0xA040] =	vst v0  }
0x27: {  	[tilespmem:$0xA050] =	vst v0  }
0x28: {  	[tilespmem:$0xA060] =	vst v0  }
0x29: {  	[tilespmem:$0xA070] =	vst v0  }
0x2a: {  	[tilespmem:$0xA080] =	vst v1  }
0x2b: {  	[tilespmem:$0xA090] =	vst v1  }
0x2c: {  	[tilespmem:$0xA0A0] =	vst v1  }
0x2d: {  	[tilespmem:$0xA0B0] =	vst v1  }
0x2e: {  	[tilespmem:$0xA0C0] =	vst v1  }
0x2f: {  	[tilespmem:$0xA0D0] =	vst v1  }
0x30: {  	[tilespmem:$0xA0E0] =	vst v1  }
0x31: {  	[tilespmem:$0xA0F0] =	vst v1  }
0x32: {  	[tilespmem:$0xA100] =	vst v1  }
0x33: {  	[tilespmem:$0xA110] =	vst v1  }
0x34: {  	[tilespmem:$0xA120] =	vst v1  }
0x35: {  	[tilespmem:$0xA130] =	vst v1  }
0x36: {  	[tilespmem:$0xA140] =	vst v1  }
0x37: {  	[tilespmem:$0xA150] =	vst v1  }
0x38: {  	[tilespmem:$0xA160] =	vst v1  }
0x39: {  	[tilespmem:$0xA170] =	vst v1  }
0x3a: {  	[tilespmem:$0xA180] =	vst v1  }
0x3b: {  	[tilespmem:$0xA190] =	vst v1  }
0x3c: {  	[tilespmem:$0xA1A0] =	vst v1  }
0x3d: {  	[tilespmem:$0xA1B0] =	vst v1  }
0x3e: {  	[tilespmem:$0xA1C0] =	vst v1  }
0x3f: {  	[tilespmem:$0xA1D0] =	vst v1  }
0x40: {  	[tilespmem:$0xA1E0] =	vst v1  }
0x41: {  	[tilespmem:$0xA1F0] =	vst v1  }
0x42: {  	[tilespmem:$0xA200] =	vst v1  }
0x43: {  	[tilespmem:$0xA210] =	vst v1  }
0x44: {  	[tilespmem:$0xA220] =	vst v1  }
0x45: {  	[tilespmem:$0xA230] =	vst v1  }
0x46: {  	[tilespmem:$0xA240] =	vst v1  }
0x47: {  	[tilespmem:$0xA250] =	vst v1  }
0x48: {  	[tilespmem:$0xA260] =	vst v1  }
0x49: {  	[tilespmem:$0xA270] =	vst v1  }
0x4a: {  	[tilespmem:$0xA280] =	vst v1  }
0x4b: {  	[tilespmem:$0xA290] =	vst v1  }
0x4c: {  	[tilespmem:$0xA2A0] =	vst v1  }
0x4d: {  	[tilespmem:$0xA2B0] =	vst v1  }
0x4e: {  	[tilespmem:$0xA2C0] =	vst v1  }
0x4f: {  	[tilespmem:$0xA2D0] =	vst v1  }
0x50: {  	[tilespmem:$0xA2E0] =	vst v1  }
0x51: {  	[tilespmem:$0xA2F0] =	vst v1  }
0x52: {  	[spmem:s9] =	stream.linear.scatter [tilespmem:s17], [sflag:$0x2], $0x280, $0x38;
	[tilespmem:$0xA800] =	vst v63  }
0x53: {  	_ =	swait.ge [sflag:s18], $0x280  }
0x54: {  	[sflag:s18] =	ssyncset.done $0x0  }
0x55: {  	[sflag:s18] =	ssyncadd.s32 $0xFFFFFD80  }
0x56: {  	[spmem:s10] =	stream.linear.scatter [tilespmem:s17], [sflag:$0x2], $0x280, $0x38;
	[tilespmem:$0xA800] =	vst v63  }
.Ltmp2:
0x57: {  	_ =	swait.ge [sflag:s18], $0x280;
	(pc) =	sbr.rel @!p0 .LBB2_2-.Ltmp2, $4  }
0x58: {  	[sflag:s18] =	ssyncset.done $0x0  }
0x59: {  	[sflag:s18] =	ssyncadd.s32 $0xFFFFFD80  }
0x5a: {  	[bflag:$0x0] =	sbarrier.arrive $0xFFFF  }
0x5b: {  	s24 =	simm.s32 $0x0  }
0x5c: {  	[tilespmem:s24], [sflag:$0x2] =	stream.linear.gather [hbm4b:s14+s24], $0x5000, $0x38;
	[tilespmem:$0xA800] =	vst v63  }
0x5d: {  	_ =	swait.ge [sflag:s18], $0x5000  }
0x5e: {  	[sflag:s18] =	ssyncset.done $0x0  }
0x5f: {  	[sflag:s18] =	ssyncadd.s32 $0xFFFFB000  }
0x60: {  	[tilespmem:s19], [sflag:$0x2] =	stream.linear.gather [hbm4b:s15+s24], $0x5000, $0x38;
	[tilespmem:$0xA800] =	vst v63  }
0x61: {  	_ =	swait.ge [sflag:s18], $0x5000  }
0x62: {  	s31 =	simm.s32 $0x0;
	[sflag:s18] =	ssyncset.done $0x0  }
0x63: {  	s25 =	simm.s32 $0x5000;
	s24 =	simm.s32 $0x200;
	[sflag:s18] =	ssyncadd.s32 $0xFFFFB000  }
0x64: {  	[spmem:s2] =	stream.indirect.scatter.add.f32 [tilespmem:s21], [sflag:$0x1], $0x1, s31, s20, $0xb8;
	[tilespmem:$0xA800] =	vst v63  }
.LBB2_8:
0x65: {  	[spmem:s3] =	stream.indirect.scatter.add.f32 [tilespmem:s21], [sflag:$0x1], $0x1, s25, s20, $0xb8;
	[tilespmem:$0xA800] =	vst v63  }
0x66: {  	s25 =	smov.u32 s24;
	p1 =	sne.s32 s24, $0x13E00  }
.Ltmp3:
0x67: {  	s24 =	sadd.s32 $0x200, s24;
	(pc) =	sbr.rel @p1 .LBB2_8-.Ltmp3, $4  }
0x68: {  	_ = 	snop  }
0x69: {  	s25 =	sshra.s32 s25, $0x2  }
0x6a: {  	[spmem:s2] =	stream.indirect.scatter.add.f32 [tilespmem:s21], [sflag:$0x1], $0x1, s25, s20, $0xb8;
	[tilespmem:$0xA800] =	vst v63  }
0x6b: {  	s25 =	sadd.s32 $0x5000, s25  }
0x6c: {  	[spmem:s3] =	stream.indirect.scatter.add.f32 [tilespmem:s21], [sflag:$0x1], $0x1, s25, s20, $0xb8;
	[tilespmem:$0xA800] =	vst v63  }
0x6d: {  	_ =	swait.ge [sflag:s22], $0x80  }
0x6e: {  	[sflag:s22] =	ssyncset.done $0x0  }
0x6f: {  	[sflag:s22] =	ssyncadd.s32 $0xFFFFFF80  }
0x70: {  	_ =	swait.ge [sflag:s22], $0x80  }
0x71: {  	s24 =	simm.s32 $0x9F;
	[sflag:s22] =	ssyncset.done $0x0  }
.LBB2_10:
0x72: {  	p1 =	sne.s32 s24, $0x1;
	s24 =	sadd.s32 $0xFFFFFFFF, s24;
	[sflag:s22] =	ssyncadd.s32 $0xFFFFFF80  }
.Ltmp4:
0x73: {  	_ =	swait.ge [sflag:s22], $0x80;
	(pc) =	sbr.rel @p1 .LBB2_10-.Ltmp4, $4  }
0x74: {  	[sflag:s22] =	ssyncset.done $0x0  }
0x75: {  	[sflag:s22] =	ssyncadd.s32 $0xFFFFFF80  }
0x76: {  	_ =	swait.ge [sflag:s22], $0x80  }
0x77: {  	[sflag:s22] =	ssyncset.done $0x0  }
.Ltmp5:
0x78: {  	_ = 	snop;
	(pc) =	sbr.rel .LBB2_11-.Ltmp5, $1  }
0x79: {  	_ =	sdelay $0x3  }
.LBB2_2:
0x7a: {  	[tilespmem:s24], [sflag:$0x2] =	stream.linear.gather [hbm4b:s11+s24], $0x5000, $0x38;
	[tilespmem:$0xA800] =	vst v63  }
0x7b: {  	_ =	swait.ge [sflag:s18], $0x5000  }
0x7c: {  	[sflag:s18] =	ssyncset.done $0x0  }
0x7d: {  	[sflag:s18] =	ssyncadd.s32 $0xFFFFB000  }
0x7e: {  	[tilespmem:s19], [sflag:$0x2] =	stream.linear.gather [hbm4b:s12+s24], $0x5000, $0x38;
	[tilespmem:$0xA800] =	vst v63  }
0x7f: {  	_ =	swait.ge [sflag:s18], $0x5000  }
0x80: {  	s31 =	simm.s32 $0x0;
	[sflag:s18] =	ssyncset.done $0x0  }
0x81: {  	s25 =	simm.s32 $0x5000;
	s24 =	simm.s32 $0x200;
	[sflag:s18] =	ssyncadd.s32 $0xFFFFB000  }
0x82: {  	[spmem:s2] =	stream.indirect.scatter.add.f32 [tilespmem:s21], [sflag:$0x1], $0x1, s31, s20, $0xb8;
	[tilespmem:$0xA800] =	vst v63  }
.LBB2_3:
0x83: {  	[spmem:s3] =	stream.indirect.scatter.add.f32 [tilespmem:s21], [sflag:$0x1], $0x1, s25, s20, $0xb8;
	[tilespmem:$0xA800] =	vst v63  }
0x84: {  	s25 =	smov.u32 s24;
	p1 =	sne.s32 s24, $0x13E00  }
.Ltmp6:
0x85: {  	s24 =	sadd.s32 $0x200, s24;
	(pc) =	sbr.rel @p1 .LBB2_3-.Ltmp6, $4  }
0x86: {  	_ = 	snop  }
0x87: {  	s25 =	sshra.s32 s25, $0x2  }
0x88: {  	[spmem:s2] =	stream.indirect.scatter.add.f32 [tilespmem:s21], [sflag:$0x1], $0x1, s25, s20, $0xb8;
	[tilespmem:$0xA800] =	vst v63  }
0x89: {  	s25 =	sadd.s32 $0x5000, s25  }
0x8a: {  	[spmem:s3] =	stream.indirect.scatter.add.f32 [tilespmem:s21], [sflag:$0x1], $0x1, s25, s20, $0xb8;
	[tilespmem:$0xA800] =	vst v63  }
0x8b: {  	_ =	swait.ge [sflag:s22], $0x80  }
0x8c: {  	[sflag:s22] =	ssyncset.done $0x0  }
0x8d: {  	[sflag:s22] =	ssyncadd.s32 $0xFFFFFF80  }
0x8e: {  	_ =	swait.ge [sflag:s22], $0x80  }
0x8f: {  	s24 =	simm.s32 $0x9F;
	[sflag:s22] =	ssyncset.done $0x0  }
.LBB2_5:
0x90: {  	p1 =	seq.s32 s24, $0x1;
	s24 =	sadd.s32 $0xFFFFFFFF, s24;
	[sflag:s22] =	ssyncadd.s32 $0xFFFFFF80  }
.Ltmp7:
0x91: {  	_ =	swait.ge [sflag:s22], $0x80;
	(pc) =	sbr.rel @!p1 .LBB2_5-.Ltmp7, $4  }
0x92: {  	[sflag:s22] =	ssyncset.done $0x0  }
0x93: {  	[sflag:s22] =	ssyncadd.s32 $0xFFFFFF80  }
0x94: {  	_ =	swait.ge [sflag:s22], $0x80  }
0x95: {  	[sflag:s22] =	ssyncset.done $0x0  }
.Ltmp8:
0x96: {  	(pc) =	sbr.rel .LBB2_12-.Ltmp8, $2  }
0x97: {  	_ =	sdelay $0x2  }
0x98: {  	[sflag:s22] =	ssyncadd.s32 $0xFFFFFF80;
	s25 =	smov.u32 s5;
	s24 =	smov.u32 s6  }
.LBB2_13:
0x99: {  	_ =	sfence.sel $0x180000  }
0x9a: {  	[bflag:$0x0] =	sbarrier.arrive $0xFFFF  }
0x9b: {  	p0 =	sne.s32 s1, $0x0;
	_ =	strace $0x90000047  }
0x9c: {  	s0 =	sadd.s32 @!p0 $0x100000, s0;
	[bflag:$0x2] =	sbarrier.arrive $0xFFFF  }
0x9d: {  	[sflag:s0] =	ssyncadd.tile.s32 @!p0 $0x1;
	_ =	shalt  }
.Lfunc_end2:
_tile_overlayer_lowered:
.L_overlay_start_2:
0x9e: {  	(tag) =	ssettag $0x2  }
0x9f: {  	s0 =	rddreg [dreg:$0x0];
	s2 =	stileid.u32  }
0xa0: {  	s1 =	rddreg [dreg:$0x1];
	p0 =	sne.s32 s2, $0x0  }
0xa1: {  	s3 =	rddreg [dreg:$0x2];
	[bflag:$0x3] =	sbarrier.arrive $0xFFFF;
	s2 =	simm.s32 @!p0 $0x1C02  }
0xa2: {  	[timem:s3], [sflag:s2] =	dma.local @!p0 [hbm:s0], s1  }
0xa3: {  	s0 =	simm.s32 @!p0 $0x2  }
0xa4: {  	_ =	swait.ge @!p0 [sflag:s0], s1  }
0xa5: {  	s1 =	ssub.s32 @!p0 $0x0, s1;
	[sflag:s0] =	ssyncset.done @!p0 $0x0  }
0xa6: {  	[sflag:s0] =	ssyncadd.s32 @!p0 s1  }
0xa7: {  	[bflag:$0x3] =	sbarrier.arrive $0xFFFF  }
0xa8: {  	_ =	shalt  }

// kernel: kernel.9.cloned.1.call-start
scs
__scs_entry_jumppad:
0x0: {  	(pc) =	sbr.rel $0x88, $3  }
0x1: {  	(tag) =	ssettag $0x0;
	lr =	simm.s32 $0x1  }
0x2: {  	[smem:$0x3F98] =	sst lr;
	_ =	strace $0xD0000000  }
0x3: {  	_ = 	snop  }
0x4: {  	_ = 	snop  }
0x5: {  	_ = 	snop  }
0x6: {  	_ = 	snop  }
0x7: {  	_ = 	snop  }
__scs_overlays_trampoline_lowered:
0x8: {  	[smem:$0x3FA7] =	sst s0  }
0x9: {  	[smem:$0x3FA8] =	sst s1  }
0xa: {  	[smem:$0x3FA9] =	sst s2  }
0xb: {  	[smem:$0x3FAA] =	sst s3  }
0xc: {  	[smem:$0x3FAB] =	sst s4  }
0xd: {  	[smem:$0x3FAC] =	sst s5  }
0xe: {  	[smem:$0x3FAD] =	sst s6  }
0xf: {  	[smem:$0x3FAE] =	sst s7  }
0x10: {  	[smem:$0x3FAF] =	sst s8  }
0x11: {  	[smem:$0x3FB0] =	sst s9;
	s0 =	simm.s32 @!p0 $0x0  }
0x12: {  	s1 =	sld [smem:$0x3F96];
	s0 =	simm.s32 @p0 $0x1  }
0x13: {  	[smem:$0x3FB1] =	sst s0;
	s0 =	simm.s32 @!p1 $0x0  }
0x14: {  	s2 =	sld [smem:$0x3F95];
	s0 =	simm.s32 @p1 $0x1  }
0x15: {  	[smem:$0x3FB2] =	sst s0;
	s0 =	simm.s32 @!p2 $0x0  }
0x16: {  	s3 =	sld [smem:$0x3FDB];
	s0 =	simm.s32 @p2 $0x1  }
0x17: {  	s4 =	simm.s32 $0x1BF5;
	[smem:$0x3FB4] =	sst s0  }
0x18: {  	s0 =	sld [smem:$0x3F97];
	_ =	swait.ge [sflag:s4], $0x0  }
0x19: {  	s7 =	sld [smem:$0x3F98]  }
0x1a: {  	s8 =	sadd.s32 $0xFFFFE003, lr  }
0x1b: {  	s9 =	sadd.s32 $0xFFFFFEF7, lr;
	s5 =	simm.s32 $0xFFFFFFFF;
	p2 =	slt.u32 s8, $0xFFFFF086  }
0x1c: {  	p1 =	slt.u32 s9, $0xF7A;
	s5 =	simm.s32 @!p2 $0x0  }
0x1d: {  	s5 =	simm.s32 @p1 $0x1;
	p0 =	seq.s32 s7, s2  }
0x1e: {  	s7 =	smul.u32 @!p0 $0xF7A, s2;
	p2 =	seq.s32 @!p0 s5, $0x0  }
0x1f: {  	s9 =	smul.u32 $0xF7A, s1;
	s8 =	simm.s32 @!p0 $0x1BF5;
	p2 =	por !p2, p0  }
0x20: {  	[sflag:s8] =	ssyncset.s32 @!p0 $0xFFFFF086;
	s6 =	sadd.s32 @!p0 s3, s7;
	s7 =	simm.s32 @!p0 $0x108  }
0x21: {  	s3 =	sadd.s32 s3, s9;
	s6 =	sadd.s32 @!p0 $0x88, s6;
	s7 =	simm.s32 @p2 $0x1082  }
0x22: {  	[simem:s7], [sflag:s8] =	dma.local @!p0 [hbm:s6], $0xF7A  }
0x23: {  	s9 =	sor.u32 $0xD0000000, s2;
	s6 =	simm.s32 $0x108;
	_ =	swait.ge @!p0 [sflag:s8], $0x0  }
0x24: {  	s3 =	sadd.s32 $0x88, s3;
	s6 =	simm.s32 @!p1 $0x1082;
	[sflag:s4] =	ssyncset.s32 $0xFFFFF086  }
0x25: {  	[simem:s6], [sflag:s4] =	dma.local [hbm:s3], $0xF7A  }
0x26: {  	[smem:$0x3F98] =	sst s1;
	(tag) =	ssettag s2;
	_ =	strace s9  }
0x27: {  	s1 =	sld [smem:$0x3FA8]  }
0x28: {  	s2 =	sld [smem:$0x3FA9]  }
0x29: {  	s4 =	sld [smem:$0x3FAB]  }
0x2a: {  	p0 =	seq.s32 s5, $0x0;
	s5 =	sld [smem:$0x3FAC]  }
0x2b: {  	s6 =	sld [smem:$0x3FAD]  }
0x2c: {  	s7 =	sld [smem:$0x3FAE]  }
0x2d: {  	s3 =	simm.s32 $0x108;
	s8 =	sld [smem:$0x3FAF]  }
0x2e: {  	s3 =	simm.s32 @!p0 $0x1082;
	s9 =	sld [smem:$0x3FB0]  }
0x2f: {  	lr =	sadd.s32 s0, s3;
	s0 =	sld [smem:$0x3FA7]  }
0x30: {  	s3 =	sld [smem:$0x3FAA]  }
0x31: {  	[smem:$0x3FB3] =	sst s10  }
0x32: {  	s10 =	sld [smem:$0x3FB1];
	_ =	sdelay $0x3  }
0x33: {  	p0 =	seq.s32 s10, $0x1;
	s10 =	sld [smem:$0x3FB3];
	_ =	sdelay $0x3  }
0x34: {  	[smem:$0x3FB3] =	sst s10  }
0x35: {  	s10 =	sld [smem:$0x3FB2];
	_ =	sdelay $0x3  }
0x36: {  	p1 =	seq.s32 s10, $0x1;
	s10 =	sld [smem:$0x3FB3];
	_ =	sdelay $0x3  }
0x37: {  	[smem:$0x3FB3] =	sst s10  }
0x38: {  	s10 =	sld [smem:$0x3FB4]  }
0x39: {  	_ = 	snop;
	(pc) =	sbr.ind lr, $3  }
0x3a: {  	_ = 	snop  }
0x3b: {  	_ = 	snop  }
0x3c: {  	p2 =	seq.s32 s10, $0x1;
	s10 =	sld [smem:$0x3FB3]  }
0x3d: {  	_ =	shalt  }
0x3e: {  	_ =	shalt  }
0x3f: {  	_ =	shalt  }
0x40: {  	_ =	shalt  }
0x41: {  	_ =	shalt  }
0x42: {  	_ =	shalt  }
0x43: {  	_ =	shalt  }
0x44: {  	_ =	shalt  }
0x45: {  	_ =	shalt  }
0x46: {  	_ =	shalt  }
0x47: {  	_ =	shalt  }
0x48: {  	_ =	shalt  }
0x49: {  	_ =	shalt  }
0x4a: {  	_ =	shalt  }
0x4b: {  	_ =	shalt  }
0x4c: {  	_ =	shalt  }
0x4d: {  	_ =	shalt  }
0x4e: {  	_ =	shalt  }
0x4f: {  	_ =	shalt  }
0x50: {  	_ =	shalt  }
0x51: {  	_ =	shalt  }
0x52: {  	_ =	shalt  }
0x53: {  	_ =	shalt  }
0x54: {  	_ =	shalt  }
0x55: {  	_ =	shalt  }
0x56: {  	_ =	shalt  }
0x57: {  	_ =	shalt  }
0x58: {  	_ =	shalt  }
0x59: {  	_ =	shalt  }
0x5a: {  	_ =	shalt  }
0x5b: {  	_ =	shalt  }
0x5c: {  	_ =	shalt  }
0x5d: {  	_ =	shalt  }
0x5e: {  	_ =	shalt  }
0x5f: {  	_ =	shalt  }
0x60: {  	_ =	shalt  }
0x61: {  	_ =	shalt  }
0x62: {  	_ =	shalt  }
0x63: {  	_ =	shalt  }
0x64: {  	_ =	shalt  }
0x65: {  	_ =	shalt  }
0x66: {  	_ =	shalt  }
0x67: {  	_ =	shalt  }
0x68: {  	_ =	shalt  }
0x69: {  	_ =	shalt  }
0x6a: {  	_ =	shalt  }
0x6b: {  	_ =	shalt  }
0x6c: {  	_ =	shalt  }
0x6d: {  	_ =	shalt  }
0x6e: {  	_ =	shalt  }
0x6f: {  	_ =	shalt  }
0x70: {  	_ =	shalt  }
0x71: {  	_ =	shalt  }
0x72: {  	_ =	shalt  }
0x73: {  	_ =	shalt  }
0x74: {  	_ =	shalt  }
0x75: {  	_ =	shalt  }
0x76: {  	_ =	shalt  }
0x77: {  	_ =	shalt  }
0x78: {  	_ =	shalt  }
0x79: {  	_ =	shalt  }
0x7a: {  	_ =	shalt  }
0x7b: {  	_ =	shalt  }
0x7c: {  	_ =	shalt  }
0x7d: {  	_ =	shalt  }
0x7e: {  	_ =	shalt  }
0x7f: {  	_ =	shalt  }
0x80: {  	_ =	shalt  }
0x81: {  	_ =	shalt  }
0x82: {  	_ =	shalt  }
0x83: {  	_ =	shalt  }
0x84: {  	_ =	shalt  }
0x85: {  	_ =	shalt  }
0x86: {  	_ =	shalt  }
0x87: {  	_ =	shalt  }
.Lfunc_end0:
.L_simem_size_0:
called_computation.1_lowered:
.L_overlay_start_0:
0x88: {  	s2 =	sld [smem:$0x3FD9]  }
0x89: {  	s3 =	sld [smem:$0x3FFE];
	_ =	sdelay $0x1  }
0x8a: {  	s1 =	srdreg.scid  }
0x8b: {  	s0 =	sand.u32 $0x1, s1  }
0x8c: {  	s17 =	sshll.u32 s0, $0xA;
	s2 =	sadd.s32 s3, s2  }
0x8d: {  	s2 =	sadd.s32 s2, s17  }
0x8e: {  	[smem:$0x3FBF] =	sst s2  }
0x8f: {  	_ = 	snop  }
0x90: {  	s2 =	sld [smem:$0x3FD0];
	(tm) =	ssettm $0x1  }
0x91: {  	s18 =	sld [smem:$0x3FFB];
	_ =	sdelay $0x3  }
0x92: {  	_ =	strace s18  }
0x93: {  	s3 =	sld [smem:$0x3FFC];
	_ =	sdelay $0x3  }
0x94: {  	_ =	strace s3  }
0x95: {  	s3 =	sld [smem:$0x3FFD];
	_ =	sdelay $0x3  }
0x96: {  	_ =	strace s3  }
0x97: {  	_ =	strace $0x8FFFFFFF  }
0x98: {  	s19 =	sld [smem:$0x3FDB];
	_ =	sdelay $0x1  }
0x99: {  	s4 =	simm.s32 $_scs_section_size  }
0x9a: {  	s5 =	simm.s32 $_size__tile_overlayer_lowered;
	s6 =	simm.s32 $_tile_overlayer_lowered  }
0x9b: {  	s22 =	simm.s32 $0x1BFF;
	s21 =	sshll.u32 s6, $0x1;
	s3 =	sadd.s32 s4, s19  }
0x9c: {  	s7 =	simm.s32 $0x0;
	s20 =	sshll.u32 s5, $0x1;
	s5 =	sadd.s32 s21, s3  }
0x9d: {  	[timem:s7], [sflag:s22] =	dma.local [hbm:s5], s20  }
0x9e: {  	_ =	swait.ge [sflag:s22], s20  }
0x9f: {  	s4 =	ssub.s32 $0x0, s20;
	[sflag:s22] =	ssyncset.done $0x0  }
0xa0: {  	[sflag:s22] =	ssyncadd.s32 s4;
	_ =	sdelay $0x1  }
0xa1: {  	s23 =	simm.s32 $0x1B8B  }
0xa2: {  	_ =	swait.ge [sflag:s23], $0x1  }
0xa3: {  	[sflag:s23] =	ssyncset.done $0x0  }
0xa4: {  	s25 =	simm.s32 $0x1B8E;
	s24 =	sld [smem:$0x3FFE];
	[sflag:s23] =	ssyncadd.s32 $0xFFFFFFFF  }
0xa5: {  	s26 =	simm.s32 $execute0_lowered;
	[smem:$0x3FD2] =	sst s25  }
0xa6: {  	s5 =	sshll.u32 s26, $0x1;
	_ =	strace $0x80000049;
	[dreg:$0x1] =	wrdreg $0xFFFFFFFF  }
0xa7: {  	s28 =	simm.s32 $_size_execute0_lowered;
	s3 =	sadd.s32 s3, s5;
	[dreg:$0x0] =	wrdreg $0x0  }
0xa8: {  	s5 =	sshll.u32 s28, $0x1;
	[dreg:$0x2] =	wrdreg s3  }
0xa9: {  	[dreg:$0x3] =	wrdreg s5  }
0xaa: {  	[dreg:$0x4] =	wrdreg $0xC0  }
0xab: {  	_ =	task [dreg:s7], $0x5FFFF  }
0xac: {  	[dreg:$0x1] =	wrdreg $0xFFFFFFFF  }
0xad: {  	[dreg:$0x0] =	wrdreg $0x60  }
0xae: {  	[dreg:$0x2] =	wrdreg s24  }
0xaf: {  	[dreg:$0x3] =	wrdreg s2  }
0xb0: {  	[dreg:$0x4] =	wrdreg $0xA0000  }
0xb1: {  	[dreg:$0x5] =	wrdreg $0x9  }
0xb2: {  	_ =	task.clear_ibuf [dreg:s7], $0x6FFFF;
	_ =	strace $0x90000049  }
0xb3: {  	s29 =	simm.s32 $0x9;
	_ =	strace $0x8000004B  }
0xb4: {  	_ =	swait.ge [sflag:s29], $0x1  }
0xb5: {  	[sflag:s29] =	ssyncadd.s32 $0xFFFFFFFF  }
0xb6: {  	_ =	strace $0x9000004B  }
0xb7: {  	_ =	sfence  }
0xb8: {  	s30 =	sld [smem:$0x0];
	_ =	sdelay $0x2  }
0xb9: {  	s31 =	sshll.u32 s1, $0xD;
	s1 =	sshrl.u32 s1, $0x2  }
0xba: {  	s3 =	sand.u32 $0x4000, s31;
	s1 =	sadd.s32 s1, s30  }
0xbb: {  	s0 =	sor.u32 s3, s0;
	s1 =	sshll.u32 s1, $0x11  }
0xbc: {  	s0 =	sor.u32 s1, s0  }
0xbd: {  	s0 =	sadd.s32 $0x8F2B, s0  }
0xbe: {  	[sflag:s0] =	ssyncadd.remote.s32 $0x1  }
0xbf: {  	_ =	sfence.sel $0xFFFF  }
0xc0: {  	[dreg:$0x0] =	wrdreg $0xFFFFFFFF;
	(pc) =	sbr.abs _section_cstart, $3  }
0xc1: {  	[dreg:$0x1] =	wrdreg $0xFFFFFFFF  }
0xc2: {  	_ =	task.clear_ibuf [dreg:s7], $0x2FFFF;
	_ =	strace $0x9FFFFFFF  }
0xc3: {  	(tm) =	ssettm $0x7FFFFFFF  }
tec
execute0_lowered:
.L_overlay_start_1:
0x0: {  	(tag) =	ssettag $0x1  }
0x1: {  	s0 =	rddreg [dreg:$0x0]  }
0x2: {  	s1 =	rddreg [dreg:$0x1]  }
0x3: {  	s2 =	rddreg [dreg:$0x2];
	s3 =	simm.s32 $0x0  }
0x4: {  	s5 =	srdreg.scid;
	s20 =	stileid.u32;
	s28 =	simm.s32 $0x80  }
0x5: {  	s29 =	simm.s32 $0x6000;
	s30 =	simm.s32 $0x1;
	s31 =	simm.s32 $0x2  }
0x6: {  	[smem:$0x7FF] =	sst s3;
	s4 =	sadd.s32 $0x21E00, s0;
	s6 =	sadd.s32 $0x49E00, s0  }
0x7: {  	s7 =	sadd.s32 $0x16600, s0;
	s8 =	sadd.s32 $0x2600, s0;
	s9 =	sadd.s32 $0xC600, s0  }
0x8: {  	s5 =	sand.u32 $0x1, s5;
	s10 =	smul.u32 $0x280, s20;
	s11 =	sadd.s32 $0x71E00, s0  }
0x9: {  	s0 =	sadd.s32 $0x99E00, s0;
	_ =	strace $0x8000004A;
	[dreg:$0x4] =	wrdreg s11  }
0xa: {  	s12 =	smul.u32 $0x50000, s20;
	s25 =	ssub.s32 $0x2, s5;
	[dreg:$0x5] =	wrdreg s0  }
0xb: {  	p0 =	seq.s32 s5, $0x1;
	s5 =	simm.s32 $0x1F00;
	s11 =	simm.s32 $0x0  }
0xc: {  	s26 =	sshrl.u32 s25, $0x1;
	s18 =	sadd.s32 $0x80, s10;
	s12 =	sshrl.u32 s12, $0x2  }
0xd: {  	s19 =	sadd.s32 $0x180, s10;
	s0 =	ssub.s32 s25, s26;
	s13 =	sshll.u32 s18, $0x7  }
0xe: {  	s22 =	sadd.s32 s12, s2;
	s15 =	sshll.u32 s19, $0x7;
	s21 =	sshll.u32 s18, $0x4  }
0xf: {  	s25 =	sshll.u32 s19, $0x4;
	s23 =	sadd.s32 s13, s2;
	s13 =	sadd.s32 $0x100, s10  }
0x10: {  	s10 =	sadd.s32 $0x200, s10;
	s15 =	sadd.s32 s15, s2;
	[dreg:$0x8] =	wrdreg s21  }
0x11: {  	[dreg:$0xa] =	wrdreg s25;
	s0 =	smax.u32 s0, $0x1;
	s25 =	simm.s32 $0x3  }
0x12: {  	s14 =	sshll.u32 s13, $0x7;
	s16 =	sshll.u32 s10, $0x7;
	s24 =	sshll.u32 s13, $0x4  }
.Ltmp0:
0x13: {  	[dreg:$0xc] =	wrdreg s0;
	s17 =	sadd.s32 s14, s2;
	(pc) =	sbr.rel .LBB2_1-.Ltmp0, $4  }
0x14: {  	s26 =	sshll.u32 s10, $0x4;
	[dreg:$0x6] =	wrdreg s17;
	s17 =	smul.u32 $0x5000, s20  }
0x15: {  	s0 =	simm.s32 $0xF80;
	[dreg:$0x9] =	wrdreg s24;
	s20 =	smul.u32 $0x2800, s20  }
0x16: {  	s10 =	simm.s32 $0x1F80;
	s16 =	sadd.s32 s16, s2;
	[dreg:$0xb] =	wrdreg s26  }
0x17: {  	v0 =	vimm.f32 $0.0e+00;
	s24 =	simm.s32 $0x2000;
	s26 =	simm.s32 $0x1000;
	[dreg:$0x7] =	wrdreg s20  }
.LBB2_12:
0x18: {  	[bflag:$0x0] =	sbarrier.arrive $0xFFFF  }
0x19: {  	[tilespmem:s24], [sflag:$0x3] =	stream.linear.gather [spmem:s13], $0x4000, $0x38;
	[tilespmem:$0x1E000] =	vst v63  }
0x1a: {  	_ =	swait.ge [sflag:s25], $0x4000  }
0x1b: {  	[sflag:s25] =	ssyncset.done $0x0;
	s12 =	rddreg [dreg:$0x7]  }
0x1c: {  	s12 =	sadd.s32 s18, s12;
	[sflag:s25] =	ssyncadd.s32 $0xFFFFC000  }
0x1d: {  	[hbm4b:s12+s3] =	stream.linear.scatter [tilespmem:s24], [sflag:$0x3], $0x4000, $0x38;
	[tilespmem:$0x1E000] =	vst v63  }
0x1e: {  	_ =	swait.ge [sflag:s25], $0x4000  }
0x1f: {  	[sflag:s25] =	ssyncset.done $0x0  }
0x20: {  	[sflag:s25] =	ssyncadd.s32 $0xFFFFC000  }
0x21: {  	[tilespmem:s24], [sflag:$0x3] =	stream.linear.gather [spmem:s14], $0x4000, $0x38;
	[tilespmem:$0x1E000] =	vst v63  }
0x22: {  	_ =	swait.ge [sflag:s25], $0x4000  }
0x23: {  	[sflag:s25] =	ssyncset.done $0x0;
	s21 =	rddreg [dreg:$0x8]  }
0x24: {  	s12 =	sadd.s32 s18, s21;
	[sflag:s25] =	ssyncadd.s32 $0xFFFFC000  }
0x25: {  	[hbm4b:s12+s3] =	stream.linear.scatter [tilespmem:s24], [sflag:$0x3], $0x4000, $0x38;
	[tilespmem:$0x1E000] =	vst v63  }
0x26: {  	_ =	swait.ge [sflag:s25], $0x4000  }
0x27: {  	[sflag:s25] =	ssyncset.done $0x0  }
0x28: {  	s22 =	smov.u32 s13;
	s13 =	rddreg [dreg:$0x6];
	[sflag:s25] =	ssyncadd.s32 $0xFFFFC000  }
0x29: {  	[tilespmem:s24], [sflag:$0x3] =	stream.linear.gather [spmem:s13], $0x4000, $0x38;
	[tilespmem:$0x1E000] =	vst v63  }
0x2a: {  	_ =	swait.ge [sflag:s25], $0x4000  }
0x2b: {  	s23 =	smov.u32 s14;
	[sflag:s25] =	ssyncset.done $0x0;
	s14 =	rddreg [dreg:$0x9]  }
0x2c: {  	s12 =	sadd.s32 s18, s14;
	[sflag:s25] =	ssyncadd.s32 $0xFFFFC000  }
0x2d: {  	[hbm4b:s12+s3] =	stream.linear.scatter [tilespmem:s24], [sflag:$0x3], $0x4000, $0x38;
	[tilespmem:$0x1E000] =	vst v63  }
0x2e: {  	_ =	swait.ge [sflag:s25], $0x4000  }
0x2f: {  	[sflag:s25] =	ssyncset.done $0x0  }
0x30: {  	[sflag:s25] =	ssyncadd.s32 $0xFFFFC000  }
0x31: {  	[tilespmem:s24], [sflag:$0x3] =	stream.linear.gather [spmem:s15], $0x4000, $0x38;
	[tilespmem:$0x1E000] =	vst v63  }
0x32: {  	_ =	swait.ge [sflag:s25], $0x4000  }
0x33: {  	[sflag:s25] =	ssyncset.done $0x0;
	s19 =	rddreg [dreg:$0xa]  }
0x34: {  	s12 =	sadd.s32 s18, s19;
	[sflag:s25] =	ssyncadd.s32 $0xFFFFC000  }
0x35: {  	[hbm4b:s12+s3] =	stream.linear.scatter [tilespmem:s24], [sflag:$0x3], $0x4000, $0x38;
	[tilespmem:$0x1E000] =	vst v63  }
0x36: {  	_ =	swait.ge [sflag:s25], $0x4000  }
0x37: {  	[sflag:s25] =	ssyncset.done $0x0  }
0x38: {  	[sflag:s25] =	ssyncadd.s32 $0xFFFFC000  }
0x39: {  	[tilespmem:s24], [sflag:$0x3] =	stream.linear.gather [spmem:s16], $0x4000, $0x38;
	[tilespmem:$0x1E000] =	vst v63  }
0x3a: {  	_ =	swait.ge [sflag:s25], $0x4000  }
0x3b: {  	[sflag:s25] =	ssyncset.done $0x0;
	s20 =	rddreg [dreg:$0xb]  }
0x3c: {  	s12 =	sadd.s32 s18, s20;
	[sflag:s25] =	ssyncadd.s32 $0xFFFFC000  }
0x3d: {  	[hbm4b:s12+s3] =	stream.linear.scatter [tilespmem:s24], [sflag:$0x3], $0x4000, $0x38;
	[tilespmem:$0x1E000] =	vst v63  }
0x3e: {  	_ =	swait.ge [sflag:s25], $0x4000  }
0x3f: {  	s11 =	sadd.s32 $0x1, s11;
	s21 =	rddreg [dreg:$0xc]  }
0x40: {  	p1 =	sne.s32 s11, s21  }
.Ltmp1:
0x41: {  	_ = 	snop;
	(pc) =	sbr.rel @!p1 .LBB2_13-.Ltmp1, $3  }
0x42: {  	_ =	sdelay $0x1  }
0x43: {  	[sflag:s25] =	ssyncset.done $0x0  }
0x44: {  	[sflag:s25] =	ssyncadd.s32 $0xFFFFC000  }
.LBB2_1:
0x45: {  	s18 =	sand.u32 $0xFE00, s3  }
0x46: {  	s19 =	sand.u32 $0x70, s3;
	s20 =	sshrl.u32 s18, $0x2  }
0x47: {  	s18 =	simm.s32 $0x40;
	s20 =	sor.u32 s19, s20;
	s19 =	simm.s32 $0x0  }
.LBB2_2:
0x48: {  	p1 =	sne.s32 s18, $0xFFC0  }
0x49: {  	[tilespmem:s20+$0x2000] =	vst v0;
	s19 =	sadd.s32 $0x10, s19;
	s20 =	smov.u32 s18;
	s18 =	sadd.s32 $0x40, s18  }
.Ltmp2:
0x4a: {  	(pc) =	sbr.rel @p1 .LBB2_2-.Ltmp2, $4  }
0x4b: {  	_ = 	snop  }
0x4c: {  	s20 =	sand.u32 $0xFE00, s20  }
0x4d: {  	s21 =	sand.u32 $0x70, s19;
	s20 =	sshrl.u32 s20, $0x2  }
0x4e: {  	s20 =	sor.u32 s21, s20  }
0x4f: {  	[tilespmem:s20+$0x2000] =	vst v0  }
0x50: {  	[spmem:s22] =	stream.linear.scatter [tilespmem:s24], [sflag:$0x3], $0x4000, $0x38;
	[tilespmem:$0x1E000] =	vst v63  }
0x51: {  	_ =	swait.ge [sflag:s25], $0x4000  }
0x52: {  	[sflag:s25] =	ssyncset.done $0x0  }
0x53: {  	[sflag:s25] =	ssyncadd.s32 $0xFFFFC000  }
0x54: {  	[spmem:s23] =	stream.linear.scatter [tilespmem:s24], [sflag:$0x3], $0x4000, $0x38;
	[tilespmem:$0x1E000] =	vst v63  }
0x55: {  	_ =	swait.ge [sflag:s25], $0x4000  }
0x56: {  	[sflag:s25] =	ssyncset.done $0x0  }
0x57: {  	s12 =	rddreg [dreg:$0x6];
	[sflag:s25] =	ssyncadd.s32 $0xFFFFC000  }
0x58: {  	[spmem:s12] =	stream.linear.scatter [tilespmem:s24], [sflag:$0x3], $0x4000, $0x38;
	[tilespmem:$0x1E000] =	vst v63  }
0x59: {  	_ =	swait.ge [sflag:s25], $0x4000  }
0x5a: {  	[sflag:s25] =	ssyncset.done $0x0  }
0x5b: {  	[sflag:s25] =	ssyncadd.s32 $0xFFFFC000  }
0x5c: {  	[spmem:s15] =	stream.linear.scatter [tilespmem:s24], [sflag:$0x3], $0x4000, $0x38;
	[tilespmem:$0x1E000] =	vst v63  }
0x5d: {  	_ =	swait.ge [sflag:s25], $0x4000  }
0x5e: {  	[sflag:s25] =	ssyncset.done $0x0  }
0x5f: {  	[sflag:s25] =	ssyncadd.s32 $0xFFFFC000  }
0x60: {  	[spmem:s16] =	stream.linear.scatter [tilespmem:s24], [sflag:$0x3], $0x4000, $0x38;
	[tilespmem:$0x1E000] =	vst v63  }
.Ltmp3:
0x61: {  	_ =	swait.ge [sflag:s25], $0x4000;
	(pc) =	sbr.rel @!p0 .LBB2_4-.Ltmp3, $4  }
0x62: {  	[sflag:s25] =	ssyncset.done $0x0  }
0x63: {  	[sflag:s25] =	ssyncadd.s32 $0xFFFFC000  }
0x64: {  	s13 =	smov.u32 s22;
	s14 =	smov.u32 s23;
	[bflag:$0x0] =	sbarrier.arrive $0xFFFF  }
0x65: {  	s18 =	simm.s32 $0x0;
	s19 =	simm.s32 $0x0;
	s20 =	simm.s32 $0x0  }
.LBB2_8:
0x66: {  	s12 =	sshll.u32 s20, $0xC  }
0x67: {  	s12 =	sadd.s32 s17, s12  }
0x68: {  	s12 =	sshrl.u32 s12, $0x3  }
0x69: {  	s19 =	sadd.s32 s9, s12  }
0x6a: {  	[tilespmem:s18], [sflag:$0x3] =	stream.linear.gather [hbm4b:s19+s18], $0x1000, $0x38;
	[tilespmem:$0x1E000] =	vst v63  }
0x6b: {  	_ =	swait.ge [sflag:s25], $0x1000  }
0x6c: {  	[sflag:s25] =	ssyncset.done $0x0  }
0x6d: {  	s12 =	sadd.s32 s1, s12;
	[sflag:s25] =	ssyncadd.s32 $0xFFFFF000  }
0x6e: {  	[tilespmem:s26], [sflag:$0x3] =	stream.linear.gather [hbm4b:s12+s18], $0x1000, $0x38;
	[tilespmem:$0x1E000] =	vst v63  }
0x6f: {  	_ =	swait.ge [sflag:s25], $0x1000  }
0x70: {  	[sflag:s25] =	ssyncset.done $0x0  }
0x71: {  	[sflag:s25] =	ssyncadd.s32 $0xFFFFF000  }
0x72: {  	[tilespmem:s24], [sflag:$0x1] =	stream.indirect.gather [hbm4b:s6+s28], $0x80, s18, s28, $0xb8;
	[tilespmem:$0x1E000] =	vst v63  }
0x73: {  	s19 =	simm.s32 $0x80  }
0x74: {  	[tilespmem:s29], [sflag:$0x2] =	stream.indirect.gather [hbm4b:s6+s28], $0x80, s19, s28, $0xb8;
	[tilespmem:$0x1E000] =	vst v63  }
0x75: {  	_ =	swait.ge [sflag:s30], $0x4000  }
0x76: {  	[sflag:s30] =	ssyncset.done $0x0  }
0x77: {  	s21 =	simm.s32 $0x1000;
	[sflag:s30] =	ssyncadd.s32 $0xFFFFC000  }
0x78: {  	[spmem:s2] =	stream.indirect.scatter.add.f32 [tilespmem:s24], [sflag:$0x3], $0x80, s21, s28, $0xb8;
	[tilespmem:$0x1E000] =	vst v63  }
0x79: {  	_ =	swait.ge [sflag:s25], $0x4000  }
0x7a: {  	[sflag:s25] =	ssyncset.done $0x0  }
0x7b: {  	s22 =	simm.s32 $0x100;
	[sflag:s25] =	ssyncadd.s32 $0xFFFFC000  }
0x7c: {  	[tilespmem:s24], [sflag:$0x1] =	stream.indirect.gather [hbm4b:s6+s28], $0x80, s22, s28, $0xb8;
	[tilespmem:$0x1E000] =	vst v63  }
0x7d: {  	_ =	swait.ge [sflag:s31], $0x4000  }
0x7e: {  	[sflag:s31] =	ssyncset.done $0x0  }
0x7f: {  	s23 =	simm.s32 $0x1080;
	[sflag:s31] =	ssyncadd.s32 $0xFFFFC000  }
0x80: {  	[spmem:s2] =	stream.indirect.scatter.add.f32 [tilespmem:s29], [sflag:$0x3], $0x80, s23, s28, $0xb8;
	[tilespmem:$0x1E000] =	vst v63  }
0x81: {  	_ =	swait.ge [sflag:s25], $0x4000  }
0x82: {  	s19 =	simm.s32 $0x100;
	s21 =	simm.s32 $0x800;
	[sflag:s25] =	ssyncset.done $0x0  }
.LBB2_9:
0x83: {  	s12 =	sadd.s32 $0x80, s19  }
0x84: {  	[sflag:s25] =	ssyncadd.s32 $0xFFFFC000;
	s22 =	smov.u32 s21;
	s23 =	sadd.s32 $0x400, s21  }
0x85: {  	[tilespmem:s29], [sflag:$0x2] =	stream.indirect.gather [hbm4b:s6+s28], $0x80, s12, s28, $0xb8;
	[tilespmem:$0x1E000] =	vst v63  }
0x86: {  	p1 =	sne.s32 s21, $0x3800;
	_ =	swait.ge [sflag:s30], $0x4000  }
0x87: {  	[sflag:s30] =	ssyncset.done $0x0  }
0x88: {  	s12 =	sadd.s32 $0x1000, s19;
	[sflag:s30] =	ssyncadd.s32 $0xFFFFC000  }
0x89: {  	[spmem:s2] =	stream.indirect.scatter.add.f32 [tilespmem:s24], [sflag:$0x3], $0x80, s12, s28, $0xb8;
	[tilespmem:$0x1E000] =	vst v63  }
0x8a: {  	_ =	swait.ge [sflag:s25], $0x4000  }
0x8b: {  	[sflag:s25] =	ssyncset.done $0x0  }
0x8c: {  	s12 =	sadd.s32 $0x100, s19;
	[sflag:s25] =	ssyncadd.s32 $0xFFFFC000  }
0x8d: {  	[tilespmem:s24], [sflag:$0x1] =	stream.indirect.gather [hbm4b:s6+s28], $0x80, s12, s28, $0xb8;
	[tilespmem:$0x1E000] =	vst v63  }
0x8e: {  	_ =	swait.ge [sflag:s31], $0x4000  }
.Ltmp4:
0x8f: {  	[sflag:s31] =	ssyncset.done $0x0;
	(pc) =	sbr.rel @p1 .LBB2_9-.Ltmp4, $4  }
0x90: {  	s12 =	sadd.s32 $0x1080, s19;
	[sflag:s31] =	ssyncadd.s32 $0xFFFFC000  }
0x91: {  	[spmem:s2] =	stream.indirect.scatter.add.f32 [tilespmem:s29], [sflag:$0x3], $0x80, s12, s28, $0xb8;
	[tilespmem:$0x1E000] =	vst v63  }
0x92: {  	_ =	swait.ge [sflag:s25], $0x4000  }
0x93: {  	s21 =	smov.u32 s23;
	s19 =	sshra.s32 s22, $0x2;
	[sflag:s25] =	ssyncset.done $0x0  }
0x94: {  	s12 =	sadd.s32 $0x80, s19;
	[sflag:s25] =	ssyncadd.s32 $0xFFFFC000  }
0x95: {  	[tilespmem:s29], [sflag:$0x2] =	stream.indirect.gather [hbm4b:s6+s28], $0x80, s12, s28, $0xb8;
	[tilespmem:$0x1E000] =	vst v63  }
0x96: {  	_ =	swait.ge [sflag:s30], $0x4000  }
0x97: {  	[sflag:s30] =	ssyncset.done $0x0  }
0x98: {  	s21 =	sadd.s32 $0x1000, s19;
	[sflag:s30] =	ssyncadd.s32 $0xFFFFC000  }
0x99: {  	[spmem:s2] =	stream.indirect.scatter.add.f32 [tilespmem:s24], [sflag:$0x3], $0x80, s21, s28, $0xb8;
	[tilespmem:$0x1E000] =	vst v63  }
0x9a: {  	_ =	swait.ge [sflag:s25], $0x4000  }
0x9b: {  	[sflag:s25] =	ssyncset.done $0x0  }
0x9c: {  	s22 =	sadd.s32 $0x100, s19;
	[sflag:s25] =	ssyncadd.s32 $0xFFFFC000  }
0x9d: {  	[tilespmem:s24], [sflag:$0x1] =	stream.indirect.gather [hbm4b:s6+s28], $0x80, s22, s28, $0xb8;
	[tilespmem:$0x1E000] =	vst v63  }
0x9e: {  	_ =	swait.ge [sflag:s31], $0x4000  }
0x9f: {  	[sflag:s31] =	ssyncset.done $0x0  }
0xa0: {  	s23 =	sadd.s32 $0x1080, s19;
	[sflag:s31] =	ssyncadd.s32 $0xFFFFC000  }
0xa1: {  	[spmem:s2] =	stream.indirect.scatter.add.f32 [tilespmem:s29], [sflag:$0x3], $0x80, s23, s28, $0xb8;
	[tilespmem:$0x1E000] =	vst v63  }
0xa2: {  	_ =	swait.ge [sflag:s25], $0x4000  }
0xa3: {  	[sflag:s25] =	ssyncset.done $0x0  }
0xa4: {  	[sflag:s25] =	ssyncadd.s32 $0xFFFFC000  }
0xa5: {  	[tilespmem:s29], [sflag:$0x2] =	stream.indirect.gather [hbm4b:s6+s28], $0x80, s0, s28, $0xb8;
	[tilespmem:$0x1E000] =	vst v63  }
0xa6: {  	_ =	swait.ge [sflag:s30], $0x4000  }
0xa7: {  	[sflag:s30] =	ssyncset.done $0x0  }
0xa8: {  	[sflag:s30] =	ssyncadd.s32 $0xFFFFC000  }
0xa9: {  	[spmem:s2] =	stream.indirect.scatter.add.f32 [tilespmem:s24], [sflag:$0x3], $0x80, s5, s28, $0xb8;
	[tilespmem:$0x1E000] =	vst v63  }
0xaa: {  	_ =	swait.ge [sflag:s25], $0x4000  }
0xab: {  	[sflag:s25] =	ssyncset.done $0x0  }
0xac: {  	[sflag:s25] =	ssyncadd.s32 $0xFFFFC000  }
0xad: {  	s20 =	sadd.s32 $0x1, s20;
	_ =	swait.ge [sflag:s31], $0x4000  }
0xae: {  	p1 =	sne.s32 s20, $0x5;
	[sflag:s31] =	ssyncset.done $0x0  }
.Ltmp5:
0xaf: {  	[sflag:s31] =	ssyncadd.s32 $0xFFFFC000;
	(pc) =	sbr.rel @p1 .LBB2_8-.Ltmp5, $4  }
0xb0: {  	[spmem:s2] =	stream.indirect.scatter.add.f32 [tilespmem:s29], [sflag:$0x3], $0x80, s10, s28, $0xb8;
	[tilespmem:$0x1E000] =	vst v63  }
0xb1: {  	_ =	swait.ge [sflag:s25], $0x4000  }
0xb2: {  	[sflag:s25] =	ssyncset.done $0x0  }
0xb3: {  	[sflag:s25] =	ssyncadd.s32 $0xFFFFC000  }
.Ltmp6:
0xb4: {  	(pc) =	sbr.rel .LBB2_12-.Ltmp6, $2  }
0xb5: {  	_ =	sdelay $0x2  }
0xb6: {  	s18 =	rddreg [dreg:$0x5]  }
.LBB2_4:
0xb7: {  	s20 =	sshll.u32 s19, $0xC  }
0xb8: {  	s20 =	sadd.s32 s17, s20  }
0xb9: {  	s20 =	sshrl.u32 s20, $0x3  }
0xba: {  	s21 =	sadd.s32 s7, s20  }
0xbb: {  	[tilespmem:s18], [sflag:$0x3] =	stream.linear.gather [hbm4b:s21+s18], $0x1000, $0x38;
	[tilespmem:$0x1E000] =	vst v63  }
0xbc: {  	_ =	swait.ge [sflag:s25], $0x1000  }
0xbd: {  	[sflag:s25] =	ssyncset.done $0x0  }
0xbe: {  	s20 =	sadd.s32 s8, s20;
	[sflag:s25] =	ssyncadd.s32 $0xFFFFF000  }
0xbf: {  	[tilespmem:s26], [sflag:$0x3] =	stream.linear.gather [hbm4b:s20+s18], $0x1000, $0x38;
	[tilespmem:$0x1E000] =	vst v63  }
0xc0: {  	_ =	swait.ge [sflag:s25], $0x1000  }
0xc1: {  	[sflag:s25] =	ssyncset.done $0x0  }
0xc2: {  	[sflag:s25] =	ssyncadd.s32 $0xFFFFF000  }
0xc3: {  	[tilespmem:s24], [sflag:$0x1] =	stream.indirect.gather [hbm4b:s4+s28], $0x80, s18, s28, $0xb8;
	[tilespmem:$0x1E000] =	vst v63  }
0xc4: {  	s12 =	simm.s32 $0x80  }
0xc5: {  	[tilespmem:s29], [sflag:$0x2] =	stream.indirect.gather [hbm4b:s4+s28], $0x80, s12, s28, $0xb8;
	[tilespmem:$0x1E000] =	vst v63  }
0xc6: {  	_ =	swait.ge [sflag:s30], $0x4000  }
0xc7: {  	[sflag:s30] =	ssyncset.done $0x0  }
0xc8: {  	s21 =	simm.s32 $0x1000;
	[sflag:s30] =	ssyncadd.s32 $0xFFFFC000  }
0xc9: {  	[spmem:s2] =	stream.indirect.scatter.add.f32 [tilespmem:s24], [sflag:$0x3], $0x80, s21, s28, $0xb8;
	[tilespmem:$0x1E000] =	vst v63  }
0xca: {  	_ =	swait.ge [sflag:s25], $0x4000  }
0xcb: {  	[sflag:s25] =	ssyncset.done $0x0  }
0xcc: {  	s22 =	simm.s32 $0x100;
	[sflag:s25] =	ssyncadd.s32 $0xFFFFC000  }
0xcd: {  	[tilespmem:s24], [sflag:$0x1] =	stream.indirect.gather [hbm4b:s4+s28], $0x80, s22, s28, $0xb8;
	[tilespmem:$0x1E000] =	vst v63  }
0xce: {  	_ =	swait.ge [sflag:s31], $0x4000  }
0xcf: {  	[sflag:s31] =	ssyncset.done $0x0  }
0xd0: {  	s23 =	simm.s32 $0x1080;
	[sflag:s31] =	ssyncadd.s32 $0xFFFFC000  }
0xd1: {  	[spmem:s2] =	stream.indirect.scatter.add.f32 [tilespmem:s29], [sflag:$0x3], $0x80, s23, s28, $0xb8;
	[tilespmem:$0x1E000] =	vst v63  }
0xd2: {  	_ =	swait.ge [sflag:s25], $0x4000  }
0xd3: {  	s20 =	simm.s32 $0x100;
	s21 =	simm.s32 $0x800;
	[sflag:s25] =	ssyncset.done $0x0  }
.LBB2_5:
0xd4: {  	s22 =	sadd.s32 $0x80, s20  }
0xd5: {  	[sflag:s25] =	ssyncadd.s32 $0xFFFFC000;
	s23 =	smov.u32 s21;
	s12 =	sadd.s32 $0x400, s21  }
0xd6: {  	[tilespmem:s29], [sflag:$0x2] =	stream.indirect.gather [hbm4b:s4+s28], $0x80, s22, s28, $0xb8;
	[tilespmem:$0x1E000] =	vst v63  }
0xd7: {  	p1 =	sne.s32 s21, $0x3800;
	_ =	swait.ge [sflag:s30], $0x4000  }
0xd8: {  	[sflag:s30] =	ssyncset.done $0x0  }
0xd9: {  	s21 =	sadd.s32 $0x1000, s20;
	[sflag:s30] =	ssyncadd.s32 $0xFFFFC000  }
0xda: {  	[spmem:s2] =	stream.indirect.scatter.add.f32 [tilespmem:s24], [sflag:$0x3], $0x80, s21, s28, $0xb8;
	[tilespmem:$0x1E000] =	vst v63  }
0xdb: {  	_ =	swait.ge [sflag:s25], $0x4000  }
0xdc: {  	[sflag:s25] =	ssyncset.done $0x0  }
0xdd: {  	s21 =	sadd.s32 $0x100, s20;
	[sflag:s25] =	ssyncadd.s32 $0xFFFFC000  }
0xde: {  	[tilespmem:s24], [sflag:$0x1] =	stream.indirect.gather [hbm4b:s4+s28], $0x80, s21, s28, $0xb8;
	[tilespmem:$0x1E000] =	vst v63  }
0xdf: {  	_ =	swait.ge [sflag:s31], $0x4000  }
.Ltmp7:
0xe0: {  	[sflag:s31] =	ssyncset.done $0x0;
	(pc) =	sbr.rel @p1 .LBB2_5-.Ltmp7, $4  }
0xe1: {  	s20 =	sadd.s32 $0x1080, s20;
	[sflag:s31] =	ssyncadd.s32 $0xFFFFC000  }
0xe2: {  	[spmem:s2] =	stream.indirect.scatter.add.f32 [tilespmem:s29], [sflag:$0x3], $0x80, s20, s28, $0xb8;
	[tilespmem:$0x1E000] =	vst v63  }
0xe3: {  	_ =	swait.ge [sflag:s25], $0x4000  }
0xe4: {  	s21 =	smov.u32 s12;
	s20 =	sshra.s32 s23, $0x2;
	[sflag:s25] =	ssyncset.done $0x0  }
0xe5: {  	s12 =	sadd.s32 $0x80, s20;
	[sflag:s25] =	ssyncadd.s32 $0xFFFFC000  }
0xe6: {  	[tilespmem:s29], [sflag:$0x2] =	stream.indirect.gather [hbm4b:s4+s28], $0x80, s12, s28, $0xb8;
	[tilespmem:$0x1E000] =	vst v63  }
0xe7: {  	_ =	swait.ge [sflag:s30], $0x4000  }
0xe8: {  	[sflag:s30] =	ssyncset.done $0x0  }
0xe9: {  	s21 =	sadd.s32 $0x1000, s20;
	[sflag:s30] =	ssyncadd.s32 $0xFFFFC000  }
0xea: {  	[spmem:s2] =	stream.indirect.scatter.add.f32 [tilespmem:s24], [sflag:$0x3], $0x80, s21, s28, $0xb8;
	[tilespmem:$0x1E000] =	vst v63  }
0xeb: {  	_ =	swait.ge [sflag:s25], $0x4000  }
0xec: {  	[sflag:s25] =	ssyncset.done $0x0  }
0xed: {  	s22 =	sadd.s32 $0x100, s20;
	[sflag:s25] =	ssyncadd.s32 $0xFFFFC000  }
0xee: {  	[tilespmem:s24], [sflag:$0x1] =	stream.indirect.gather [hbm4b:s4+s28], $0x80, s22, s28, $0xb8;
	[tilespmem:$0x1E000] =	vst v63  }
0xef: {  	_ =	swait.ge [sflag:s31], $0x4000  }
0xf0: {  	[sflag:s31] =	ssyncset.done $0x0  }
0xf1: {  	s23 =	sadd.s32 $0x1080, s20;
	[sflag:s31] =	ssyncadd.s32 $0xFFFFC000  }
0xf2: {  	[spmem:s2] =	stream.indirect.scatter.add.f32 [tilespmem:s29], [sflag:$0x3], $0x80, s23, s28, $0xb8;
	[tilespmem:$0x1E000] =	vst v63  }
0xf3: {  	_ =	swait.ge [sflag:s25], $0x4000  }
0xf4: {  	[sflag:s25] =	ssyncset.done $0x0  }
0xf5: {  	[sflag:s25] =	ssyncadd.s32 $0xFFFFC000  }
0xf6: {  	[tilespmem:s29], [sflag:$0x2] =	stream.indirect.gather [hbm4b:s4+s28], $0x80, s0, s28, $0xb8;
	[tilespmem:$0x1E000] =	vst v63  }
0xf7: {  	_ =	swait.ge [sflag:s30], $0x4000  }
0xf8: {  	[sflag:s30] =	ssyncset.done $0x0  }
0xf9: {  	[sflag:s30] =	ssyncadd.s32 $0xFFFFC000  }
0xfa: {  	[spmem:s2] =	stream.indirect.scatter.add.f32 [tilespmem:s24], [sflag:$0x3], $0x80, s5, s28, $0xb8;
	[tilespmem:$0x1E000] =	vst v63  }
0xfb: {  	_ =	swait.ge [sflag:s25], $0x4000  }
0xfc: {  	[sflag:s25] =	ssyncset.done $0x0  }
0xfd: {  	[sflag:s25] =	ssyncadd.s32 $0xFFFFC000  }
0xfe: {  	s19 =	sadd.s32 $0x1, s19;
	_ =	swait.ge [sflag:s31], $0x4000  }
0xff: {  	p1 =	seq.s32 s19, $0x5;
	[sflag:s31] =	ssyncset.done $0x0  }
.Ltmp8:
0x100: {  	[sflag:s31] =	ssyncadd.s32 $0xFFFFC000;
	(pc) =	sbr.rel @!p1 .LBB2_4-.Ltmp8, $4  }
0x101: {  	[spmem:s2] =	stream.indirect.scatter.add.f32 [tilespmem:s29], [sflag:$0x3], $0x80, s10, s28, $0xb8;
	[tilespmem:$0x1E000] =	vst v63  }
0x102: {  	_ =	swait.ge [sflag:s25], $0x4000  }
0x103: {  	[sflag:s25] =	ssyncset.done $0x0  }
0x104: {  	[sflag:s25] =	ssyncadd.s32 $0xFFFFC000  }
.Ltmp9:
0x105: {  	(pc) =	sbr.rel .LBB2_12-.Ltmp9, $2  }
0x106: {  	_ =	sdelay $0x2  }
0x107: {  	s18 =	rddreg [dreg:$0x4]  }
.LBB2_13:
0x108: {  	_ =	sfence.sel $0x180000  }
0x109: {  	[bflag:$0x0] =	sbarrier.arrive $0xFFFF  }
0x10a: {  	_ =	strace $0x9000004A  }
0x10b: {  	s0 =	stileid.u32;
	[bflag:$0x2] =	sbarrier.arrive $0xFFFF  }
0x10c: {  	p0 =	sne.s32 s0, $0x0;
	s0 =	rddreg [dreg:$0x3]  }
0x10d: {  	s0 =	sadd.s32 @!p0 $0x100000, s0  }
0x10e: {  	[sflag:s0] =	ssyncadd.tile.s32 @!p0 $0x1;
	_ =	shalt  }
.Lfunc_end2:
_tile_overlayer_lowered:
.L_overlay_start_2:
0x10f: {  	(tag) =	ssettag $0x2  }
0x110: {  	s0 =	rddreg [dreg:$0x0];
	s2 =	stileid.u32  }
0x111: {  	s1 =	rddreg [dreg:$0x1];
	p0 =	sne.s32 s2, $0x0  }
0x112: {  	s3 =	rddreg [dreg:$0x2];
	[bflag:$0x3] =	sbarrier.arrive $0xFFFF;
	s2 =	simm.s32 @!p0 $0x1C03  }
0x113: {  	[timem:s3], [sflag:s2] =	dma.local @!p0 [hbm:s0], s1  }
0x114: {  	s0 =	simm.s32 @!p0 $0x3  }
0x115: {  	_ =	swait.ge @!p0 [sflag:s0], s1  }
0x116: {  	s1 =	ssub.s32 @!p0 $0x0, s1;
	[sflag:s0] =	ssyncset.done @!p0 $0x0  }
0x117: {  	[sflag:s0] =	ssyncadd.s32 @!p0 s1  }
0x118: {  	[bflag:$0x3] =	sbarrier.arrive $0xFFFF  }
0x119: {  	_ =	shalt  }

</sc_bundles>
